<compile_context>
chip_gen: v7x
topology: tpu7x:2x2x1
jax: 0.10.2.dev20260603
libtpu: 0.0.44.dev20260713+nightly
codegen_flags: <defaults>
</compile_context>

<pallas_src>
import functools

import jax
import jax.numpy as jnp
from jax import lax
from jax.experimental import pallas as pl
from jax.experimental.pallas import tpu as pltpu
from jax.experimental.pallas import tpu_sc as plsc

CHUNK = 128


def _make_gather(n_chunks: int, vocab: int, dim: int):
    info = plsc.get_sparse_core_info()
    nc, ns = info.num_cores, info.num_subcores
    nw = nc * ns
    per_w = n_chunks // nw

    mesh = plsc.VectorSubcoreMesh(core_axis_name="c", subcore_axis_name="s")

    nbuf = 10
    assert per_w % nbuf == 0
    n_outer = per_w // nbuf

    @functools.partial(
        pl.kernel,
        mesh=mesh,
        out_type=jax.ShapeDtypeStruct((n_chunks * CHUNK, dim), jnp.float32),
        scratch_types=[
            pltpu.VMEM((per_w * CHUNK,), jnp.int32),
            pltpu.VMEM((nbuf, CHUNK, dim), jnp.float32),
            pltpu.SemaphoreType.DMA((nbuf,)),
            pltpu.SemaphoreType.DMA((nbuf,)),
        ],
        compiler_params=pltpu.CompilerParams(use_tc_tiling_on_sc=False),
    )
    def gather(idx_hbm, table_hbm, out_hbm, idx_v, rows_v, sem_in, sem_out):
        wid = lax.axis_index("s") * nc + lax.axis_index("c")
        base_chunk = wid * per_w
        pltpu.sync_copy(idx_hbm.at[pl.ds(base_chunk * CHUNK, per_w * CHUNK)], idx_v)

        def gather_chunk(c, b):
            return pltpu.make_async_copy(
                table_hbm.at[idx_v.at[pl.ds(c * CHUNK, CHUNK)]],
                rows_v.at[b],
                sem_in.at[b],
            )

        def write_chunk(c, b):
            return pltpu.make_async_copy(
                rows_v.at[b],
                out_hbm.at[pl.ds((base_chunk + c) * CHUNK, CHUNK)],
                sem_out.at[b],
            )

        for b in range(nbuf):
            gather_chunk(b, b).start()

        def outer(g, carry):
            for b in range(nbuf):
                c = g * nbuf + b
                gather_chunk(c, b).wait()
                write_chunk(c, b).start()
                write_chunk(c, b).wait()
                gather_chunk(c + nbuf, b).start()
            return carry

        lax.fori_loop(0, n_outer - 1, outer, 0)

        for b in range(nbuf):
            c = (n_outer - 1) * nbuf + b
            gather_chunk(c, b).wait()
            write_chunk(c, b).start()
        for b in range(nbuf):
            c = (n_outer - 1) * nbuf + b
            write_chunk(c, b).wait()

    return gather


def kernel(words, table):
    b, s = words.shape
    vocab, dim = table.shape
    n = b * s
    assert n % CHUNK == 0
    n_chunks = n // CHUNK
    idx_flat = words.reshape(n).astype(jnp.int32)
    out = _make_gather(n_chunks, vocab, dim)(idx_flat, table)
    return out.reshape(b, s, dim)

# --- scband reference (transcript-rebuilt; emitter-appended) ---
"""Pipeline reference for scband-simple-embedding-69630009802940 (READ-ONLY COPY).

The authoritative reference and input builder live on the scoring server;
editing this copy changes nothing except your own understanding.
"""

import jax, jax.numpy as jnp
import numpy as np

VOCAB = 1000000
EMBEDDING_SIZE = 64

def setup_inputs(seed: int = 0) -> dict:
    key = jax.random.key(seed)
    k1, k2 = jax.random.split(key)
    words = jax.random.randint(k1, (4096, 50), 0, VOCAB, dtype=jnp.int64 if jax.config.jax_enable_x64 else jnp.int32)
    table = jax.random.normal(k2, (VOCAB, EMBEDDING_SIZE), dtype=jnp.float32)
    return {"words": words, "table": table}

def reference(words, table):
    # Faithful to torch.nn.Embedding: row gather from the embedding matrix.
    return jnp.take(table, words, axis=0)

if __name__ == "__main__":
    import jax
    _d = setup_inputs()
    print(jax.jit(kernel)(*tuple(_d.values())))

</pallas_src>

<mosaic_0001>
#map = affine_map<(d0, d1) -> (0)>
#map1 = affine_map<(d0, d1) -> (0, 0)>
module attributes {stable_mosaic.version = 14 : i64} {
  func.func @gather(%arg0: i32, %arg1: i32, %arg2: memref<204800xi32, #tpu.memory_space<hbm>>, %arg3: memref<1000000x64xf32, #tpu.memory_space<hbm>>, %arg4: memref<204800x64xf32, #tpu.memory_space<hbm>>, %arg5: memref<6400xi32, #tpu.memory_space<vmem>>, %arg6: memref<10x128x64xf32, #tpu.memory_space<vmem>>, %arg7: memref<10x!tpu.dma_semaphore, #tpu.memory_space<semaphore_mem>>, %arg8: memref<10x!tpu.dma_semaphore, #tpu.memory_space<semaphore_mem>>) attributes {dimension_semantics = [#tpu.dimension_semantics<core_parallel>, #tpu.dimension_semantics<subcore_parallel>], iteration_bounds = array<i64: 2, 16>, scalar_prefetch = 0 : i64, scratch_operands = 4 : i64, tpu.core_type = #tpu.core_type<sc_vector_subcore>, window_params = [{transform_indices = #map}, {transform_indices = #map1}, {transform_indices = #map1}]} {
    %mul3A = arith.constant 2 : i32
    %mul3A_0 = arith.muli %arg1, %mul3A : i32
    %add3A = arith.addi %mul3A_0, %arg0 : i32
    %mul3A_1 = arith.constant 50 : i32
    %mul3A_2 = arith.muli %add3A, %mul3A_1 : i32
    %mul3A_3 = arith.constant 128 : i32
    %mul3A_4 = arith.muli %mul3A_2, %mul3A_3 : i32
    "tpu.region"() ({
      %run_scoped3A = tpu.sem_alloc : memref<!tpu.dma_semaphore, #tpu.memory_space<semaphore_mem>>
      %dma_start3A_668 = tpu.memref_slice %arg2[%mul3A_4] : memref<204800xi32, #tpu.memory_space<hbm>> -> memref<6400xi32, #tpu.memory_space<hbm>>
      %dma_start3A_669 = tpu.memref_slice %arg2[%mul3A_4] : memref<204800xi32, #tpu.memory_space<hbm>> -> memref<6400xi32, #tpu.memory_space<hbm>>
      tpu.enqueue_dma source(%dma_start3A_669 : memref<6400xi32, #tpu.memory_space<hbm>>) target(%arg5 : memref<6400xi32, #tpu.memory_space<vmem>>) target_semaphore(%run_scoped3A : memref<!tpu.dma_semaphore, #tpu.memory_space<semaphore_mem>>)
      %dma_wait3A_670 = tpu.memref_slice %arg2[%mul3A_4] : memref<204800xi32, #tpu.memory_space<hbm>> -> memref<6400xi32, #tpu.memory_space<hbm>>
      %dma_wait3A_671 = tpu.memref_slice %arg2[%mul3A_4] : memref<204800xi32, #tpu.memory_space<hbm>> -> memref<6400xi32, #tpu.memory_space<hbm>>
      tpu.wait_dma2 semaphore(%run_scoped3A : memref<!tpu.dma_semaphore, #tpu.memory_space<semaphore_mem>>) src(%dma_wait3A_671 : memref<6400xi32, #tpu.memory_space<hbm>>) dst(%arg5 : memref<6400xi32, #tpu.memory_space<vmem>>)
      tpu.yield
    }) : () -> ()
    %dma_start3A = arith.constant 0 : i32
    %dma_start3A_5 = arith.constant 0 : i32
    %dma_start3A_6 = arith.constant 0 : i32
    %dma_start3A_7 = arith.constant 0 : i32
    %dma_start3A_8 = tpu.memref_slice %arg6[%dma_start3A, %dma_start3A_6, %dma_start3A_7] : memref<10x128x64xf32, #tpu.memory_space<vmem>> -> memref<1x128x64xf32, #tpu.memory_space<vmem>>
    %dma_start3A_9 = tpu.memref_squeeze %dma_start3A_8 : memref<1x128x64xf32, #tpu.memory_space<vmem>> -> memref<128x64xf32, #tpu.memory_space<vmem>>
    %dma_start3A_10 = arith.constant 0 : i32
    %dma_start3A_11 = tpu.memref_slice %arg5[%dma_start3A_10] : memref<6400xi32, #tpu.memory_space<vmem>> -> memref<128xi32, #tpu.memory_space<vmem>>
    %dma_start3A_12 = arith.constant 0 : i32
    %dma_start3A_13 = arith.constant 0 : i32
    %dma_start3A_14 = tpu.memref_slice %arg3[%dma_start3A_12, %dma_start3A_13] : memref<1000000x64xf32, #tpu.memory_space<hbm>> -> memref<1000000x64xf32, #tpu.memory_space<hbm>>
    %dma_start3A_15 = tpu.memref_slice %arg7[%dma_start3A_5] : memref<10x!tpu.dma_semaphore, #tpu.memory_space<semaphore_mem>> -> memref<1x!tpu.dma_semaphore, #tpu.memory_space<semaphore_mem>>
    %dma_start3A_16 = tpu.memref_squeeze %dma_start3A_15 : memref<1x!tpu.dma_semaphore, #tpu.memory_space<semaphore_mem>> -> memref<!tpu.dma_semaphore, #tpu.memory_space<semaphore_mem>>
    tpu.enqueue_indirect_dma source(%dma_start3A_14 : memref<1000000x64xf32, #tpu.memory_space<hbm>>) target(%dma_start3A_9 : memref<128x64xf32, #tpu.memory_space<vmem>>) offsets(%dma_start3A_11 : memref<128xi32, #tpu.memory_space<vmem>>) semaphore(%dma_start3A_16 : memref<!tpu.dma_semaphore, #tpu.memory_space<semaphore_mem>>)
    %dma_start3A_17 = arith.constant 1 : i32
    %dma_start3A_18 = arith.constant 1 : i32
    %dma_start3A_19 = arith.constant 0 : i32
    %dma_start3A_20 = arith.constant 0 : i32
    %dma_start3A_21 = tpu.memref_slice %arg6[%dma_start3A_17, %dma_start3A_19, %dma_start3A_20] : memref<10x128x64xf32, #tpu.memory_space<vmem>> -> memref<1x128x64xf32, #tpu.memory_space<vmem>>
    %dma_start3A_22 = tpu.memref_squeeze %dma_start3A_21 : memref<1x128x64xf32, #tpu.memory_space<vmem>> -> memref<128x64xf32, #tpu.memory_space<vmem>>
    %dma_start3A_23 = arith.constant 128 : i32
    %dma_start3A_24 = tpu.memref_slice %arg5[%dma_start3A_23] : memref<6400xi32, #tpu.memory_space<vmem>> -> memref<128xi32, #tpu.memory_space<vmem>>
    %dma_start3A_25 = arith.constant 0 : i32
    %dma_start3A_26 = arith.constant 0 : i32
    %dma_start3A_27 = tpu.memref_slice %arg3[%dma_start3A_25, %dma_start3A_26] : memref<1000000x64xf32, #tpu.memory_space<hbm>> -> memref<1000000x64xf32, #tpu.memory_space<hbm>>
    %dma_start3A_28 = tpu.memref_slice %arg7[%dma_start3A_18] : memref<10x!tpu.dma_semaphore, #tpu.memory_space<semaphore_mem>> -> memref<1x!tpu.dma_semaphore, #tpu.memory_space<semaphore_mem>>
    %dma_start3A_29 = tpu.memref_squeeze %dma_start3A_28 : memref<1x!tpu.dma_semaphore, #tpu.memory_space<semaphore_mem>> -> memref<!tpu.dma_semaphore, #tpu.memory_space<semaphore_mem>>
    tpu.enqueue_indirect_dma source(%dma_start3A_27 : memref<1000000x64xf32, #tpu.memory_space<hbm>>) target(%dma_start3A_22 : memref<128x64xf32, #tpu.memory_space<vmem>>) offsets(%dma_start3A_24 : memref<128xi32, #tpu.memory_space<vmem>>) semaphore(%dma_start3A_29 : memref<!tpu.dma_semaphore, #tpu.memory_space<semaphore_mem>>)
    %dma_start3A_30 = arith.constant 2 : i32
    %dma_start3A_31 = arith.constant 2 : i32
    %dma_start3A_32 = arith.constant 0 : i32
    %dma_start3A_33 = arith.constant 0 : i32
    %dma_start3A_34 = tpu.memref_slice %arg6[%dma_start3A_30, %dma_start3A_32, %dma_start3A_33] : memref<10x128x64xf32, #tpu.memory_space<vmem>> -> memref<1x128x64xf32, #tpu.memory_space<vmem>>
    %dma_start3A_35 = tpu.memref_squeeze %dma_start3A_34 : memref<1x128x64xf32, #tpu.memory_space<vmem>> -> memref<128x64xf32, #tpu.memory_space<vmem>>
    %dma_start3A_36 = arith.constant 256 : i32
    %dma_start3A_37 = tpu.memref_slice %arg5[%dma_start3A_36] : memref<6400xi32, #tpu.memory_space<vmem>> -> memref<128xi32, #tpu.memory_space<vmem>>
    %dma_start3A_38 = arith.constant 0 : i32
    %dma_start3A_39 = arith.constant 0 : i32
    %dma_start3A_40 = tpu.memref_slice %arg3[%dma_start3A_38, %dma_start3A_39] : memref<1000000x64xf32, #tpu.memory_space<hbm>> -> memref<1000000x64xf32, #tpu.memory_space<hbm>>
    %dma_start3A_41 = tpu.memref_slice %arg7[%dma_start3A_31] : memref<10x!tpu.dma_semaphore, #tpu.memory_space<semaphore_mem>> -> memref<1x!tpu.dma_semaphore, #tpu.memory_space<semaphore_mem>>
    %dma_start3A_42 = tpu.memref_squeeze %dma_start3A_41 : memref<1x!tpu.dma_semaphore, #tpu.memory_space<semaphore_mem>> -> memref<!tpu.dma_semaphore, #tpu.memory_space<semaphore_mem>>
    tpu.enqueue_indirect_dma source(%dma_start3A_40 : memref<1000000x64xf32, #tpu.memory_space<hbm>>) target(%dma_start3A_35 : memref<128x64xf32, #tpu.memory_space<vmem>>) offsets(%dma_start3A_37 : memref<128xi32, #tpu.memory_space<vmem>>) semaphore(%dma_start3A_42 : memref<!tpu.dma_semaphore, #tpu.memory_space<semaphore_mem>>)
    %dma_start3A_43 = arith.constant 3 : i32
    %dma_start3A_44 = arith.constant 3 : i32
    %dma_start3A_45 = arith.constant 0 : i32
    %dma_start3A_46 = arith.constant 0 : i32
    %dma_start3A_47 = tpu.memref_slice %arg6[%dma_start3A_43, %dma_start3A_45, %dma_start3A_46] : memref<10x128x64xf32, #tpu.memory_space<vmem>> -> memref<1x128x64xf32, #tpu.memory_space<vmem>>
    %dma_start3A_48 = tpu.memref_squeeze %dma_start3A_47 : memref<1x128x64xf32, #tpu.memory_space<vmem>> -> memref<128x64xf32, #tpu.memory_space<vmem>>
    %dma_start3A_49 = arith.constant 384 : i32
    %dma_start3A_50 = tpu.memref_slice %arg5[%dma_start3A_49] : memref<6400xi32, #tpu.memory_space<vmem>> -> memref<128xi32, #tpu.memory_space<vmem>>
    %dma_start3A_51 = arith.constant 0 : i32
    %dma_start3A_52 = arith.constant 0 : i32
    %dma_start3A_53 = tpu.memref_slice %arg3[%dma_start3A_51, %dma_start3A_52] : memref<1000000x64xf32, #tpu.memory_space<hbm>> -> memref<1000000x64xf32, #tpu.memory_space<hbm>>
    %dma_start3A_54 = tpu.memref_slice %arg7[%dma_start3A_44] : memref<10x!tpu.dma_semaphore, #tpu.memory_space<semaphore_mem>> -> memref<1x!tpu.dma_semaphore, #tpu.memory_space<semaphore_mem>>
    %dma_start3A_55 = tpu.memref_squeeze %dma_start3A_54 : memref<1x!tpu.dma_semaphore, #tpu.memory_space<semaphore_mem>> -> memref<!tpu.dma_semaphore, #tpu.memory_space<semaphore_mem>>
    tpu.enqueue_indirect_dma source(%dma_start3A_53 : memref<1000000x64xf32, #tpu.memory_space<hbm>>) target(%dma_start3A_48 : memref<128x64xf32, #tpu.memory_space<vmem>>) offsets(%dma_start3A_50 : memref<128xi32, #tpu.memory_space<vmem>>) semaphore(%dma_start3A_55 : memref<!tpu.dma_semaphore, #tpu.memory_space<semaphore_mem>>)
    %dma_start3A_56 = arith.constant 4 : i32
    %dma_start3A_57 = arith.constant 4 : i32
    %dma_start3A_58 = arith.constant 0 : i32
    %dma_start3A_59 = arith.constant 0 : i32
    %dma_start3A_60 = tpu.memref_slice %arg6[%dma_start3A_56, %dma_start3A_58, %dma_start3A_59] : memref<10x128x64xf32, #tpu.memory_space<vmem>> -> memref<1x128x64xf32, #tpu.memory_space<vmem>>
    %dma_start3A_61 = tpu.memref_squeeze %dma_start3A_60 : memref<1x128x64xf32, #tpu.memory_space<vmem>> -> memref<128x64xf32, #tpu.memory_space<vmem>>
    %dma_start3A_62 = arith.constant 512 : i32
    %dma_start3A_63 = tpu.memref_slice %arg5[%dma_start3A_62] : memref<6400xi32, #tpu.memory_space<vmem>> -> memref<128xi32, #tpu.memory_space<vmem>>
    %dma_start3A_64 = arith.constant 0 : i32
    %dma_start3A_65 = arith.constant 0 : i32
    %dma_start3A_66 = tpu.memref_slice %arg3[%dma_start3A_64, %dma_start3A_65] : memref<1000000x64xf32, #tpu.memory_space<hbm>> -> memref<1000000x64xf32, #tpu.memory_space<hbm>>
    %dma_start3A_67 = tpu.memref_slice %arg7[%dma_start3A_57] : memref<10x!tpu.dma_semaphore, #tpu.memory_space<semaphore_mem>> -> memref<1x!tpu.dma_semaphore, #tpu.memory_space<semaphore_mem>>
    %dma_start3A_68 = tpu.memref_squeeze %dma_start3A_67 : memref<1x!tpu.dma_semaphore, #tpu.memory_space<semaphore_mem>> -> memref<!tpu.dma_semaphore, #tpu.memory_space<semaphore_mem>>
    tpu.enqueue_indirect_dma source(%dma_start3A_66 : memref<1000000x64xf32, #tpu.memory_space<hbm>>) target(%dma_start3A_61 : memref<128x64xf32, #tpu.memory_space<vmem>>) offsets(%dma_start3A_63 : memref<128xi32, #tpu.memory_space<vmem>>) semaphore(%dma_start3A_68 : memref<!tpu.dma_semaphore, #tpu.memory_space<semaphore_mem>>)
    %dma_start3A_69 = arith.constant 5 : i32
    %dma_start3A_70 = arith.constant 5 : i32
    %dma_start3A_71 = arith.constant 0 : i32
    %dma_start3A_72 = arith.constant 0 : i32
    %dma_start3A_73 = tpu.memref_slice %arg6[%dma_start3A_69, %dma_start3A_71, %dma_start3A_72] : memref<10x128x64xf32, #tpu.memory_space<vmem>> -> memref<1x128x64xf32, #tpu.memory_space<vmem>>
    %dma_start3A_74 = tpu.memref_squeeze %dma_start3A_73 : memref<1x128x64xf32, #tpu.memory_space<vmem>> -> memref<128x64xf32, #tpu.memory_space<vmem>>
    %dma_start3A_75 = arith.constant 640 : i32
    %dma_start3A_76 = tpu.memref_slice %arg5[%dma_start3A_75] : memref<6400xi32, #tpu.memory_space<vmem>> -> memref<128xi32, #tpu.memory_space<vmem>>
    %dma_start3A_77 = arith.constant 0 : i32
    %dma_start3A_78 = arith.constant 0 : i32
    %dma_start3A_79 = tpu.memref_slice %arg3[%dma_start3A_77, %dma_start3A_78] : memref<1000000x64xf32, #tpu.memory_space<hbm>> -> memref<1000000x64xf32, #tpu.memory_space<hbm>>
    %dma_start3A_80 = tpu.memref_slice %arg7[%dma_start3A_70] : memref<10x!tpu.dma_semaphore, #tpu.memory_space<semaphore_mem>> -> memref<1x!tpu.dma_semaphore, #tpu.memory_space<semaphore_mem>>
    %dma_start3A_81 = tpu.memref_squeeze %dma_start3A_80 : memref<1x!tpu.dma_semaphore, #tpu.memory_space<semaphore_mem>> -> memref<!tpu.dma_semaphore, #tpu.memory_space<semaphore_mem>>
    tpu.enqueue_indirect_dma source(%dma_start3A_79 : memref<1000000x64xf32, #tpu.memory_space<hbm>>) target(%dma_start3A_74 : memref<128x64xf32, #tpu.memory_space<vmem>>) offsets(%dma_start3A_76 : memref<128xi32, #tpu.memory_space<vmem>>) semaphore(%dma_start3A_81 : memref<!tpu.dma_semaphore, #tpu.memory_space<semaphore_mem>>)
    %dma_start3A_82 = arith.constant 6 : i32
    %dma_start3A_83 = arith.constant 6 : i32
    %dma_start3A_84 = arith.constant 0 : i32
    %dma_start3A_85 = arith.constant 0 : i32
    %dma_start3A_86 = tpu.memref_slice %arg6[%dma_start3A_82, %dma_start3A_84, %dma_start3A_85] : memref<10x128x64xf32, #tpu.memory_space<vmem>> -> memref<1x128x64xf32, #tpu.memory_space<vmem>>
    %dma_start3A_87 = tpu.memref_squeeze %dma_start3A_86 : memref<1x128x64xf32, #tpu.memory_space<vmem>> -> memref<128x64xf32, #tpu.memory_space<vmem>>
    %dma_start3A_88 = arith.constant 768 : i32
    %dma_start3A_89 = tpu.memref_slice %arg5[%dma_start3A_88] : memref<6400xi32, #tpu.memory_space<vmem>> -> memref<128xi32, #tpu.memory_space<vmem>>
    %dma_start3A_90 = arith.constant 0 : i32
    %dma_start3A_91 = arith.constant 0 : i32
    %dma_start3A_92 = tpu.memref_slice %arg3[%dma_start3A_90, %dma_start3A_91] : memref<1000000x64xf32, #tpu.memory_space<hbm>> -> memref<1000000x64xf32, #tpu.memory_space<hbm>>
    %dma_start3A_93 = tpu.memref_slice %arg7[%dma_start3A_83] : memref<10x!tpu.dma_semaphore, #tpu.memory_space<semaphore_mem>> -> memref<1x!tpu.dma_semaphore, #tpu.memory_space<semaphore_mem>>
    %dma_start3A_94 = tpu.memref_squeeze %dma_start3A_93 : memref<1x!tpu.dma_semaphore, #tpu.memory_space<semaphore_mem>> -> memref<!tpu.dma_semaphore, #tpu.memory_space<semaphore_mem>>
    tpu.enqueue_indirect_dma source(%dma_start3A_92 : memref<1000000x64xf32, #tpu.memory_space<hbm>>) target(%dma_start3A_87 : memref<128x64xf32, #tpu.memory_space<vmem>>) offsets(%dma_start3A_89 : memref<128xi32, #tpu.memory_space<vmem>>) semaphore(%dma_start3A_94 : memref<!tpu.dma_semaphore, #tpu.memory_space<semaphore_mem>>)
    %dma_start3A_95 = arith.constant 7 : i32
    %dma_start3A_96 = arith.constant 7 : i32
    %dma_start3A_97 = arith.constant 0 : i32
    %dma_start3A_98 = arith.constant 0 : i32
    %dma_start3A_99 = tpu.memref_slice %arg6[%dma_start3A_95, %dma_start3A_97, %dma_start3A_98] : memref<10x128x64xf32, #tpu.memory_space<vmem>> -> memref<1x128x64xf32, #tpu.memory_space<vmem>>
    %dma_start3A_100 = tpu.memref_squeeze %dma_start3A_99 : memref<1x128x64xf32, #tpu.memory_space<vmem>> -> memref<128x64xf32, #tpu.memory_space<vmem>>
    %dma_start3A_101 = arith.constant 896 : i32
    %dma_start3A_102 = tpu.memref_slice %arg5[%dma_start3A_101] : memref<6400xi32, #tpu.memory_space<vmem>> -> memref<128xi32, #tpu.memory_space<vmem>>
    %dma_start3A_103 = arith.constant 0 : i32
    %dma_start3A_104 = arith.constant 0 : i32
    %dma_start3A_105 = tpu.memref_slice %arg3[%dma_start3A_103, %dma_start3A_104] : memref<1000000x64xf32, #tpu.memory_space<hbm>> -> memref<1000000x64xf32, #tpu.memory_space<hbm>>
    %dma_start3A_106 = tpu.memref_slice %arg7[%dma_start3A_96] : memref<10x!tpu.dma_semaphore, #tpu.memory_space<semaphore_mem>> -> memref<1x!tpu.dma_semaphore, #tpu.memory_space<semaphore_mem>>
    %dma_start3A_107 = tpu.memref_squeeze %dma_start3A_106 : memref<1x!tpu.dma_semaphore, #tpu.memory_space<semaphore_mem>> -> memref<!tpu.dma_semaphore, #tpu.memory_space<semaphore_mem>>
    tpu.enqueue_indirect_dma source(%dma_start3A_105 : memref<1000000x64xf32, #tpu.memory_space<hbm>>) target(%dma_start3A_100 : memref<128x64xf32, #tpu.memory_space<vmem>>) offsets(%dma_start3A_102 : memref<128xi32, #tpu.memory_space<vmem>>) semaphore(%dma_start3A_107 : memref<!tpu.dma_semaphore, #tpu.memory_space<semaphore_mem>>)
    %dma_start3A_108 = arith.constant 8 : i32
    %dma_start3A_109 = arith.constant 8 : i32
    %dma_start3A_110 = arith.constant 0 : i32
    %dma_start3A_111 = arith.constant 0 : i32
    %dma_start3A_112 = tpu.memref_slice %arg6[%dma_start3A_108, %dma_start3A_110, %dma_start3A_111] : memref<10x128x64xf32, #tpu.memory_space<vmem>> -> memref<1x128x64xf32, #tpu.memory_space<vmem>>
    %dma_start3A_113 = tpu.memref_squeeze %dma_start3A_112 : memref<1x128x64xf32, #tpu.memory_space<vmem>> -> memref<128x64xf32, #tpu.memory_space<vmem>>
    %dma_start3A_114 = arith.constant 1024 : i32
    %dma_start3A_115 = tpu.memref_slice %arg5[%dma_start3A_114] : memref<6400xi32, #tpu.memory_space<vmem>> -> memref<128xi32, #tpu.memory_space<vmem>>
    %dma_start3A_116 = arith.constant 0 : i32
    %dma_start3A_117 = arith.constant 0 : i32
    %dma_start3A_118 = tpu.memref_slice %arg3[%dma_start3A_116, %dma_start3A_117] : memref<1000000x64xf32, #tpu.memory_space<hbm>> -> memref<1000000x64xf32, #tpu.memory_space<hbm>>
    %dma_start3A_119 = tpu.memref_slice %arg7[%dma_start3A_109] : memref<10x!tpu.dma_semaphore, #tpu.memory_space<semaphore_mem>> -> memref<1x!tpu.dma_semaphore, #tpu.memory_space<semaphore_mem>>
    %dma_start3A_120 = tpu.memref_squeeze %dma_start3A_119 : memref<1x!tpu.dma_semaphore, #tpu.memory_space<semaphore_mem>> -> memref<!tpu.dma_semaphore, #tpu.memory_space<semaphore_mem>>
    tpu.enqueue_indirect_dma source(%dma_start3A_118 : memref<1000000x64xf32, #tpu.memory_space<hbm>>) target(%dma_start3A_113 : memref<128x64xf32, #tpu.memory_space<vmem>>) offsets(%dma_start3A_115 : memref<128xi32, #tpu.memory_space<vmem>>) semaphore(%dma_start3A_120 : memref<!tpu.dma_semaphore, #tpu.memory_space<semaphore_mem>>)
    %dma_start3A_121 = arith.constant 9 : i32
    %dma_start3A_122 = arith.constant 9 : i32
    %dma_start3A_123 = arith.constant 0 : i32
    %dma_start3A_124 = arith.constant 0 : i32
    %dma_start3A_125 = tpu.memref_slice %arg6[%dma_start3A_121, %dma_start3A_123, %dma_start3A_124] : memref<10x128x64xf32, #tpu.memory_space<vmem>> -> memref<1x128x64xf32, #tpu.memory_space<vmem>>
    %dma_start3A_126 = tpu.memref_squeeze %dma_start3A_125 : memref<1x128x64xf32, #tpu.memory_space<vmem>> -> memref<128x64xf32, #tpu.memory_space<vmem>>
    %dma_start3A_127 = arith.constant 1152 : i32
    %dma_start3A_128 = tpu.memref_slice %arg5[%dma_start3A_127] : memref<6400xi32, #tpu.memory_space<vmem>> -> memref<128xi32, #tpu.memory_space<vmem>>
    %dma_start3A_129 = arith.constant 0 : i32
    %dma_start3A_130 = arith.constant 0 : i32
    %dma_start3A_131 = tpu.memref_slice %arg3[%dma_start3A_129, %dma_start3A_130] : memref<1000000x64xf32, #tpu.memory_space<hbm>> -> memref<1000000x64xf32, #tpu.memory_space<hbm>>
    %dma_start3A_132 = tpu.memref_slice %arg7[%dma_start3A_122] : memref<10x!tpu.dma_semaphore, #tpu.memory_space<semaphore_mem>> -> memref<1x!tpu.dma_semaphore, #tpu.memory_space<semaphore_mem>>
    %dma_start3A_133 = tpu.memref_squeeze %dma_start3A_132 : memref<1x!tpu.dma_semaphore, #tpu.memory_space<semaphore_mem>> -> memref<!tpu.dma_semaphore, #tpu.memory_space<semaphore_mem>>
    tpu.enqueue_indirect_dma source(%dma_start3A_131 : memref<1000000x64xf32, #tpu.memory_space<hbm>>) target(%dma_start3A_126 : memref<128x64xf32, #tpu.memory_space<vmem>>) offsets(%dma_start3A_128 : memref<128xi32, #tpu.memory_space<vmem>>) semaphore(%dma_start3A_133 : memref<!tpu.dma_semaphore, #tpu.memory_space<semaphore_mem>>)
    %scan3A = arith.constant 0 : i32
    %scan3A_134 = arith.constant 0 : i32
    %scan3A_135 = arith.constant 4 : i32
    %scan3A_136 = arith.addi %scan3A_134, %scan3A_135 : i32
    %scan3A_137 = arith.constant 1 : i32
    scf.for %scan3A_668 = %scan3A_134 to %scan3A_136 step %scan3A_137  : i32 {
      %mul3A_669 = arith.constant 10 : i32
      %mul3A_670 = arith.muli %scan3A_668, %mul3A_669 : i32
      %add3A_671 = arith.constant 0 : i32
      %add3A_672 = arith.addi %mul3A_670, %add3A_671 : i32
      %mul3A_673 = arith.constant 128 : i32
      %mul3A_674 = arith.muli %add3A_672, %mul3A_673 : i32
      %dma_wait3A_675 = arith.constant 0 : i32
      %dma_wait3A_676 = arith.constant 0 : i32
      %dma_wait3A_677 = arith.constant 0 : i32
      %dma_wait3A_678 = arith.constant 0 : i32
      %dma_wait3A_679 = tpu.memref_slice %arg6[%dma_wait3A_675, %dma_wait3A_677, %dma_wait3A_678] : memref<10x128x64xf32, #tpu.memory_space<vmem>> -> memref<1x128x64xf32, #tpu.memory_space<vmem>>
      %dma_wait3A_680 = tpu.memref_squeeze %dma_wait3A_679 : memref<1x128x64xf32, #tpu.memory_space<vmem>> -> memref<128x64xf32, #tpu.memory_space<vmem>>
      %dma_wait3A_681 = tpu.memref_slice %arg5[%mul3A_674] : memref<6400xi32, #tpu.memory_space<vmem>> -> memref<128xi32, #tpu.memory_space<vmem>>
      %dma_wait3A_682 = arith.constant 0 : i32
      %dma_wait3A_683 = arith.constant 0 : i32
      %dma_wait3A_684 = tpu.memref_slice %arg3[%dma_wait3A_682, %dma_wait3A_683] : memref<1000000x64xf32, #tpu.memory_space<hbm>> -> memref<1000000x64xf32, #tpu.memory_space<hbm>>
      %dma_wait3A_685 = tpu.memref_slice %arg7[%dma_wait3A_676] : memref<10x!tpu.dma_semaphore, #tpu.memory_space<semaphore_mem>> -> memref<1x!tpu.dma_semaphore, #tpu.memory_space<semaphore_mem>>
      %dma_wait3A_686 = tpu.memref_squeeze %dma_wait3A_685 : memref<1x!tpu.dma_semaphore, #tpu.memory_space<semaphore_mem>> -> memref<!tpu.dma_semaphore, #tpu.memory_space<semaphore_mem>>
      tpu.wait_indirect_dma semaphore(%dma_wait3A_686 : memref<!tpu.dma_semaphore, #tpu.memory_space<semaphore_mem>>) src(%dma_wait3A_684 : memref<1000000x64xf32, #tpu.memory_space<hbm>>) dst(%dma_wait3A_680 : memref<128x64xf32, #tpu.memory_space<vmem>>)
      %add3A_687 = arith.addi %mul3A_2, %add3A_672 : i32
      %mul3A_688 = arith.constant 128 : i32
      %mul3A_689 = arith.muli %add3A_687, %mul3A_688 : i32
      %dma_start3A_690 = arith.constant 0 : i32
      %dma_start3A_691 = arith.constant 0 : i32
      %dma_start3A_692 = arith.constant 0 : i32
      %dma_start3A_693 = arith.constant 0 : i32
      %dma_start3A_694 = tpu.memref_slice %arg6[%dma_start3A_690, %dma_start3A_692, %dma_start3A_693] : memref<10x128x64xf32, #tpu.memory_space<vmem>> -> memref<1x128x64xf32, #tpu.memory_space<vmem>>
      %dma_start3A_695 = tpu.memref_squeeze %dma_start3A_694 : memref<1x128x64xf32, #tpu.memory_space<vmem>> -> memref<128x64xf32, #tpu.memory_space<vmem>>
      %dma_start3A_696 = arith.constant 0 : i32
      %dma_start3A_697 = tpu.memref_slice %arg4[%mul3A_689, %dma_start3A_696] : memref<204800x64xf32, #tpu.memory_space<hbm>> -> memref<128x64xf32, #tpu.memory_space<hbm>>
      %dma_start3A_698 = tpu.memref_slice %arg8[%dma_start3A_691] : memref<10x!tpu.dma_semaphore, #tpu.memory_space<semaphore_mem>> -> memref<1x!tpu.dma_semaphore, #tpu.memory_space<semaphore_mem>>
      %dma_start3A_699 = tpu.memref_squeeze %dma_start3A_698 : memref<1x!tpu.dma_semaphore, #tpu.memory_space<semaphore_mem>> -> memref<!tpu.dma_semaphore, #tpu.memory_space<semaphore_mem>>
      %dma_start3A_700 = arith.constant 0 : i32
      %dma_start3A_701 = tpu.memref_slice %arg4[%mul3A_689, %dma_start3A_700] : memref<204800x64xf32, #tpu.memory_space<hbm>> -> memref<128x64xf32, #tpu.memory_space<hbm>>
      %dma_start3A_702 = arith.constant 0 : i32
      %dma_start3A_703 = arith.constant 0 : i32
      %dma_start3A_704 = tpu.memref_slice %arg6[%dma_start3A_690, %dma_start3A_702, %dma_start3A_703] : memref<10x128x64xf32, #tpu.memory_space<vmem>> -> memref<1x128x64xf32, #tpu.memory_space<vmem>>
      %dma_start3A_705 = tpu.memref_squeeze %dma_start3A_704 : memref<1x128x64xf32, #tpu.memory_space<vmem>> -> memref<128x64xf32, #tpu.memory_space<vmem>>
      tpu.enqueue_dma source(%dma_start3A_705 : memref<128x64xf32, #tpu.memory_space<vmem>>) target(%dma_start3A_701 : memref<128x64xf32, #tpu.memory_space<hbm>>) target_semaphore(%dma_start3A_699 : memref<!tpu.dma_semaphore, #tpu.memory_space<semaphore_mem>>)
      %add3A_706 = arith.addi %mul3A_2, %add3A_672 : i32
      %mul3A_707 = arith.constant 128 : i32
      %mul3A_708 = arith.muli %add3A_706, %mul3A_707 : i32
      %dma_wait3A_709 = arith.constant 0 : i32
      %dma_wait3A_710 = arith.constant 0 : i32
      %dma_wait3A_711 = arith.constant 0 : i32
      %dma_wait3A_712 = arith.constant 0 : i32
      %dma_wait3A_713 = tpu.memref_slice %arg6[%dma_wait3A_709, %dma_wait3A_711, %dma_wait3A_712] : memref<10x128x64xf32, #tpu.memory_space<vmem>> -> memref<1x128x64xf32, #tpu.memory_space<vmem>>
      %dma_wait3A_714 = tpu.memref_squeeze %dma_wait3A_713 : memref<1x128x64xf32, #tpu.memory_space<vmem>> -> memref<128x64xf32, #tpu.memory_space<vmem>>
      %dma_wait3A_715 = arith.constant 0 : i32
      %dma_wait3A_716 = tpu.memref_slice %arg4[%mul3A_708, %dma_wait3A_715] : memref<204800x64xf32, #tpu.memory_space<hbm>> -> memref<128x64xf32, #tpu.memory_space<hbm>>
      %dma_wait3A_717 = tpu.memref_slice %arg8[%dma_wait3A_710] : memref<10x!tpu.dma_semaphore, #tpu.memory_space<semaphore_mem>> -> memref<1x!tpu.dma_semaphore, #tpu.memory_space<semaphore_mem>>
      %dma_wait3A_718 = tpu.memref_squeeze %dma_wait3A_717 : memref<1x!tpu.dma_semaphore, #tpu.memory_space<semaphore_mem>> -> memref<!tpu.dma_semaphore, #tpu.memory_space<semaphore_mem>>
      %dma_wait3A_719 = arith.constant 0 : i32
      %dma_wait3A_720 = tpu.memref_slice %arg4[%mul3A_708, %dma_wait3A_719] : memref<204800x64xf32, #tpu.memory_space<hbm>> -> memref<128x64xf32, #tpu.memory_space<hbm>>
      %dma_wait3A_721 = arith.constant 0 : i32
      %dma_wait3A_722 = arith.constant 0 : i32
      %dma_wait3A_723 = tpu.memref_slice %arg6[%dma_wait3A_709, %dma_wait3A_721, %dma_wait3A_722] : memref<10x128x64xf32, #tpu.memory_space<vmem>> -> memref<1x128x64xf32, #tpu.memory_space<vmem>>
      %dma_wait3A_724 = tpu.memref_squeeze %dma_wait3A_723 : memref<1x128x64xf32, #tpu.memory_space<vmem>> -> memref<128x64xf32, #tpu.memory_space<vmem>>
      tpu.wait_dma2 semaphore(%dma_wait3A_718 : memref<!tpu.dma_semaphore, #tpu.memory_space<semaphore_mem>>) src(%dma_wait3A_724 : memref<128x64xf32, #tpu.memory_space<vmem>>) dst(%dma_wait3A_720 : memref<128x64xf32, #tpu.memory_space<hbm>>)
      %add3A_725 = arith.constant 10 : i32
      %add3A_726 = arith.addi %add3A_672, %add3A_725 : i32
      %mul3A_727 = arith.constant 128 : i32
      %mul3A_728 = arith.muli %add3A_726, %mul3A_727 : i32
      %dma_start3A_729 = arith.constant 0 : i32
      %dma_start3A_730 = arith.constant 0 : i32
      %dma_start3A_731 = arith.constant 0 : i32
      %dma_start3A_732 = arith.constant 0 : i32
      %dma_start3A_733 = tpu.memref_slice %arg6[%dma_start3A_729, %dma_start3A_731, %dma_start3A_732] : memref<10x128x64xf32, #tpu.memory_space<vmem>> -> memref<1x128x64xf32, #tpu.memory_space<vmem>>
      %dma_start3A_734 = tpu.memref_squeeze %dma_start3A_733 : memref<1x128x64xf32, #tpu.memory_space<vmem>> -> memref<128x64xf32, #tpu.memory_space<vmem>>
      %dma_start3A_735 = tpu.memref_slice %arg5[%mul3A_728] : memref<6400xi32, #tpu.memory_space<vmem>> -> memref<128xi32, #tpu.memory_space<vmem>>
      %dma_start3A_736 = arith.constant 0 : i32
      %dma_start3A_737 = arith.constant 0 : i32
      %dma_start3A_738 = tpu.memref_slice %arg3[%dma_start3A_736, %dma_start3A_737] : memref<1000000x64xf32, #tpu.memory_space<hbm>> -> memref<1000000x64xf32, #tpu.memory_space<hbm>>
      %dma_start3A_739 = tpu.memref_slice %arg7[%dma_start3A_730] : memref<10x!tpu.dma_semaphore, #tpu.memory_space<semaphore_mem>> -> memref<1x!tpu.dma_semaphore, #tpu.memory_space<semaphore_mem>>
      %dma_start3A_740 = tpu.memref_squeeze %dma_start3A_739 : memref<1x!tpu.dma_semaphore, #tpu.memory_space<semaphore_mem>> -> memref<!tpu.dma_semaphore, #tpu.memory_space<semaphore_mem>>
      tpu.enqueue_indirect_dma source(%dma_start3A_738 : memref<1000000x64xf32, #tpu.memory_space<hbm>>) target(%dma_start3A_734 : memref<128x64xf32, #tpu.memory_space<vmem>>) offsets(%dma_start3A_735 : memref<128xi32, #tpu.memory_space<vmem>>) semaphore(%dma_start3A_740 : memref<!tpu.dma_semaphore, #tpu.memory_space<semaphore_mem>>)
      %mul3A_741 = arith.constant 10 : i32
      %mul3A_742 = arith.muli %scan3A_668, %mul3A_741 : i32
      %add3A_743 = arith.constant 1 : i32
      %add3A_744 = arith.addi %mul3A_742, %add3A_743 : i32
      %mul3A_745 = arith.constant 128 : i32
      %mul3A_746 = arith.muli %add3A_744, %mul3A_745 : i32
      %dma_wait3A_747 = arith.constant 1 : i32
      %dma_wait3A_748 = arith.constant 1 : i32
      %dma_wait3A_749 = arith.constant 0 : i32
      %dma_wait3A_750 = arith.constant 0 : i32
      %dma_wait3A_751 = tpu.memref_slice %arg6[%dma_wait3A_747, %dma_wait3A_749, %dma_wait3A_750] : memref<10x128x64xf32, #tpu.memory_space<vmem>> -> memref<1x128x64xf32, #tpu.memory_space<vmem>>
      %dma_wait3A_752 = tpu.memref_squeeze %dma_wait3A_751 : memref<1x128x64xf32, #tpu.memory_space<vmem>> -> memref<128x64xf32, #tpu.memory_space<vmem>>
      %dma_wait3A_753 = tpu.memref_slice %arg5[%mul3A_746] : memref<6400xi32, #tpu.memory_space<vmem>> -> memref<128xi32, #tpu.memory_space<vmem>>
      %dma_wait3A_754 = arith.constant 0 : i32
      %dma_wait3A_755 = arith.constant 0 : i32
      %dma_wait3A_756 = tpu.memref_slice %arg3[%dma_wait3A_754, %dma_wait3A_755] : memref<1000000x64xf32, #tpu.memory_space<hbm>> -> memref<1000000x64xf32, #tpu.memory_space<hbm>>
      %dma_wait3A_757 = tpu.memref_slice %arg7[%dma_wait3A_748] : memref<10x!tpu.dma_semaphore, #tpu.memory_space<semaphore_mem>> -> memref<1x!tpu.dma_semaphore, #tpu.memory_space<semaphore_mem>>
      %dma_wait3A_758 = tpu.memref_squeeze %dma_wait3A_757 : memref<1x!tpu.dma_semaphore, #tpu.memory_space<semaphore_mem>> -> memref<!tpu.dma_semaphore, #tpu.memory_space<semaphore_mem>>
      tpu.wait_indirect_dma semaphore(%dma_wait3A_758 : memref<!tpu.dma_semaphore, #tpu.memory_space<semaphore_mem>>) src(%dma_wait3A_756 : memref<1000000x64xf32, #tpu.memory_space<hbm>>) dst(%dma_wait3A_752 : memref<128x64xf32, #tpu.memory_space<vmem>>)
      %add3A_759 = arith.addi %mul3A_2, %add3A_744 : i32
      %mul3A_760 = arith.constant 128 : i32
      %mul3A_761 = arith.muli %add3A_759, %mul3A_760 : i32
      %dma_start3A_762 = arith.constant 1 : i32
      %dma_start3A_763 = arith.constant 1 : i32
      %dma_start3A_764 = arith.constant 0 : i32
      %dma_start3A_765 = arith.constant 0 : i32
      %dma_start3A_766 = tpu.memref_slice %arg6[%dma_start3A_762, %dma_start3A_764, %dma_start3A_765] : memref<10x128x64xf32, #tpu.memory_space<vmem>> -> memref<1x128x64xf32, #tpu.memory_space<vmem>>
      %dma_start3A_767 = tpu.memref_squeeze %dma_start3A_766 : memref<1x128x64xf32, #tpu.memory_space<vmem>> -> memref<128x64xf32, #tpu.memory_space<vmem>>
      %dma_start3A_768 = arith.constant 0 : i32
      %dma_start3A_769 = tpu.memref_slice %arg4[%mul3A_761, %dma_start3A_768] : memref<204800x64xf32, #tpu.memory_space<hbm>> -> memref<128x64xf32, #tpu.memory_space<hbm>>
      %dma_start3A_770 = tpu.memref_slice %arg8[%dma_start3A_763] : memref<10x!tpu.dma_semaphore, #tpu.memory_space<semaphore_mem>> -> memref<1x!tpu.dma_semaphore, #tpu.memory_space<semaphore_mem>>
      %dma_start3A_771 = tpu.memref_squeeze %dma_start3A_770 : memref<1x!tpu.dma_semaphore, #tpu.memory_space<semaphore_mem>> -> memref<!tpu.dma_semaphore, #tpu.memory_space<semaphore_mem>>
      %dma_start3A_772 = arith.constant 0 : i32
      %dma_start3A_773 = tpu.memref_slice %arg4[%mul3A_761, %dma_start3A_772] : memref<204800x64xf32, #tpu.memory_space<hbm>> -> memref<128x64xf32, #tpu.memory_space<hbm>>
      %dma_start3A_774 = arith.constant 0 : i32
      %dma_start3A_775 = arith.constant 0 : i32
      %dma_start3A_776 = tpu.memref_slice %arg6[%dma_start3A_762, %dma_start3A_774, %dma_start3A_775] : memref<10x128x64xf32, #tpu.memory_space<vmem>> -> memref<1x128x64xf32, #tpu.memory_space<vmem>>
      %dma_start3A_777 = tpu.memref_squeeze %dma_start3A_776 : memref<1x128x64xf32, #tpu.memory_space<vmem>> -> memref<128x64xf32, #tpu.memory_space<vmem>>
      tpu.enqueue_dma source(%dma_start3A_777 : memref<128x64xf32, #tpu.memory_space<vmem>>) target(%dma_start3A_773 : memref<128x64xf32, #tpu.memory_space<hbm>>) target_semaphore(%dma_start3A_771 : memref<!tpu.dma_semaphore, #tpu.memory_space<semaphore_mem>>)
      %add3A_778 = arith.addi %mul3A_2, %add3A_744 : i32
      %mul3A_779 = arith.constant 128 : i32
      %mul3A_780 = arith.muli %add3A_778, %mul3A_779 : i32
      %dma_wait3A_781 = arith.constant 1 : i32
      %dma_wait3A_782 = arith.constant 1 : i32
      %dma_wait3A_783 = arith.constant 0 : i32
      %dma_wait3A_784 = arith.constant 0 : i32
      %dma_wait3A_785 = tpu.memref_slice %arg6[%dma_wait3A_781, %dma_wait3A_783, %dma_wait3A_784] : memref<10x128x64xf32, #tpu.memory_space<vmem>> -> memref<1x128x64xf32, #tpu.memory_space<vmem>>
      %dma_wait3A_786 = tpu.memref_squeeze %dma_wait3A_785 : memref<1x128x64xf32, #tpu.memory_space<vmem>> -> memref<128x64xf32, #tpu.memory_space<vmem>>
      %dma_wait3A_787 = arith.constant 0 : i32
      %dma_wait3A_788 = tpu.memref_slice %arg4[%mul3A_780, %dma_wait3A_787] : memref<204800x64xf32, #tpu.memory_space<hbm>> -> memref<128x64xf32, #tpu.memory_space<hbm>>
      %dma_wait3A_789 = tpu.memref_slice %arg8[%dma_wait3A_782] : memref<10x!tpu.dma_semaphore, #tpu.memory_space<semaphore_mem>> -> memref<1x!tpu.dma_semaphore, #tpu.memory_space<semaphore_mem>>
      %dma_wait3A_790 = tpu.memref_squeeze %dma_wait3A_789 : memref<1x!tpu.dma_semaphore, #tpu.memory_space<semaphore_mem>> -> memref<!tpu.dma_semaphore, #tpu.memory_space<semaphore_mem>>
      %dma_wait3A_791 = arith.constant 0 : i32
      %dma_wait3A_792 = tpu.memref_slice %arg4[%mul3A_780, %dma_wait3A_791] : memref<204800x64xf32, #tpu.memory_space<hbm>> -> memref<128x64xf32, #tpu.memory_space<hbm>>
      %dma_wait3A_793 = arith.constant 0 : i32
      %dma_wait3A_794 = arith.constant 0 : i32
      %dma_wait3A_795 = tpu.memref_slice %arg6[%dma_wait3A_781, %dma_wait3A_793, %dma_wait3A_794] : memref<10x128x64xf32, #tpu.memory_space<vmem>> -> memref<1x128x64xf32, #tpu.memory_space<vmem>>
      %dma_wait3A_796 = tpu.memref_squeeze %dma_wait3A_795 : memref<1x128x64xf32, #tpu.memory_space<vmem>> -> memref<128x64xf32, #tpu.memory_space<vmem>>
      tpu.wait_dma2 semaphore(%dma_wait3A_790 : memref<!tpu.dma_semaphore, #tpu.memory_space<semaphore_mem>>) src(%dma_wait3A_796 : memref<128x64xf32, #tpu.memory_space<vmem>>) dst(%dma_wait3A_792 : memref<128x64xf32, #tpu.memory_space<hbm>>)
      %add3A_797 = arith.constant 10 : i32
      %add3A_798 = arith.addi %add3A_744, %add3A_797 : i32
      %mul3A_799 = arith.constant 128 : i32
      %mul3A_800 = arith.muli %add3A_798, %mul3A_799 : i32
      %dma_start3A_801 = arith.constant 1 : i32
      %dma_start3A_802 = arith.constant 1 : i32
      %dma_start3A_803 = arith.constant 0 : i32
      %dma_start3A_804 = arith.constant 0 : i32
      %dma_start3A_805 = tpu.memref_slice %arg6[%dma_start3A_801, %dma_start3A_803, %dma_start3A_804] : memref<10x128x64xf32, #tpu.memory_space<vmem>> -> memref<1x128x64xf32, #tpu.memory_space<vmem>>
      %dma_start3A_806 = tpu.memref_squeeze %dma_start3A_805 : memref<1x128x64xf32, #tpu.memory_space<vmem>> -> memref<128x64xf32, #tpu.memory_space<vmem>>
      %dma_start3A_807 = tpu.memref_slice %arg5[%mul3A_800] : memref<6400xi32, #tpu.memory_space<vmem>> -> memref<128xi32, #tpu.memory_space<vmem>>
      %dma_start3A_808 = arith.constant 0 : i32
      %dma_start3A_809 = arith.constant 0 : i32
      %dma_start3A_810 = tpu.memref_slice %arg3[%dma_start3A_808, %dma_start3A_809] : memref<1000000x64xf32, #tpu.memory_space<hbm>> -> memref<1000000x64xf32, #tpu.memory_space<hbm>>
      %dma_start3A_811 = tpu.memref_slice %arg7[%dma_start3A_802] : memref<10x!tpu.dma_semaphore, #tpu.memory_space<semaphore_mem>> -> memref<1x!tpu.dma_semaphore, #tpu.memory_space<semaphore_mem>>
      %dma_start3A_812 = tpu.memref_squeeze %dma_start3A_811 : memref<1x!tpu.dma_semaphore, #tpu.memory_space<semaphore_mem>> -> memref<!tpu.dma_semaphore, #tpu.memory_space<semaphore_mem>>
      tpu.enqueue_indirect_dma source(%dma_start3A_810 : memref<1000000x64xf32, #tpu.memory_space<hbm>>) target(%dma_start3A_806 : memref<128x64xf32, #tpu.memory_space<vmem>>) offsets(%dma_start3A_807 : memref<128xi32, #tpu.memory_space<vmem>>) semaphore(%dma_start3A_812 : memref<!tpu.dma_semaphore, #tpu.memory_space<semaphore_mem>>)
      %mul3A_813 = arith.constant 10 : i32
      %mul3A_814 = arith.muli %scan3A_668, %mul3A_813 : i32
      %add3A_815 = arith.constant 2 : i32
      %add3A_816 = arith.addi %mul3A_814, %add3A_815 : i32
      %mul3A_817 = arith.constant 128 : i32
      %mul3A_818 = arith.muli %add3A_816, %mul3A_817 : i32
      %dma_wait3A_819 = arith.constant 2 : i32
      %dma_wait3A_820 = arith.constant 2 : i32
      %dma_wait3A_821 = arith.constant 0 : i32
      %dma_wait3A_822 = arith.constant 0 : i32
      %dma_wait3A_823 = tpu.memref_slice %arg6[%dma_wait3A_819, %dma_wait3A_821, %dma_wait3A_822] : memref<10x128x64xf32, #tpu.memory_space<vmem>> -> memref<1x128x64xf32, #tpu.memory_space<vmem>>
      %dma_wait3A_824 = tpu.memref_squeeze %dma_wait3A_823 : memref<1x128x64xf32, #tpu.memory_space<vmem>> -> memref<128x64xf32, #tpu.memory_space<vmem>>
      %dma_wait3A_825 = tpu.memref_slice %arg5[%mul3A_818] : memref<6400xi32, #tpu.memory_space<vmem>> -> memref<128xi32, #tpu.memory_space<vmem>>
      %dma_wait3A_826 = arith.constant 0 : i32
      %dma_wait3A_827 = arith.constant 0 : i32
      %dma_wait3A_828 = tpu.memref_slice %arg3[%dma_wait3A_826, %dma_wait3A_827] : memref<1000000x64xf32, #tpu.memory_space<hbm>> -> memref<1000000x64xf32, #tpu.memory_space<hbm>>
      %dma_wait3A_829 = tpu.memref_slice %arg7[%dma_wait3A_820] : memref<10x!tpu.dma_semaphore, #tpu.memory_space<semaphore_mem>> -> memref<1x!tpu.dma_semaphore, #tpu.memory_space<semaphore_mem>>
      %dma_wait3A_830 = tpu.memref_squeeze %dma_wait3A_829 : memref<1x!tpu.dma_semaphore, #tpu.memory_space<semaphore_mem>> -> memref<!tpu.dma_semaphore, #tpu.memory_space<semaphore_mem>>
      tpu.wait_indirect_dma semaphore(%dma_wait3A_830 : memref<!tpu.dma_semaphore, #tpu.memory_space<semaphore_mem>>) src(%dma_wait3A_828 : memref<1000000x64xf32, #tpu.memory_space<hbm>>) dst(%dma_wait3A_824 : memref<128x64xf32, #tpu.memory_space<vmem>>)
      %add3A_831 = arith.addi %mul3A_2, %add3A_816 : i32
      %mul3A_832 = arith.constant 128 : i32
      %mul3A_833 = arith.muli %add3A_831, %mul3A_832 : i32
      %dma_start3A_834 = arith.constant 2 : i32
      %dma_start3A_835 = arith.constant 2 : i32
      %dma_start3A_836 = arith.constant 0 : i32
      %dma_start3A_837 = arith.constant 0 : i32
      %dma_start3A_838 = tpu.memref_slice %arg6[%dma_start3A_834, %dma_start3A_836, %dma_start3A_837] : memref<10x128x64xf32, #tpu.memory_space<vmem>> -> memref<1x128x64xf32, #tpu.memory_space<vmem>>
      %dma_start3A_839 = tpu.memref_squeeze %dma_start3A_838 : memref<1x128x64xf32, #tpu.memory_space<vmem>> -> memref<128x64xf32, #tpu.memory_space<vmem>>
      %dma_start3A_840 = arith.constant 0 : i32
      %dma_start3A_841 = tpu.memref_slice %arg4[%mul3A_833, %dma_start3A_840] : memref<204800x64xf32, #tpu.memory_space<hbm>> -> memref<128x64xf32, #tpu.memory_space<hbm>>
      %dma_start3A_842 = tpu.memref_slice %arg8[%dma_start3A_835] : memref<10x!tpu.dma_semaphore, #tpu.memory_space<semaphore_mem>> -> memref<1x!tpu.dma_semaphore, #tpu.memory_space<semaphore_mem>>
      %dma_start3A_843 = tpu.memref_squeeze %dma_start3A_842 : memref<1x!tpu.dma_semaphore, #tpu.memory_space<semaphore_mem>> -> memref<!tpu.dma_semaphore, #tpu.memory_space<semaphore_mem>>
      %dma_start3A_844 = arith.constant 0 : i32
      %dma_start3A_845 = tpu.memref_slice %arg4[%mul3A_833, %dma_start3A_844] : memref<204800x64xf32, #tpu.memory_space<hbm>> -> memref<128x64xf32, #tpu.memory_space<hbm>>
      %dma_start3A_846 = arith.constant 0 : i32
      %dma_start3A_847 = arith.constant 0 : i32
      %dma_start3A_848 = tpu.memref_slice %arg6[%dma_start3A_834, %dma_start3A_846, %dma_start3A_847] : memref<10x128x64xf32, #tpu.memory_space<vmem>> -> memref<1x128x64xf32, #tpu.memory_space<vmem>>
      %dma_start3A_849 = tpu.memref_squeeze %dma_start3A_848 : memref<1x128x64xf32, #tpu.memory_space<vmem>> -> memref<128x64xf32, #tpu.memory_space<vmem>>
      tpu.enqueue_dma source(%dma_start3A_849 : memref<128x64xf32, #tpu.memory_space<vmem>>) target(%dma_start3A_845 : memref<128x64xf32, #tpu.memory_space<hbm>>) target_semaphore(%dma_start3A_843 : memref<!tpu.dma_semaphore, #tpu.memory_space<semaphore_mem>>)
      %add3A_850 = arith.addi %mul3A_2, %add3A_816 : i32
      %mul3A_851 = arith.constant 128 : i32
      %mul3A_852 = arith.muli %add3A_850, %mul3A_851 : i32
      %dma_wait3A_853 = arith.constant 2 : i32
      %dma_wait3A_854 = arith.constant 2 : i32
      %dma_wait3A_855 = arith.constant 0 : i32
      %dma_wait3A_856 = arith.constant 0 : i32
      %dma_wait3A_857 = tpu.memref_slice %arg6[%dma_wait3A_853, %dma_wait3A_855, %dma_wait3A_856] : memref<10x128x64xf32, #tpu.memory_space<vmem>> -> memref<1x128x64xf32, #tpu.memory_space<vmem>>
      %dma_wait3A_858 = tpu.memref_squeeze %dma_wait3A_857 : memref<1x128x64xf32, #tpu.memory_space<vmem>> -> memref<128x64xf32, #tpu.memory_space<vmem>>
      %dma_wait3A_859 = arith.constant 0 : i32
      %dma_wait3A_860 = tpu.memref_slice %arg4[%mul3A_852, %dma_wait3A_859] : memref<204800x64xf32, #tpu.memory_space<hbm>> -> memref<128x64xf32, #tpu.memory_space<hbm>>
      %dma_wait3A_861 = tpu.memref_slice %arg8[%dma_wait3A_854] : memref<10x!tpu.dma_semaphore, #tpu.memory_space<semaphore_mem>> -> memref<1x!tpu.dma_semaphore, #tpu.memory_space<semaphore_mem>>
      %dma_wait3A_862 = tpu.memref_squeeze %dma_wait3A_861 : memref<1x!tpu.dma_semaphore, #tpu.memory_space<semaphore_mem>> -> memref<!tpu.dma_semaphore, #tpu.memory_space<semaphore_mem>>
      %dma_wait3A_863 = arith.constant 0 : i32
      %dma_wait3A_864 = tpu.memref_slice %arg4[%mul3A_852, %dma_wait3A_863] : memref<204800x64xf32, #tpu.memory_space<hbm>> -> memref<128x64xf32, #tpu.memory_space<hbm>>
      %dma_wait3A_865 = arith.constant 0 : i32
      %dma_wait3A_866 = arith.constant 0 : i32
      %dma_wait3A_867 = tpu.memref_slice %arg6[%dma_wait3A_853, %dma_wait3A_865, %dma_wait3A_866] : memref<10x128x64xf32, #tpu.memory_space<vmem>> -> memref<1x128x64xf32, #tpu.memory_space<vmem>>
      %dma_wait3A_868 = tpu.memref_squeeze %dma_wait3A_867 : memref<1x128x64xf32, #tpu.memory_space<vmem>> -> memref<128x64xf32, #tpu.memory_space<vmem>>
      tpu.wait_dma2 semaphore(%dma_wait3A_862 : memref<!tpu.dma_semaphore, #tpu.memory_space<semaphore_mem>>) src(%dma_wait3A_868 : memref<128x64xf32, #tpu.memory_space<vmem>>) dst(%dma_wait3A_864 : memref<128x64xf32, #tpu.memory_space<hbm>>)
      %add3A_869 = arith.constant 10 : i32
      %add3A_870 = arith.addi %add3A_816, %add3A_869 : i32
      %mul3A_871 = arith.constant 128 : i32
      %mul3A_872 = arith.muli %add3A_870, %mul3A_871 : i32
      %dma_start3A_873 = arith.constant 2 : i32
      %dma_start3A_874 = arith.constant 2 : i32
      %dma_start3A_875 = arith.constant 0 : i32
      %dma_start3A_876 = arith.constant 0 : i32
      %dma_start3A_877 = tpu.memref_slice %arg6[%dma_start3A_873, %dma_start3A_875, %dma_start3A_876] : memref<10x128x64xf32, #tpu.memory_space<vmem>> -> memref<1x128x64xf32, #tpu.memory_space<vmem>>
      %dma_start3A_878 = tpu.memref_squeeze %dma_start3A_877 : memref<1x128x64xf32, #tpu.memory_space<vmem>> -> memref<128x64xf32, #tpu.memory_space<vmem>>
      %dma_start3A_879 = tpu.memref_slice %arg5[%mul3A_872] : memref<6400xi32, #tpu.memory_space<vmem>> -> memref<128xi32, #tpu.memory_space<vmem>>
      %dma_start3A_880 = arith.constant 0 : i32
      %dma_start3A_881 = arith.constant 0 : i32
      %dma_start3A_882 = tpu.memref_slice %arg3[%dma_start3A_880, %dma_start3A_881] : memref<1000000x64xf32, #tpu.memory_space<hbm>> -> memref<1000000x64xf32, #tpu.memory_space<hbm>>
      %dma_start3A_883 = tpu.memref_slice %arg7[%dma_start3A_874] : memref<10x!tpu.dma_semaphore, #tpu.memory_space<semaphore_mem>> -> memref<1x!tpu.dma_semaphore, #tpu.memory_space<semaphore_mem>>
      %dma_start3A_884 = tpu.memref_squeeze %dma_start3A_883 : memref<1x!tpu.dma_semaphore, #tpu.memory_space<semaphore_mem>> -> memref<!tpu.dma_semaphore, #tpu.memory_space<semaphore_mem>>
      tpu.enqueue_indirect_dma source(%dma_start3A_882 : memref<1000000x64xf32, #tpu.memory_space<hbm>>) target(%dma_start3A_878 : memref<128x64xf32, #tpu.memory_space<vmem>>) offsets(%dma_start3A_879 : memref<128xi32, #tpu.memory_space<vmem>>) semaphore(%dma_start3A_884 : memref<!tpu.dma_semaphore, #tpu.memory_space<semaphore_mem>>)
      %mul3A_885 = arith.constant 10 : i32
      %mul3A_886 = arith.muli %scan3A_668, %mul3A_885 : i32
      %add3A_887 = arith.constant 3 : i32
      %add3A_888 = arith.addi %mul3A_886, %add3A_887 : i32
      %mul3A_889 = arith.constant 128 : i32
      %mul3A_890 = arith.muli %add3A_888, %mul3A_889 : i32
      %dma_wait3A_891 = arith.constant 3 : i32
      %dma_wait3A_892 = arith.constant 3 : i32
      %dma_wait3A_893 = arith.constant 0 : i32
      %dma_wait3A_894 = arith.constant 0 : i32
      %dma_wait3A_895 = tpu.memref_slice %arg6[%dma_wait3A_891, %dma_wait3A_893, %dma_wait3A_894] : memref<10x128x64xf32, #tpu.memory_space<vmem>> -> memref<1x128x64xf32, #tpu.memory_space<vmem>>
      %dma_wait3A_896 = tpu.memref_squeeze %dma_wait3A_895 : memref<1x128x64xf32, #tpu.memory_space<vmem>> -> memref<128x64xf32, #tpu.memory_space<vmem>>
      %dma_wait3A_897 = tpu.memref_slice %arg5[%mul3A_890] : memref<6400xi32, #tpu.memory_space<vmem>> -> memref<128xi32, #tpu.memory_space<vmem>>
      %dma_wait3A_898 = arith.constant 0 : i32
      %dma_wait3A_899 = arith.constant 0 : i32
      %dma_wait3A_900 = tpu.memref_slice %arg3[%dma_wait3A_898, %dma_wait3A_899] : memref<1000000x64xf32, #tpu.memory_space<hbm>> -> memref<1000000x64xf32, #tpu.memory_space<hbm>>
      %dma_wait3A_901 = tpu.memref_slice %arg7[%dma_wait3A_892] : memref<10x!tpu.dma_semaphore, #tpu.memory_space<semaphore_mem>> -> memref<1x!tpu.dma_semaphore, #tpu.memory_space<semaphore_mem>>
      %dma_wait3A_902 = tpu.memref_squeeze %dma_wait3A_901 : memref<1x!tpu.dma_semaphore, #tpu.memory_space<semaphore_mem>> -> memref<!tpu.dma_semaphore, #tpu.memory_space<semaphore_mem>>
      tpu.wait_indirect_dma semaphore(%dma_wait3A_902 : memref<!tpu.dma_semaphore, #tpu.memory_space<semaphore_mem>>) src(%dma_wait3A_900 : memref<1000000x64xf32, #tpu.memory_space<hbm>>) dst(%dma_wait3A_896 : memref<128x64xf32, #tpu.memory_space<vmem>>)
      %add3A_903 = arith.addi %mul3A_2, %add3A_888 : i32
      %mul3A_904 = arith.constant 128 : i32
      %mul3A_905 = arith.muli %add3A_903, %mul3A_904 : i32
      %dma_start3A_906 = arith.constant 3 : i32
      %dma_start3A_907 = arith.constant 3 : i32
      %dma_start3A_908 = arith.constant 0 : i32
      %dma_start3A_909 = arith.constant 0 : i32
      %dma_start3A_910 = tpu.memref_slice %arg6[%dma_start3A_906, %dma_start3A_908, %dma_start3A_909] : memref<10x128x64xf32, #tpu.memory_space<vmem>> -> memref<1x128x64xf32, #tpu.memory_space<vmem>>
      %dma_start3A_911 = tpu.memref_squeeze %dma_start3A_910 : memref<1x128x64xf32, #tpu.memory_space<vmem>> -> memref<128x64xf32, #tpu.memory_space<vmem>>
      %dma_start3A_912 = arith.constant 0 : i32
      %dma_start3A_913 = tpu.memref_slice %arg4[%mul3A_905, %dma_start3A_912] : memref<204800x64xf32, #tpu.memory_space<hbm>> -> memref<128x64xf32, #tpu.memory_space<hbm>>
      %dma_start3A_914 = tpu.memref_slice %arg8[%dma_start3A_907] : memref<10x!tpu.dma_semaphore, #tpu.memory_space<semaphore_mem>> -> memref<1x!tpu.dma_semaphore, #tpu.memory_space<semaphore_mem>>
      %dma_start3A_915 = tpu.memref_squeeze %dma_start3A_914 : memref<1x!tpu.dma_semaphore, #tpu.memory_space<semaphore_mem>> -> memref<!tpu.dma_semaphore, #tpu.memory_space<semaphore_mem>>
      %dma_start3A_916 = arith.constant 0 : i32
      %dma_start3A_917 = tpu.memref_slice %arg4[%mul3A_905, %dma_start3A_916] : memref<204800x64xf32, #tpu.memory_space<hbm>> -> memref<128x64xf32, #tpu.memory_space<hbm>>
      %dma_start3A_918 = arith.constant 0 : i32
      %dma_start3A_919 = arith.constant 0 : i32
      %dma_start3A_920 = tpu.memref_slice %arg6[%dma_start3A_906, %dma_start3A_918, %dma_start3A_919] : memref<10x128x64xf32, #tpu.memory_space<vmem>> -> memref<1x128x64xf32, #tpu.memory_space<vmem>>
      %dma_start3A_921 = tpu.memref_squeeze %dma_start3A_920 : memref<1x128x64xf32, #tpu.memory_space<vmem>> -> memref<128x64xf32, #tpu.memory_space<vmem>>
      tpu.enqueue_dma source(%dma_start3A_921 : memref<128x64xf32, #tpu.memory_space<vmem>>) target(%dma_start3A_917 : memref<128x64xf32, #tpu.memory_space<hbm>>) target_semaphore(%dma_start3A_915 : memref<!tpu.dma_semaphore, #tpu.memory_space<semaphore_mem>>)
      %add3A_922 = arith.addi %mul3A_2, %add3A_888 : i32
      %mul3A_923 = arith.constant 128 : i32
      %mul3A_924 = arith.muli %add3A_922, %mul3A_923 : i32
      %dma_wait3A_925 = arith.constant 3 : i32
      %dma_wait3A_926 = arith.constant 3 : i32
      %dma_wait3A_927 = arith.constant 0 : i32
      %dma_wait3A_928 = arith.constant 0 : i32
      %dma_wait3A_929 = tpu.memref_slice %arg6[%dma_wait3A_925, %dma_wait3A_927, %dma_wait3A_928] : memref<10x128x64xf32, #tpu.memory_space<vmem>> -> memref<1x128x64xf32, #tpu.memory_space<vmem>>
      %dma_wait3A_930 = tpu.memref_squeeze %dma_wait3A_929 : memref<1x128x64xf32, #tpu.memory_space<vmem>> -> memref<128x64xf32, #tpu.memory_space<vmem>>
      %dma_wait3A_931 = arith.constant 0 : i32
      %dma_wait3A_932 = tpu.memref_slice %arg4[%mul3A_924, %dma_wait3A_931] : memref<204800x64xf32, #tpu.memory_space<hbm>> -> memref<128x64xf32, #tpu.memory_space<hbm>>
      %dma_wait3A_933 = tpu.memref_slice %arg8[%dma_wait3A_926] : memref<10x!tpu.dma_semaphore, #tpu.memory_space<semaphore_mem>> -> memref<1x!tpu.dma_semaphore, #tpu.memory_space<semaphore_mem>>
      %dma_wait3A_934 = tpu.memref_squeeze %dma_wait3A_933 : memref<1x!tpu.dma_semaphore, #tpu.memory_space<semaphore_mem>> -> memref<!tpu.dma_semaphore, #tpu.memory_space<semaphore_mem>>
      %dma_wait3A_935 = arith.constant 0 : i32
      %dma_wait3A_936 = tpu.memref_slice %arg4[%mul3A_924, %dma_wait3A_935] : memref<204800x64xf32, #tpu.memory_space<hbm>> -> memref<128x64xf32, #tpu.memory_space<hbm>>
      %dma_wait3A_937 = arith.constant 0 : i32
      %dma_wait3A_938 = arith.constant 0 : i32
      %dma_wait3A_939 = tpu.memref_slice %arg6[%dma_wait3A_925, %dma_wait3A_937, %dma_wait3A_938] : memref<10x128x64xf32, #tpu.memory_space<vmem>> -> memref<1x128x64xf32, #tpu.memory_space<vmem>>
      %dma_wait3A_940 = tpu.memref_squeeze %dma_wait3A_939 : memref<1x128x64xf32, #tpu.memory_space<vmem>> -> memref<128x64xf32, #tpu.memory_space<vmem>>
      tpu.wait_dma2 semaphore(%dma_wait3A_934 : memref<!tpu.dma_semaphore, #tpu.memory_space<semaphore_mem>>) src(%dma_wait3A_940 : memref<128x64xf32, #tpu.memory_space<vmem>>) dst(%dma_wait3A_936 : memref<128x64xf32, #tpu.memory_space<hbm>>)
      %add3A_941 = arith.constant 10 : i32
      %add3A_942 = arith.addi %add3A_888, %add3A_941 : i32
      %mul3A_943 = arith.constant 128 : i32
      %mul3A_944 = arith.muli %add3A_942, %mul3A_943 : i32
      %dma_start3A_945 = arith.constant 3 : i32
      %dma_start3A_946 = arith.constant 3 : i32
      %dma_start3A_947 = arith.constant 0 : i32
      %dma_start3A_948 = arith.constant 0 : i32
      %dma_start3A_949 = tpu.memref_slice %arg6[%dma_start3A_945, %dma_start3A_947, %dma_start3A_948] : memref<10x128x64xf32, #tpu.memory_space<vmem>> -> memref<1x128x64xf32, #tpu.memory_space<vmem>>
      %dma_start3A_950 = tpu.memref_squeeze %dma_start3A_949 : memref<1x128x64xf32, #tpu.memory_space<vmem>> -> memref<128x64xf32, #tpu.memory_space<vmem>>
      %dma_start3A_951 = tpu.memref_slice %arg5[%mul3A_944] : memref<6400xi32, #tpu.memory_space<vmem>> -> memref<128xi32, #tpu.memory_space<vmem>>
      %dma_start3A_952 = arith.constant 0 : i32
      %dma_start3A_953 = arith.constant 0 : i32
      %dma_start3A_954 = tpu.memref_slice %arg3[%dma_start3A_952, %dma_start3A_953] : memref<1000000x64xf32, #tpu.memory_space<hbm>> -> memref<1000000x64xf32, #tpu.memory_space<hbm>>
      %dma_start3A_955 = tpu.memref_slice %arg7[%dma_start3A_946] : memref<10x!tpu.dma_semaphore, #tpu.memory_space<semaphore_mem>> -> memref<1x!tpu.dma_semaphore, #tpu.memory_space<semaphore_mem>>
      %dma_start3A_956 = tpu.memref_squeeze %dma_start3A_955 : memref<1x!tpu.dma_semaphore, #tpu.memory_space<semaphore_mem>> -> memref<!tpu.dma_semaphore, #tpu.memory_space<semaphore_mem>>
      tpu.enqueue_indirect_dma source(%dma_start3A_954 : memref<1000000x64xf32, #tpu.memory_space<hbm>>) target(%dma_start3A_950 : memref<128x64xf32, #tpu.memory_space<vmem>>) offsets(%dma_start3A_951 : memref<128xi32, #tpu.memory_space<vmem>>) semaphore(%dma_start3A_956 : memref<!tpu.dma_semaphore, #tpu.memory_space<semaphore_mem>>)
      %mul3A_957 = arith.constant 10 : i32
      %mul3A_958 = arith.muli %scan3A_668, %mul3A_957 : i32
      %add3A_959 = arith.constant 4 : i32
      %add3A_960 = arith.addi %mul3A_958, %add3A_959 : i32
      %mul3A_961 = arith.constant 128 : i32
      %mul3A_962 = arith.muli %add3A_960, %mul3A_961 : i32
      %dma_wait3A_963 = arith.constant 4 : i32
      %dma_wait3A_964 = arith.constant 4 : i32
      %dma_wait3A_965 = arith.constant 0 : i32
      %dma_wait3A_966 = arith.constant 0 : i32
      %dma_wait3A_967 = tpu.memref_slice %arg6[%dma_wait3A_963, %dma_wait3A_965, %dma_wait3A_966] : memref<10x128x64xf32, #tpu.memory_space<vmem>> -> memref<1x128x64xf32, #tpu.memory_space<vmem>>
      %dma_wait3A_968 = tpu.memref_squeeze %dma_wait3A_967 : memref<1x128x64xf32, #tpu.memory_space<vmem>> -> memref<128x64xf32, #tpu.memory_space<vmem>>
      %dma_wait3A_969 = tpu.memref_slice %arg5[%mul3A_962] : memref<6400xi32, #tpu.memory_space<vmem>> -> memref<128xi32, #tpu.memory_space<vmem>>
      %dma_wait3A_970 = arith.constant 0 : i32
      %dma_wait3A_971 = arith.constant 0 : i32
      %dma_wait3A_972 = tpu.memref_slice %arg3[%dma_wait3A_970, %dma_wait3A_971] : memref<1000000x64xf32, #tpu.memory_space<hbm>> -> memref<1000000x64xf32, #tpu.memory_space<hbm>>
      %dma_wait3A_973 = tpu.memref_slice %arg7[%dma_wait3A_964] : memref<10x!tpu.dma_semaphore, #tpu.memory_space<semaphore_mem>> -> memref<1x!tpu.dma_semaphore, #tpu.memory_space<semaphore_mem>>
      %dma_wait3A_974 = tpu.memref_squeeze %dma_wait3A_973 : memref<1x!tpu.dma_semaphore, #tpu.memory_space<semaphore_mem>> -> memref<!tpu.dma_semaphore, #tpu.memory_space<semaphore_mem>>
      tpu.wait_indirect_dma semaphore(%dma_wait3A_974 : memref<!tpu.dma_semaphore, #tpu.memory_space<semaphore_mem>>) src(%dma_wait3A_972 : memref<1000000x64xf32, #tpu.memory_space<hbm>>) dst(%dma_wait3A_968 : memref<128x64xf32, #tpu.memory_space<vmem>>)
      %add3A_975 = arith.addi %mul3A_2, %add3A_960 : i32
      %mul3A_976 = arith.constant 128 : i32
      %mul3A_977 = arith.muli %add3A_975, %mul3A_976 : i32
      %dma_start3A_978 = arith.constant 4 : i32
      %dma_start3A_979 = arith.constant 4 : i32
      %dma_start3A_980 = arith.constant 0 : i32
      %dma_start3A_981 = arith.constant 0 : i32
      %dma_start3A_982 = tpu.memref_slice %arg6[%dma_start3A_978, %dma_start3A_980, %dma_start3A_981] : memref<10x128x64xf32, #tpu.memory_space<vmem>> -> memref<1x128x64xf32, #tpu.memory_space<vmem>>
      %dma_start3A_983 = tpu.memref_squeeze %dma_start3A_982 : memref<1x128x64xf32, #tpu.memory_space<vmem>> -> memref<128x64xf32, #tpu.memory_space<vmem>>
      %dma_start3A_984 = arith.constant 0 : i32
      %dma_start3A_985 = tpu.memref_slice %arg4[%mul3A_977, %dma_start3A_984] : memref<204800x64xf32, #tpu.memory_space<hbm>> -> memref<128x64xf32, #tpu.memory_space<hbm>>
      %dma_start3A_986 = tpu.memref_slice %arg8[%dma_start3A_979] : memref<10x!tpu.dma_semaphore, #tpu.memory_space<semaphore_mem>> -> memref<1x!tpu.dma_semaphore, #tpu.memory_space<semaphore_mem>>
      %dma_start3A_987 = tpu.memref_squeeze %dma_start3A_986 : memref<1x!tpu.dma_semaphore, #tpu.memory_space<semaphore_mem>> -> memref<!tpu.dma_semaphore, #tpu.memory_space<semaphore_mem>>
      %dma_start3A_988 = arith.constant 0 : i32
      %dma_start3A_989 = tpu.memref_slice %arg4[%mul3A_977, %dma_start3A_988] : memref<204800x64xf32, #tpu.memory_space<hbm>> -> memref<128x64xf32, #tpu.memory_space<hbm>>
      %dma_start3A_990 = arith.constant 0 : i32
      %dma_start3A_991 = arith.constant 0 : i32
      %dma_start3A_992 = tpu.memref_slice %arg6[%dma_start3A_978, %dma_start3A_990, %dma_start3A_991] : memref<10x128x64xf32, #tpu.memory_space<vmem>> -> memref<1x128x64xf32, #tpu.memory_space<vmem>>
      %dma_start3A_993 = tpu.memref_squeeze %dma_start3A_992 : memref<1x128x64xf32, #tpu.memory_space<vmem>> -> memref<128x64xf32, #tpu.memory_space<vmem>>
      tpu.enqueue_dma source(%dma_start3A_993 : memref<128x64xf32, #tpu.memory_space<vmem>>) target(%dma_start3A_989 : memref<128x64xf32, #tpu.memory_space<hbm>>) target_semaphore(%dma_start3A_987 : memref<!tpu.dma_semaphore, #tpu.memory_space<semaphore_mem>>)
      %add3A_994 = arith.addi %mul3A_2, %add3A_960 : i32
      %mul3A_995 = arith.constant 128 : i32
      %mul3A_996 = arith.muli %add3A_994, %mul3A_995 : i32
      %dma_wait3A_997 = arith.constant 4 : i32
      %dma_wait3A_998 = arith.constant 4 : i32
      %dma_wait3A_999 = arith.constant 0 : i32
      %dma_wait3A_1000 = arith.constant 0 : i32
      %dma_wait3A_1001 = tpu.memref_slice %arg6[%dma_wait3A_997, %dma_wait3A_999, %dma_wait3A_1000] : memref<10x128x64xf32, #tpu.memory_space<vmem>> -> memref<1x128x64xf32, #tpu.memory_space<vmem>>
      %dma_wait3A_1002 = tpu.memref_squeeze %dma_wait3A_1001 : memref<1x128x64xf32, #tpu.memory_space<vmem>> -> memref<128x64xf32, #tpu.memory_space<vmem>>
      %dma_wait3A_1003 = arith.constant 0 : i32
      %dma_wait3A_1004 = tpu.memref_slice %arg4[%mul3A_996, %dma_wait3A_1003] : memref<204800x64xf32, #tpu.memory_space<hbm>> -> memref<128x64xf32, #tpu.memory_space<hbm>>
      %dma_wait3A_1005 = tpu.memref_slice %arg8[%dma_wait3A_998] : memref<10x!tpu.dma_semaphore, #tpu.memory_space<semaphore_mem>> -> memref<1x!tpu.dma_semaphore, #tpu.memory_space<semaphore_mem>>
      %dma_wait3A_1006 = tpu.memref_squeeze %dma_wait3A_1005 : memref<1x!tpu.dma_semaphore, #tpu.memory_space<semaphore_mem>> -> memref<!tpu.dma_semaphore, #tpu.memory_space<semaphore_mem>>
      %dma_wait3A_1007 = arith.constant 0 : i32
      %dma_wait3A_1008 = tpu.memref_slice %arg4[%mul3A_996, %dma_wait3A_1007] : memref<204800x64xf32, #tpu.memory_space<hbm>> -> memref<128x64xf32, #tpu.memory_space<hbm>>
      %dma_wait3A_1009 = arith.constant 0 : i32
      %dma_wait3A_1010 = arith.constant 0 : i32
      %dma_wait3A_1011 = tpu.memref_slice %arg6[%dma_wait3A_997, %dma_wait3A_1009, %dma_wait3A_1010] : memref<10x128x64xf32, #tpu.memory_space<vmem>> -> memref<1x128x64xf32, #tpu.memory_space<vmem>>
      %dma_wait3A_1012 = tpu.memref_squeeze %dma_wait3A_1011 : memref<1x128x64xf32, #tpu.memory_space<vmem>> -> memref<128x64xf32, #tpu.memory_space<vmem>>
      tpu.wait_dma2 semaphore(%dma_wait3A_1006 : memref<!tpu.dma_semaphore, #tpu.memory_space<semaphore_mem>>) src(%dma_wait3A_1012 : memref<128x64xf32, #tpu.memory_space<vmem>>) dst(%dma_wait3A_1008 : memref<128x64xf32, #tpu.memory_space<hbm>>)
      %add3A_1013 = arith.constant 10 : i32
      %add3A_1014 = arith.addi %add3A_960, %add3A_1013 : i32
      %mul3A_1015 = arith.constant 128 : i32
      %mul3A_1016 = arith.muli %add3A_1014, %mul3A_1015 : i32
      %dma_start3A_1017 = arith.constant 4 : i32
      %dma_start3A_1018 = arith.constant 4 : i32
      %dma_start3A_1019 = arith.constant 0 : i32
      %dma_start3A_1020 = arith.constant 0 : i32
      %dma_start3A_1021 = tpu.memref_slice %arg6[%dma_start3A_1017, %dma_start3A_1019, %dma_start3A_1020] : memref<10x128x64xf32, #tpu.memory_space<vmem>> -> memref<1x128x64xf32, #tpu.memory_space<vmem>>
      %dma_start3A_1022 = tpu.memref_squeeze %dma_start3A_1021 : memref<1x128x64xf32, #tpu.memory_space<vmem>> -> memref<128x64xf32, #tpu.memory_space<vmem>>
      %dma_start3A_1023 = tpu.memref_slice %arg5[%mul3A_1016] : memref<6400xi32, #tpu.memory_space<vmem>> -> memref<128xi32, #tpu.memory_space<vmem>>
      %dma_start3A_1024 = arith.constant 0 : i32
      %dma_start3A_1025 = arith.constant 0 : i32
      %dma_start3A_1026 = tpu.memref_slice %arg3[%dma_start3A_1024, %dma_start3A_1025] : memref<1000000x64xf32, #tpu.memory_space<hbm>> -> memref<1000000x64xf32, #tpu.memory_space<hbm>>
      %dma_start3A_1027 = tpu.memref_slice %arg7[%dma_start3A_1018] : memref<10x!tpu.dma_semaphore, #tpu.memory_space<semaphore_mem>> -> memref<1x!tpu.dma_semaphore, #tpu.memory_space<semaphore_mem>>
      %dma_start3A_1028 = tpu.memref_squeeze %dma_start3A_1027 : memref<1x!tpu.dma_semaphore, #tpu.memory_space<semaphore_mem>> -> memref<!tpu.dma_semaphore, #tpu.memory_space<semaphore_mem>>
      tpu.enqueue_indirect_dma source(%dma_start3A_1026 : memref<1000000x64xf32, #tpu.memory_space<hbm>>) target(%dma_start3A_1022 : memref<128x64xf32, #tpu.memory_space<vmem>>) offsets(%dma_start3A_1023 : memref<128xi32, #tpu.memory_space<vmem>>) semaphore(%dma_start3A_1028 : memref<!tpu.dma_semaphore, #tpu.memory_space<semaphore_mem>>)
      %mul3A_1029 = arith.constant 10 : i32
      %mul3A_1030 = arith.muli %scan3A_668, %mul3A_1029 : i32
      %add3A_1031 = arith.constant 5 : i32
      %add3A_1032 = arith.addi %mul3A_1030, %add3A_1031 : i32
      %mul3A_1033 = arith.constant 128 : i32
      %mul3A_1034 = arith.muli %add3A_1032, %mul3A_1033 : i32
      %dma_wait3A_1035 = arith.constant 5 : i32
      %dma_wait3A_1036 = arith.constant 5 : i32
      %dma_wait3A_1037 = arith.constant 0 : i32
      %dma_wait3A_1038 = arith.constant 0 : i32
      %dma_wait3A_1039 = tpu.memref_slice %arg6[%dma_wait3A_1035, %dma_wait3A_1037, %dma_wait3A_1038] : memref<10x128x64xf32, #tpu.memory_space<vmem>> -> memref<1x128x64xf32, #tpu.memory_space<vmem>>
      %dma_wait3A_1040 = tpu.memref_squeeze %dma_wait3A_1039 : memref<1x128x64xf32, #tpu.memory_space<vmem>> -> memref<128x64xf32, #tpu.memory_space<vmem>>
      %dma_wait3A_1041 = tpu.memref_slice %arg5[%mul3A_1034] : memref<6400xi32, #tpu.memory_space<vmem>> -> memref<128xi32, #tpu.memory_space<vmem>>
      %dma_wait3A_1042 = arith.constant 0 : i32
      %dma_wait3A_1043 = arith.constant 0 : i32
      %dma_wait3A_1044 = tpu.memref_slice %arg3[%dma_wait3A_1042, %dma_wait3A_1043] : memref<1000000x64xf32, #tpu.memory_space<hbm>> -> memref<1000000x64xf32, #tpu.memory_space<hbm>>
      %dma_wait3A_1045 = tpu.memref_slice %arg7[%dma_wait3A_1036] : memref<10x!tpu.dma_semaphore, #tpu.memory_space<semaphore_mem>> -> memref<1x!tpu.dma_semaphore, #tpu.memory_space<semaphore_mem>>
      %dma_wait3A_1046 = tpu.memref_squeeze %dma_wait3A_1045 : memref<1x!tpu.dma_semaphore, #tpu.memory_space<semaphore_mem>> -> memref<!tpu.dma_semaphore, #tpu.memory_space<semaphore_mem>>
      tpu.wait_indirect_dma semaphore(%dma_wait3A_1046 : memref<!tpu.dma_semaphore, #tpu.memory_space<semaphore_mem>>) src(%dma_wait3A_1044 : memref<1000000x64xf32, #tpu.memory_space<hbm>>) dst(%dma_wait3A_1040 : memref<128x64xf32, #tpu.memory_space<vmem>>)
      %add3A_1047 = arith.addi %mul3A_2, %add3A_1032 : i32
      %mul3A_1048 = arith.constant 128 : i32
      %mul3A_1049 = arith.muli %add3A_1047, %mul3A_1048 : i32
      %dma_start3A_1050 = arith.constant 5 : i32
      %dma_start3A_1051 = arith.constant 5 : i32
      %dma_start3A_1052 = arith.constant 0 : i32
      %dma_start3A_1053 = arith.constant 0 : i32
      %dma_start3A_1054 = tpu.memref_slice %arg6[%dma_start3A_1050, %dma_start3A_1052, %dma_start3A_1053] : memref<10x128x64xf32, #tpu.memory_space<vmem>> -> memref<1x128x64xf32, #tpu.memory_space<vmem>>
      %dma_start3A_1055 = tpu.memref_squeeze %dma_start3A_1054 : memref<1x128x64xf32, #tpu.memory_space<vmem>> -> memref<128x64xf32, #tpu.memory_space<vmem>>
      %dma_start3A_1056 = arith.constant 0 : i32
      %dma_start3A_1057 = tpu.memref_slice %arg4[%mul3A_1049, %dma_start3A_1056] : memref<204800x64xf32, #tpu.memory_space<hbm>> -> memref<128x64xf32, #tpu.memory_space<hbm>>
      %dma_start3A_1058 = tpu.memref_slice %arg8[%dma_start3A_1051] : memref<10x!tpu.dma_semaphore, #tpu.memory_space<semaphore_mem>> -> memref<1x!tpu.dma_semaphore, #tpu.memory_space<semaphore_mem>>
      %dma_start3A_1059 = tpu.memref_squeeze %dma_start3A_1058 : memref<1x!tpu.dma_semaphore, #tpu.memory_space<semaphore_mem>> -> memref<!tpu.dma_semaphore, #tpu.memory_space<semaphore_mem>>
      %dma_start3A_1060 = arith.constant 0 : i32
      %dma_start3A_1061 = tpu.memref_slice %arg4[%mul3A_1049, %dma_start3A_1060] : memref<204800x64xf32, #tpu.memory_space<hbm>> -> memref<128x64xf32, #tpu.memory_space<hbm>>
      %dma_start3A_1062 = arith.constant 0 : i32
      %dma_start3A_1063 = arith.constant 0 : i32
      %dma_start3A_1064 = tpu.memref_slice %arg6[%dma_start3A_1050, %dma_start3A_1062, %dma_start3A_1063] : memref<10x128x64xf32, #tpu.memory_space<vmem>> -> memref<1x128x64xf32, #tpu.memory_space<vmem>>
      %dma_start3A_1065 = tpu.memref_squeeze %dma_start3A_1064 : memref<1x128x64xf32, #tpu.memory_space<vmem>> -> memref<128x64xf32, #tpu.memory_space<vmem>>
      tpu.enqueue_dma source(%dma_start3A_1065 : memref<128x64xf32, #tpu.memory_space<vmem>>) target(%dma_start3A_1061 : memref<128x64xf32, #tpu.memory_space<hbm>>) target_semaphore(%dma_start3A_1059 : memref<!tpu.dma_semaphore, #tpu.memory_space<semaphore_mem>>)
      %add3A_1066 = arith.addi %mul3A_2, %add3A_1032 : i32
      %mul3A_1067 = arith.constant 128 : i32
      %mul3A_1068 = arith.muli %add3A_1066, %mul3A_1067 : i32
      %dma_wait3A_1069 = arith.constant 5 : i32
      %dma_wait3A_1070 = arith.constant 5 : i32
      %dma_wait3A_1071 = arith.constant 0 : i32
      %dma_wait3A_1072 = arith.constant 0 : i32
      %dma_wait3A_1073 = tpu.memref_slice %arg6[%dma_wait3A_1069, %dma_wait3A_1071, %dma_wait3A_1072] : memref<10x128x64xf32, #tpu.memory_space<vmem>> -> memref<1x128x64xf32, #tpu.memory_space<vmem>>
      %dma_wait3A_1074 = tpu.memref_squeeze %dma_wait3A_1073 : memref<1x128x64xf32, #tpu.memory_space<vmem>> -> memref<128x64xf32, #tpu.memory_space<vmem>>
      %dma_wait3A_1075 = arith.constant 0 : i32
      %dma_wait3A_1076 = tpu.memref_slice %arg4[%mul3A_1068, %dma_wait3A_1075] : memref<204800x64xf32, #tpu.memory_space<hbm>> -> memref<128x64xf32, #tpu.memory_space<hbm>>
      %dma_wait3A_1077 = tpu.memref_slice %arg8[%dma_wait3A_1070] : memref<10x!tpu.dma_semaphore, #tpu.memory_space<semaphore_mem>> -> memref<1x!tpu.dma_semaphore, #tpu.memory_space<semaphore_mem>>
      %dma_wait3A_1078 = tpu.memref_squeeze %dma_wait3A_1077 : memref<1x!tpu.dma_semaphore, #tpu.memory_space<semaphore_mem>> -> memref<!tpu.dma_semaphore, #tpu.memory_space<semaphore_mem>>
      %dma_wait3A_1079 = arith.constant 0 : i32
      %dma_wait3A_1080 = tpu.memref_slice %arg4[%mul3A_1068, %dma_wait3A_1079] : memref<204800x64xf32, #tpu.memory_space<hbm>> -> memref<128x64xf32, #tpu.memory_space<hbm>>
      %dma_wait3A_1081 = arith.constant 0 : i32
      %dma_wait3A_1082 = arith.constant 0 : i32
      %dma_wait3A_1083 = tpu.memref_slice %arg6[%dma_wait3A_1069, %dma_wait3A_1081, %dma_wait3A_1082] : memref<10x128x64xf32, #tpu.memory_space<vmem>> -> memref<1x128x64xf32, #tpu.memory_space<vmem>>
      %dma_wait3A_1084 = tpu.memref_squeeze %dma_wait3A_1083 : memref<1x128x64xf32, #tpu.memory_space<vmem>> -> memref<128x64xf32, #tpu.memory_space<vmem>>
      tpu.wait_dma2 semaphore(%dma_wait3A_1078 : memref<!tpu.dma_semaphore, #tpu.memory_space<semaphore_mem>>) src(%dma_wait3A_1084 : memref<128x64xf32, #tpu.memory_space<vmem>>) dst(%dma_wait3A_1080 : memref<128x64xf32, #tpu.memory_space<hbm>>)
      %add3A_1085 = arith.constant 10 : i32
      %add3A_1086 = arith.addi %add3A_1032, %add3A_1085 : i32
      %mul3A_1087 = arith.constant 128 : i32
      %mul3A_1088 = arith.muli %add3A_1086, %mul3A_1087 : i32
      %dma_start3A_1089 = arith.constant 5 : i32
      %dma_start3A_1090 = arith.constant 5 : i32
      %dma_start3A_1091 = arith.constant 0 : i32
      %dma_start3A_1092 = arith.constant 0 : i32
      %dma_start3A_1093 = tpu.memref_slice %arg6[%dma_start3A_1089, %dma_start3A_1091, %dma_start3A_1092] : memref<10x128x64xf32, #tpu.memory_space<vmem>> -> memref<1x128x64xf32, #tpu.memory_space<vmem>>
      %dma_start3A_1094 = tpu.memref_squeeze %dma_start3A_1093 : memref<1x128x64xf32, #tpu.memory_space<vmem>> -> memref<128x64xf32, #tpu.memory_space<vmem>>
      %dma_start3A_1095 = tpu.memref_slice %arg5[%mul3A_1088] : memref<6400xi32, #tpu.memory_space<vmem>> -> memref<128xi32, #tpu.memory_space<vmem>>
      %dma_start3A_1096 = arith.constant 0 : i32
      %dma_start3A_1097 = arith.constant 0 : i32
      %dma_start3A_1098 = tpu.memref_slice %arg3[%dma_start3A_1096, %dma_start3A_1097] : memref<1000000x64xf32, #tpu.memory_space<hbm>> -> memref<1000000x64xf32, #tpu.memory_space<hbm>>
      %dma_start3A_1099 = tpu.memref_slice %arg7[%dma_start3A_1090] : memref<10x!tpu.dma_semaphore, #tpu.memory_space<semaphore_mem>> -> memref<1x!tpu.dma_semaphore, #tpu.memory_space<semaphore_mem>>
      %dma_start3A_1100 = tpu.memref_squeeze %dma_start3A_1099 : memref<1x!tpu.dma_semaphore, #tpu.memory_space<semaphore_mem>> -> memref<!tpu.dma_semaphore, #tpu.memory_space<semaphore_mem>>
      tpu.enqueue_indirect_dma source(%dma_start3A_1098 : memref<1000000x64xf32, #tpu.memory_space<hbm>>) target(%dma_start3A_1094 : memref<128x64xf32, #tpu.memory_space<vmem>>) offsets(%dma_start3A_1095 : memref<128xi32, #tpu.memory_space<vmem>>) semaphore(%dma_start3A_1100 : memref<!tpu.dma_semaphore, #tpu.memory_space<semaphore_mem>>)
      %mul3A_1101 = arith.constant 10 : i32
      %mul3A_1102 = arith.muli %scan3A_668, %mul3A_1101 : i32
      %add3A_1103 = arith.constant 6 : i32
      %add3A_1104 = arith.addi %mul3A_1102, %add3A_1103 : i32
      %mul3A_1105 = arith.constant 128 : i32
      %mul3A_1106 = arith.muli %add3A_1104, %mul3A_1105 : i32
      %dma_wait3A_1107 = arith.constant 6 : i32
      %dma_wait3A_1108 = arith.constant 6 : i32
      %dma_wait3A_1109 = arith.constant 0 : i32
      %dma_wait3A_1110 = arith.constant 0 : i32
      %dma_wait3A_1111 = tpu.memref_slice %arg6[%dma_wait3A_1107, %dma_wait3A_1109, %dma_wait3A_1110] : memref<10x128x64xf32, #tpu.memory_space<vmem>> -> memref<1x128x64xf32, #tpu.memory_space<vmem>>
      %dma_wait3A_1112 = tpu.memref_squeeze %dma_wait3A_1111 : memref<1x128x64xf32, #tpu.memory_space<vmem>> -> memref<128x64xf32, #tpu.memory_space<vmem>>
      %dma_wait3A_1113 = tpu.memref_slice %arg5[%mul3A_1106] : memref<6400xi32, #tpu.memory_space<vmem>> -> memref<128xi32, #tpu.memory_space<vmem>>
      %dma_wait3A_1114 = arith.constant 0 : i32
      %dma_wait3A_1115 = arith.constant 0 : i32
      %dma_wait3A_1116 = tpu.memref_slice %arg3[%dma_wait3A_1114, %dma_wait3A_1115] : memref<1000000x64xf32, #tpu.memory_space<hbm>> -> memref<1000000x64xf32, #tpu.memory_space<hbm>>
      %dma_wait3A_1117 = tpu.memref_slice %arg7[%dma_wait3A_1108] : memref<10x!tpu.dma_semaphore, #tpu.memory_space<semaphore_mem>> -> memref<1x!tpu.dma_semaphore, #tpu.memory_space<semaphore_mem>>
      %dma_wait3A_1118 = tpu.memref_squeeze %dma_wait3A_1117 : memref<1x!tpu.dma_semaphore, #tpu.memory_space<semaphore_mem>> -> memref<!tpu.dma_semaphore, #tpu.memory_space<semaphore_mem>>
      tpu.wait_indirect_dma semaphore(%dma_wait3A_1118 : memref<!tpu.dma_semaphore, #tpu.memory_space<semaphore_mem>>) src(%dma_wait3A_1116 : memref<1000000x64xf32, #tpu.memory_space<hbm>>) dst(%dma_wait3A_1112 : memref<128x64xf32, #tpu.memory_space<vmem>>)
      %add3A_1119 = arith.addi %mul3A_2, %add3A_1104 : i32
      %mul3A_1120 = arith.constant 128 : i32
      %mul3A_1121 = arith.muli %add3A_1119, %mul3A_1120 : i32
      %dma_start3A_1122 = arith.constant 6 : i32
      %dma_start3A_1123 = arith.constant 6 : i32
      %dma_start3A_1124 = arith.constant 0 : i32
      %dma_start3A_1125 = arith.constant 0 : i32
      %dma_start3A_1126 = tpu.memref_slice %arg6[%dma_start3A_1122, %dma_start3A_1124, %dma_start3A_1125] : memref<10x128x64xf32, #tpu.memory_space<vmem>> -> memref<1x128x64xf32, #tpu.memory_space<vmem>>
      %dma_start3A_1127 = tpu.memref_squeeze %dma_start3A_1126 : memref<1x128x64xf32, #tpu.memory_space<vmem>> -> memref<128x64xf32, #tpu.memory_space<vmem>>
      %dma_start3A_1128 = arith.constant 0 : i32
      %dma_start3A_1129 = tpu.memref_slice %arg4[%mul3A_1121, %dma_start3A_1128] : memref<204800x64xf32, #tpu.memory_space<hbm>> -> memref<128x64xf32, #tpu.memory_space<hbm>>
      %dma_start3A_1130 = tpu.memref_slice %arg8[%dma_start3A_1123] : memref<10x!tpu.dma_semaphore, #tpu.memory_space<semaphore_mem>> -> memref<1x!tpu.dma_semaphore, #tpu.memory_space<semaphore_mem>>
      %dma_start3A_1131 = tpu.memref_squeeze %dma_start3A_1130 : memref<1x!tpu.dma_semaphore, #tpu.memory_space<semaphore_mem>> -> memref<!tpu.dma_semaphore, #tpu.memory_space<semaphore_mem>>
      %dma_start3A_1132 = arith.constant 0 : i32
      %dma_start3A_1133 = tpu.memref_slice %arg4[%mul3A_1121, %dma_start3A_1132] : memref<204800x64xf32, #tpu.memory_space<hbm>> -> memref<128x64xf32, #tpu.memory_space<hbm>>
      %dma_start3A_1134 = arith.constant 0 : i32
      %dma_start3A_1135 = arith.constant 0 : i32
      %dma_start3A_1136 = tpu.memref_slice %arg6[%dma_start3A_1122, %dma_start3A_1134, %dma_start3A_1135] : memref<10x128x64xf32, #tpu.memory_space<vmem>> -> memref<1x128x64xf32, #tpu.memory_space<vmem>>
      %dma_start3A_1137 = tpu.memref_squeeze %dma_start3A_1136 : memref<1x128x64xf32, #tpu.memory_space<vmem>> -> memref<128x64xf32, #tpu.memory_space<vmem>>
      tpu.enqueue_dma source(%dma_start3A_1137 : memref<128x64xf32, #tpu.memory_space<vmem>>) target(%dma_start3A_1133 : memref<128x64xf32, #tpu.memory_space<hbm>>) target_semaphore(%dma_start3A_1131 : memref<!tpu.dma_semaphore, #tpu.memory_space<semaphore_mem>>)
      %add3A_1138 = arith.addi %mul3A_2, %add3A_1104 : i32
      %mul3A_1139 = arith.constant 128 : i32
      %mul3A_1140 = arith.muli %add3A_1138, %mul3A_1139 : i32
      %dma_wait3A_1141 = arith.constant 6 : i32
      %dma_wait3A_1142 = arith.constant 6 : i32
      %dma_wait3A_1143 = arith.constant 0 : i32
      %dma_wait3A_1144 = arith.constant 0 : i32
      %dma_wait3A_1145 = tpu.memref_slice %arg6[%dma_wait3A_1141, %dma_wait3A_1143, %dma_wait3A_1144] : memref<10x128x64xf32, #tpu.memory_space<vmem>> -> memref<1x128x64xf32, #tpu.memory_space<vmem>>
      %dma_wait3A_1146 = tpu.memref_squeeze %dma_wait3A_1145 : memref<1x128x64xf32, #tpu.memory_space<vmem>> -> memref<128x64xf32, #tpu.memory_space<vmem>>
      %dma_wait3A_1147 = arith.constant 0 : i32
      %dma_wait3A_1148 = tpu.memref_slice %arg4[%mul3A_1140, %dma_wait3A_1147] : memref<204800x64xf32, #tpu.memory_space<hbm>> -> memref<128x64xf32, #tpu.memory_space<hbm>>
      %dma_wait3A_1149 = tpu.memref_slice %arg8[%dma_wait3A_1142] : memref<10x!tpu.dma_semaphore, #tpu.memory_space<semaphore_mem>> -> memref<1x!tpu.dma_semaphore, #tpu.memory_space<semaphore_mem>>
      %dma_wait3A_1150 = tpu.memref_squeeze %dma_wait3A_1149 : memref<1x!tpu.dma_semaphore, #tpu.memory_space<semaphore_mem>> -> memref<!tpu.dma_semaphore, #tpu.memory_space<semaphore_mem>>
      %dma_wait3A_1151 = arith.constant 0 : i32
      %dma_wait3A_1152 = tpu.memref_slice %arg4[%mul3A_1140, %dma_wait3A_1151] : memref<204800x64xf32, #tpu.memory_space<hbm>> -> memref<128x64xf32, #tpu.memory_space<hbm>>
      %dma_wait3A_1153 = arith.constant 0 : i32
      %dma_wait3A_1154 = arith.constant 0 : i32
      %dma_wait3A_1155 = tpu.memref_slice %arg6[%dma_wait3A_1141, %dma_wait3A_1153, %dma_wait3A_1154] : memref<10x128x64xf32, #tpu.memory_space<vmem>> -> memref<1x128x64xf32, #tpu.memory_space<vmem>>
      %dma_wait3A_1156 = tpu.memref_squeeze %dma_wait3A_1155 : memref<1x128x64xf32, #tpu.memory_space<vmem>> -> memref<128x64xf32, #tpu.memory_space<vmem>>
      tpu.wait_dma2 semaphore(%dma_wait3A_1150 : memref<!tpu.dma_semaphore, #tpu.memory_space<semaphore_mem>>) src(%dma_wait3A_1156 : memref<128x64xf32, #tpu.memory_space<vmem>>) dst(%dma_wait3A_1152 : memref<128x64xf32, #tpu.memory_space<hbm>>)
      %add3A_1157 = arith.constant 10 : i32
      %add3A_1158 = arith.addi %add3A_1104, %add3A_1157 : i32
      %mul3A_1159 = arith.constant 128 : i32
      %mul3A_1160 = arith.muli %add3A_1158, %mul3A_1159 : i32
      %dma_start3A_1161 = arith.constant 6 : i32
      %dma_start3A_1162 = arith.constant 6 : i32
      %dma_start3A_1163 = arith.constant 0 : i32
      %dma_start3A_1164 = arith.constant 0 : i32
      %dma_start3A_1165 = tpu.memref_slice %arg6[%dma_start3A_1161, %dma_start3A_1163, %dma_start3A_1164] : memref<10x128x64xf32, #tpu.memory_space<vmem>> -> memref<1x128x64xf32, #tpu.memory_space<vmem>>
      %dma_start3A_1166 = tpu.memref_squeeze %dma_start3A_1165 : memref<1x128x64xf32, #tpu.memory_space<vmem>> -> memref<128x64xf32, #tpu.memory_space<vmem>>
      %dma_start3A_1167 = tpu.memref_slice %arg5[%mul3A_1160] : memref<6400xi32, #tpu.memory_space<vmem>> -> memref<128xi32, #tpu.memory_space<vmem>>
      %dma_start3A_1168 = arith.constant 0 : i32
      %dma_start3A_1169 = arith.constant 0 : i32
      %dma_start3A_1170 = tpu.memref_slice %arg3[%dma_start3A_1168, %dma_start3A_1169] : memref<1000000x64xf32, #tpu.memory_space<hbm>> -> memref<1000000x64xf32, #tpu.memory_space<hbm>>
      %dma_start3A_1171 = tpu.memref_slice %arg7[%dma_start3A_1162] : memref<10x!tpu.dma_semaphore, #tpu.memory_space<semaphore_mem>> -> memref<1x!tpu.dma_semaphore, #tpu.memory_space<semaphore_mem>>
      %dma_start3A_1172 = tpu.memref_squeeze %dma_start3A_1171 : memref<1x!tpu.dma_semaphore, #tpu.memory_space<semaphore_mem>> -> memref<!tpu.dma_semaphore, #tpu.memory_space<semaphore_mem>>
      tpu.enqueue_indirect_dma source(%dma_start3A_1170 : memref<1000000x64xf32, #tpu.memory_space<hbm>>) target(%dma_start3A_1166 : memref<128x64xf32, #tpu.memory_space<vmem>>) offsets(%dma_start3A_1167 : memref<128xi32, #tpu.memory_space<vmem>>) semaphore(%dma_start3A_1172 : memref<!tpu.dma_semaphore, #tpu.memory_space<semaphore_mem>>)
      %mul3A_1173 = arith.constant 10 : i32
      %mul3A_1174 = arith.muli %scan3A_668, %mul3A_1173 : i32
      %add3A_1175 = arith.constant 7 : i32
      %add3A_1176 = arith.addi %mul3A_1174, %add3A_1175 : i32
      %mul3A_1177 = arith.constant 128 : i32
      %mul3A_1178 = arith.muli %add3A_1176, %mul3A_1177 : i32
      %dma_wait3A_1179 = arith.constant 7 : i32
      %dma_wait3A_1180 = arith.constant 7 : i32
      %dma_wait3A_1181 = arith.constant 0 : i32
      %dma_wait3A_1182 = arith.constant 0 : i32
      %dma_wait3A_1183 = tpu.memref_slice %arg6[%dma_wait3A_1179, %dma_wait3A_1181, %dma_wait3A_1182] : memref<10x128x64xf32, #tpu.memory_space<vmem>> -> memref<1x128x64xf32, #tpu.memory_space<vmem>>
      %dma_wait3A_1184 = tpu.memref_squeeze %dma_wait3A_1183 : memref<1x128x64xf32, #tpu.memory_space<vmem>> -> memref<128x64xf32, #tpu.memory_space<vmem>>
      %dma_wait3A_1185 = tpu.memref_slice %arg5[%mul3A_1178] : memref<6400xi32, #tpu.memory_space<vmem>> -> memref<128xi32, #tpu.memory_space<vmem>>
      %dma_wait3A_1186 = arith.constant 0 : i32
      %dma_wait3A_1187 = arith.constant 0 : i32
      %dma_wait3A_1188 = tpu.memref_slice %arg3[%dma_wait3A_1186, %dma_wait3A_1187] : memref<1000000x64xf32, #tpu.memory_space<hbm>> -> memref<1000000x64xf32, #tpu.memory_space<hbm>>
      %dma_wait3A_1189 = tpu.memref_slice %arg7[%dma_wait3A_1180] : memref<10x!tpu.dma_semaphore, #tpu.memory_space<semaphore_mem>> -> memref<1x!tpu.dma_semaphore, #tpu.memory_space<semaphore_mem>>
      %dma_wait3A_1190 = tpu.memref_squeeze %dma_wait3A_1189 : memref<1x!tpu.dma_semaphore, #tpu.memory_space<semaphore_mem>> -> memref<!tpu.dma_semaphore, #tpu.memory_space<semaphore_mem>>
      tpu.wait_indirect_dma semaphore(%dma_wait3A_1190 : memref<!tpu.dma_semaphore, #tpu.memory_space<semaphore_mem>>) src(%dma_wait3A_1188 : memref<1000000x64xf32, #tpu.memory_space<hbm>>) dst(%dma_wait3A_1184 : memref<128x64xf32, #tpu.memory_space<vmem>>)
      %add3A_1191 = arith.addi %mul3A_2, %add3A_1176 : i32
      %mul3A_1192 = arith.constant 128 : i32
      %mul3A_1193 = arith.muli %add3A_1191, %mul3A_1192 : i32
      %dma_start3A_1194 = arith.constant 7 : i32
      %dma_start3A_1195 = arith.constant 7 : i32
      %dma_start3A_1196 = arith.constant 0 : i32
      %dma_start3A_1197 = arith.constant 0 : i32
      %dma_start3A_1198 = tpu.memref_slice %arg6[%dma_start3A_1194, %dma_start3A_1196, %dma_start3A_1197] : memref<10x128x64xf32, #tpu.memory_space<vmem>> -> memref<1x128x64xf32, #tpu.memory_space<vmem>>
      %dma_start3A_1199 = tpu.memref_squeeze %dma_start3A_1198 : memref<1x128x64xf32, #tpu.memory_space<vmem>> -> memref<128x64xf32, #tpu.memory_space<vmem>>
      %dma_start3A_1200 = arith.constant 0 : i32
      %dma_start3A_1201 = tpu.memref_slice %arg4[%mul3A_1193, %dma_start3A_1200] : memref<204800x64xf32, #tpu.memory_space<hbm>> -> memref<128x64xf32, #tpu.memory_space<hbm>>
      %dma_start3A_1202 = tpu.memref_slice %arg8[%dma_start3A_1195] : memref<10x!tpu.dma_semaphore, #tpu.memory_space<semaphore_mem>> -> memref<1x!tpu.dma_semaphore, #tpu.memory_space<semaphore_mem>>
      %dma_start3A_1203 = tpu.memref_squeeze %dma_start3A_1202 : memref<1x!tpu.dma_semaphore, #tpu.memory_space<semaphore_mem>> -> memref<!tpu.dma_semaphore, #tpu.memory_space<semaphore_mem>>
      %dma_start3A_1204 = arith.constant 0 : i32
      %dma_start3A_1205 = tpu.memref_slice %arg4[%mul3A_1193, %dma_start3A_1204] : memref<204800x64xf32, #tpu.memory_space<hbm>> -> memref<128x64xf32, #tpu.memory_space<hbm>>
      %dma_start3A_1206 = arith.constant 0 : i32
      %dma_start3A_1207 = arith.constant 0 : i32
      %dma_start3A_1208 = tpu.memref_slice %arg6[%dma_start3A_1194, %dma_start3A_1206, %dma_start3A_1207] : memref<10x128x64xf32, #tpu.memory_space<vmem>> -> memref<1x128x64xf32, #tpu.memory_space<vmem>>
      %dma_start3A_1209 = tpu.memref_squeeze %dma_start3A_1208 : memref<1x128x64xf32, #tpu.memory_space<vmem>> -> memref<128x64xf32, #tpu.memory_space<vmem>>
      tpu.enqueue_dma source(%dma_start3A_1209 : memref<128x64xf32, #tpu.memory_space<vmem>>) target(%dma_start3A_1205 : memref<128x64xf32, #tpu.memory_space<hbm>>) target_semaphore(%dma_start3A_1203 : memref<!tpu.dma_semaphore, #tpu.memory_space<semaphore_mem>>)
      %add3A_1210 = arith.addi %mul3A_2, %add3A_1176 : i32
      %mul3A_1211 = arith.constant 128 : i32
      %mul3A_1212 = arith.muli %add3A_1210, %mul3A_1211 : i32
      %dma_wait3A_1213 = arith.constant 7 : i32
      %dma_wait3A_1214 = arith.constant 7 : i32
      %dma_wait3A_1215 = arith.constant 0 : i32
      %dma_wait3A_1216 = arith.constant 0 : i32
      %dma_wait3A_1217 = tpu.memref_slice %arg6[%dma_wait3A_1213, %dma_wait3A_1215, %dma_wait3A_1216] : memref<10x128x64xf32, #tpu.memory_space<vmem>> -> memref<1x128x64xf32, #tpu.memory_space<vmem>>
      %dma_wait3A_1218 = tpu.memref_squeeze %dma_wait3A_1217 : memref<1x128x64xf32, #tpu.memory_space<vmem>> -> memref<128x64xf32, #tpu.memory_space<vmem>>
      %dma_wait3A_1219 = arith.constant 0 : i32
      %dma_wait3A_1220 = tpu.memref_slice %arg4[%mul3A_1212, %dma_wait3A_1219] : memref<204800x64xf32, #tpu.memory_space<hbm>> -> memref<128x64xf32, #tpu.memory_space<hbm>>
      %dma_wait3A_1221 = tpu.memref_slice %arg8[%dma_wait3A_1214] : memref<10x!tpu.dma_semaphore, #tpu.memory_space<semaphore_mem>> -> memref<1x!tpu.dma_semaphore, #tpu.memory_space<semaphore_mem>>
      %dma_wait3A_1222 = tpu.memref_squeeze %dma_wait3A_1221 : memref<1x!tpu.dma_semaphore, #tpu.memory_space<semaphore_mem>> -> memref<!tpu.dma_semaphore, #tpu.memory_space<semaphore_mem>>
      %dma_wait3A_1223 = arith.constant 0 : i32
      %dma_wait3A_1224 = tpu.memref_slice %arg4[%mul3A_1212, %dma_wait3A_1223] : memref<204800x64xf32, #tpu.memory_space<hbm>> -> memref<128x64xf32, #tpu.memory_space<hbm>>
      %dma_wait3A_1225 = arith.constant 0 : i32
      %dma_wait3A_1226 = arith.constant 0 : i32
      %dma_wait3A_1227 = tpu.memref_slice %arg6[%dma_wait3A_1213, %dma_wait3A_1225, %dma_wait3A_1226] : memref<10x128x64xf32, #tpu.memory_space<vmem>> -> memref<1x128x64xf32, #tpu.memory_space<vmem>>
      %dma_wait3A_1228 = tpu.memref_squeeze %dma_wait3A_1227 : memref<1x128x64xf32, #tpu.memory_space<vmem>> -> memref<128x64xf32, #tpu.memory_space<vmem>>
      tpu.wait_dma2 semaphore(%dma_wait3A_1222 : memref<!tpu.dma_semaphore, #tpu.memory_space<semaphore_mem>>) src(%dma_wait3A_1228 : memref<128x64xf32, #tpu.memory_space<vmem>>) dst(%dma_wait3A_1224 : memref<128x64xf32, #tpu.memory_space<hbm>>)
      %add3A_1229 = arith.constant 10 : i32
      %add3A_1230 = arith.addi %add3A_1176, %add3A_1229 : i32
      %mul3A_1231 = arith.constant 128 : i32
      %mul3A_1232 = arith.muli %add3A_1230, %mul3A_1231 : i32
      %dma_start3A_1233 = arith.constant 7 : i32
      %dma_start3A_1234 = arith.constant 7 : i32
      %dma_start3A_1235 = arith.constant 0 : i32
      %dma_start3A_1236 = arith.constant 0 : i32
      %dma_start3A_1237 = tpu.memref_slice %arg6[%dma_start3A_1233, %dma_start3A_1235, %dma_start3A_1236] : memref<10x128x64xf32, #tpu.memory_space<vmem>> -> memref<1x128x64xf32, #tpu.memory_space<vmem>>
      %dma_start3A_1238 = tpu.memref_squeeze %dma_start3A_1237 : memref<1x128x64xf32, #tpu.memory_space<vmem>> -> memref<128x64xf32, #tpu.memory_space<vmem>>
      %dma_start3A_1239 = tpu.memref_slice %arg5[%mul3A_1232] : memref<6400xi32, #tpu.memory_space<vmem>> -> memref<128xi32, #tpu.memory_space<vmem>>
      %dma_start3A_1240 = arith.constant 0 : i32
      %dma_start3A_1241 = arith.constant 0 : i32
      %dma_start3A_1242 = tpu.memref_slice %arg3[%dma_start3A_1240, %dma_start3A_1241] : memref<1000000x64xf32, #tpu.memory_space<hbm>> -> memref<1000000x64xf32, #tpu.memory_space<hbm>>
      %dma_start3A_1243 = tpu.memref_slice %arg7[%dma_start3A_1234] : memref<10x!tpu.dma_semaphore, #tpu.memory_space<semaphore_mem>> -> memref<1x!tpu.dma_semaphore, #tpu.memory_space<semaphore_mem>>
      %dma_start3A_1244 = tpu.memref_squeeze %dma_start3A_1243 : memref<1x!tpu.dma_semaphore, #tpu.memory_space<semaphore_mem>> -> memref<!tpu.dma_semaphore, #tpu.memory_space<semaphore_mem>>
      tpu.enqueue_indirect_dma source(%dma_start3A_1242 : memref<1000000x64xf32, #tpu.memory_space<hbm>>) target(%dma_start3A_1238 : memref<128x64xf32, #tpu.memory_space<vmem>>) offsets(%dma_start3A_1239 : memref<128xi32, #tpu.memory_space<vmem>>) semaphore(%dma_start3A_1244 : memref<!tpu.dma_semaphore, #tpu.memory_space<semaphore_mem>>)
      %mul3A_1245 = arith.constant 10 : i32
      %mul3A_1246 = arith.muli %scan3A_668, %mul3A_1245 : i32
      %add3A_1247 = arith.constant 8 : i32
      %add3A_1248 = arith.addi %mul3A_1246, %add3A_1247 : i32
      %mul3A_1249 = arith.constant 128 : i32
      %mul3A_1250 = arith.muli %add3A_1248, %mul3A_1249 : i32
      %dma_wait3A_1251 = arith.constant 8 : i32
      %dma_wait3A_1252 = arith.constant 8 : i32
      %dma_wait3A_1253 = arith.constant 0 : i32
      %dma_wait3A_1254 = arith.constant 0 : i32
      %dma_wait3A_1255 = tpu.memref_slice %arg6[%dma_wait3A_1251, %dma_wait3A_1253, %dma_wait3A_1254] : memref<10x128x64xf32, #tpu.memory_space<vmem>> -> memref<1x128x64xf32, #tpu.memory_space<vmem>>
      %dma_wait3A_1256 = tpu.memref_squeeze %dma_wait3A_1255 : memref<1x128x64xf32, #tpu.memory_space<vmem>> -> memref<128x64xf32, #tpu.memory_space<vmem>>
      %dma_wait3A_1257 = tpu.memref_slice %arg5[%mul3A_1250] : memref<6400xi32, #tpu.memory_space<vmem>> -> memref<128xi32, #tpu.memory_space<vmem>>
      %dma_wait3A_1258 = arith.constant 0 : i32
      %dma_wait3A_1259 = arith.constant 0 : i32
      %dma_wait3A_1260 = tpu.memref_slice %arg3[%dma_wait3A_1258, %dma_wait3A_1259] : memref<1000000x64xf32, #tpu.memory_space<hbm>> -> memref<1000000x64xf32, #tpu.memory_space<hbm>>
      %dma_wait3A_1261 = tpu.memref_slice %arg7[%dma_wait3A_1252] : memref<10x!tpu.dma_semaphore, #tpu.memory_space<semaphore_mem>> -> memref<1x!tpu.dma_semaphore, #tpu.memory_space<semaphore_mem>>
      %dma_wait3A_1262 = tpu.memref_squeeze %dma_wait3A_1261 : memref<1x!tpu.dma_semaphore, #tpu.memory_space<semaphore_mem>> -> memref<!tpu.dma_semaphore, #tpu.memory_space<semaphore_mem>>
      tpu.wait_indirect_dma semaphore(%dma_wait3A_1262 : memref<!tpu.dma_semaphore, #tpu.memory_space<semaphore_mem>>) src(%dma_wait3A_1260 : memref<1000000x64xf32, #tpu.memory_space<hbm>>) dst(%dma_wait3A_1256 : memref<128x64xf32, #tpu.memory_space<vmem>>)
      %add3A_1263 = arith.addi %mul3A_2, %add3A_1248 : i32
      %mul3A_1264 = arith.constant 128 : i32
      %mul3A_1265 = arith.muli %add3A_1263, %mul3A_1264 : i32
      %dma_start3A_1266 = arith.constant 8 : i32
      %dma_start3A_1267 = arith.constant 8 : i32
      %dma_start3A_1268 = arith.constant 0 : i32
      %dma_start3A_1269 = arith.constant 0 : i32
      %dma_start3A_1270 = tpu.memref_slice %arg6[%dma_start3A_1266, %dma_start3A_1268, %dma_start3A_1269] : memref<10x128x64xf32, #tpu.memory_space<vmem>> -> memref<1x128x64xf32, #tpu.memory_space<vmem>>
      %dma_start3A_1271 = tpu.memref_squeeze %dma_start3A_1270 : memref<1x128x64xf32, #tpu.memory_space<vmem>> -> memref<128x64xf32, #tpu.memory_space<vmem>>
      %dma_start3A_1272 = arith.constant 0 : i32
      %dma_start3A_1273 = tpu.memref_slice %arg4[%mul3A_1265, %dma_start3A_1272] : memref<204800x64xf32, #tpu.memory_space<hbm>> -> memref<128x64xf32, #tpu.memory_space<hbm>>
      %dma_start3A_1274 = tpu.memref_slice %arg8[%dma_start3A_1267] : memref<10x!tpu.dma_semaphore, #tpu.memory_space<semaphore_mem>> -> memref<1x!tpu.dma_semaphore, #tpu.memory_space<semaphore_mem>>
      %dma_start3A_1275 = tpu.memref_squeeze %dma_start3A_1274 : memref<1x!tpu.dma_semaphore, #tpu.memory_space<semaphore_mem>> -> memref<!tpu.dma_semaphore, #tpu.memory_space<semaphore_mem>>
      %dma_start3A_1276 = arith.constant 0 : i32
      %dma_start3A_1277 = tpu.memref_slice %arg4[%mul3A_1265, %dma_start3A_1276] : memref<204800x64xf32, #tpu.memory_space<hbm>> -> memref<128x64xf32, #tpu.memory_space<hbm>>
      %dma_start3A_1278 = arith.constant 0 : i32
      %dma_start3A_1279 = arith.constant 0 : i32
      %dma_start3A_1280 = tpu.memref_slice %arg6[%dma_start3A_1266, %dma_start3A_1278, %dma_start3A_1279] : memref<10x128x64xf32, #tpu.memory_space<vmem>> -> memref<1x128x64xf32, #tpu.memory_space<vmem>>
      %dma_start3A_1281 = tpu.memref_squeeze %dma_start3A_1280 : memref<1x128x64xf32, #tpu.memory_space<vmem>> -> memref<128x64xf32, #tpu.memory_space<vmem>>
      tpu.enqueue_dma source(%dma_start3A_1281 : memref<128x64xf32, #tpu.memory_space<vmem>>) target(%dma_start3A_1277 : memref<128x64xf32, #tpu.memory_space<hbm>>) target_semaphore(%dma_start3A_1275 : memref<!tpu.dma_semaphore, #tpu.memory_space<semaphore_mem>>)
      %add3A_1282 = arith.addi %mul3A_2, %add3A_1248 : i32
      %mul3A_1283 = arith.constant 128 : i32
      %mul3A_1284 = arith.muli %add3A_1282, %mul3A_1283 : i32
      %dma_wait3A_1285 = arith.constant 8 : i32
      %dma_wait3A_1286 = arith.constant 8 : i32
      %dma_wait3A_1287 = arith.constant 0 : i32
      %dma_wait3A_1288 = arith.constant 0 : i32
      %dma_wait3A_1289 = tpu.memref_slice %arg6[%dma_wait3A_1285, %dma_wait3A_1287, %dma_wait3A_1288] : memref<10x128x64xf32, #tpu.memory_space<vmem>> -> memref<1x128x64xf32, #tpu.memory_space<vmem>>
      %dma_wait3A_1290 = tpu.memref_squeeze %dma_wait3A_1289 : memref<1x128x64xf32, #tpu.memory_space<vmem>> -> memref<128x64xf32, #tpu.memory_space<vmem>>
      %dma_wait3A_1291 = arith.constant 0 : i32
      %dma_wait3A_1292 = tpu.memref_slice %arg4[%mul3A_1284, %dma_wait3A_1291] : memref<204800x64xf32, #tpu.memory_space<hbm>> -> memref<128x64xf32, #tpu.memory_space<hbm>>
      %dma_wait3A_1293 = tpu.memref_slice %arg8[%dma_wait3A_1286] : memref<10x!tpu.dma_semaphore, #tpu.memory_space<semaphore_mem>> -> memref<1x!tpu.dma_semaphore, #tpu.memory_space<semaphore_mem>>
      %dma_wait3A_1294 = tpu.memref_squeeze %dma_wait3A_1293 : memref<1x!tpu.dma_semaphore, #tpu.memory_space<semaphore_mem>> -> memref<!tpu.dma_semaphore, #tpu.memory_space<semaphore_mem>>
      %dma_wait3A_1295 = arith.constant 0 : i32
      %dma_wait3A_1296 = tpu.memref_slice %arg4[%mul3A_1284, %dma_wait3A_1295] : memref<204800x64xf32, #tpu.memory_space<hbm>> -> memref<128x64xf32, #tpu.memory_space<hbm>>
      %dma_wait3A_1297 = arith.constant 0 : i32
      %dma_wait3A_1298 = arith.constant 0 : i32
      %dma_wait3A_1299 = tpu.memref_slice %arg6[%dma_wait3A_1285, %dma_wait3A_1297, %dma_wait3A_1298] : memref<10x128x64xf32, #tpu.memory_space<vmem>> -> memref<1x128x64xf32, #tpu.memory_space<vmem>>
      %dma_wait3A_1300 = tpu.memref_squeeze %dma_wait3A_1299 : memref<1x128x64xf32, #tpu.memory_space<vmem>> -> memref<128x64xf32, #tpu.memory_space<vmem>>
      tpu.wait_dma2 semaphore(%dma_wait3A_1294 : memref<!tpu.dma_semaphore, #tpu.memory_space<semaphore_mem>>) src(%dma_wait3A_1300 : memref<128x64xf32, #tpu.memory_space<vmem>>) dst(%dma_wait3A_1296 : memref<128x64xf32, #tpu.memory_space<hbm>>)
      %add3A_1301 = arith.constant 10 : i32
      %add3A_1302 = arith.addi %add3A_1248, %add3A_1301 : i32
      %mul3A_1303 = arith.constant 128 : i32
      %mul3A_1304 = arith.muli %add3A_1302, %mul3A_1303 : i32
      %dma_start3A_1305 = arith.constant 8 : i32
      %dma_start3A_1306 = arith.constant 8 : i32
      %dma_start3A_1307 = arith.constant 0 : i32
      %dma_start3A_1308 = arith.constant 0 : i32
      %dma_start3A_1309 = tpu.memref_slice %arg6[%dma_start3A_1305, %dma_start3A_1307, %dma_start3A_1308] : memref<10x128x64xf32, #tpu.memory_space<vmem>> -> memref<1x128x64xf32, #tpu.memory_space<vmem>>
      %dma_start3A_1310 = tpu.memref_squeeze %dma_start3A_1309 : memref<1x128x64xf32, #tpu.memory_space<vmem>> -> memref<128x64xf32, #tpu.memory_space<vmem>>
      %dma_start3A_1311 = tpu.memref_slice %arg5[%mul3A_1304] : memref<6400xi32, #tpu.memory_space<vmem>> -> memref<128xi32, #tpu.memory_space<vmem>>
      %dma_start3A_1312 = arith.constant 0 : i32
      %dma_start3A_1313 = arith.constant 0 : i32
      %dma_start3A_1314 = tpu.memref_slice %arg3[%dma_start3A_1312, %dma_start3A_1313] : memref<1000000x64xf32, #tpu.memory_space<hbm>> -> memref<1000000x64xf32, #tpu.memory_space<hbm>>
      %dma_start3A_1315 = tpu.memref_slice %arg7[%dma_start3A_1306] : memref<10x!tpu.dma_semaphore, #tpu.memory_space<semaphore_mem>> -> memref<1x!tpu.dma_semaphore, #tpu.memory_space<semaphore_mem>>
      %dma_start3A_1316 = tpu.memref_squeeze %dma_start3A_1315 : memref<1x!tpu.dma_semaphore, #tpu.memory_space<semaphore_mem>> -> memref<!tpu.dma_semaphore, #tpu.memory_space<semaphore_mem>>
      tpu.enqueue_indirect_dma source(%dma_start3A_1314 : memref<1000000x64xf32, #tpu.memory_space<hbm>>) target(%dma_start3A_1310 : memref<128x64xf32, #tpu.memory_space<vmem>>) offsets(%dma_start3A_1311 : memref<128xi32, #tpu.memory_space<vmem>>) semaphore(%dma_start3A_1316 : memref<!tpu.dma_semaphore, #tpu.memory_space<semaphore_mem>>)
      %mul3A_1317 = arith.constant 10 : i32
      %mul3A_1318 = arith.muli %scan3A_668, %mul3A_1317 : i32
      %add3A_1319 = arith.constant 9 : i32
      %add3A_1320 = arith.addi %mul3A_1318, %add3A_1319 : i32
      %mul3A_1321 = arith.constant 128 : i32
      %mul3A_1322 = arith.muli %add3A_1320, %mul3A_1321 : i32
      %dma_wait3A_1323 = arith.constant 9 : i32
      %dma_wait3A_1324 = arith.constant 9 : i32
      %dma_wait3A_1325 = arith.constant 0 : i32
      %dma_wait3A_1326 = arith.constant 0 : i32
      %dma_wait3A_1327 = tpu.memref_slice %arg6[%dma_wait3A_1323, %dma_wait3A_1325, %dma_wait3A_1326] : memref<10x128x64xf32, #tpu.memory_space<vmem>> -> memref<1x128x64xf32, #tpu.memory_space<vmem>>
      %dma_wait3A_1328 = tpu.memref_squeeze %dma_wait3A_1327 : memref<1x128x64xf32, #tpu.memory_space<vmem>> -> memref<128x64xf32, #tpu.memory_space<vmem>>
      %dma_wait3A_1329 = tpu.memref_slice %arg5[%mul3A_1322] : memref<6400xi32, #tpu.memory_space<vmem>> -> memref<128xi32, #tpu.memory_space<vmem>>
      %dma_wait3A_1330 = arith.constant 0 : i32
      %dma_wait3A_1331 = arith.constant 0 : i32
      %dma_wait3A_1332 = tpu.memref_slice %arg3[%dma_wait3A_1330, %dma_wait3A_1331] : memref<1000000x64xf32, #tpu.memory_space<hbm>> -> memref<1000000x64xf32, #tpu.memory_space<hbm>>
      %dma_wait3A_1333 = tpu.memref_slice %arg7[%dma_wait3A_1324] : memref<10x!tpu.dma_semaphore, #tpu.memory_space<semaphore_mem>> -> memref<1x!tpu.dma_semaphore, #tpu.memory_space<semaphore_mem>>
      %dma_wait3A_1334 = tpu.memref_squeeze %dma_wait3A_1333 : memref<1x!tpu.dma_semaphore, #tpu.memory_space<semaphore_mem>> -> memref<!tpu.dma_semaphore, #tpu.memory_space<semaphore_mem>>
      tpu.wait_indirect_dma semaphore(%dma_wait3A_1334 : memref<!tpu.dma_semaphore, #tpu.memory_space<semaphore_mem>>) src(%dma_wait3A_1332 : memref<1000000x64xf32, #tpu.memory_space<hbm>>) dst(%dma_wait3A_1328 : memref<128x64xf32, #tpu.memory_space<vmem>>)
      %add3A_1335 = arith.addi %mul3A_2, %add3A_1320 : i32
      %mul3A_1336 = arith.constant 128 : i32
      %mul3A_1337 = arith.muli %add3A_1335, %mul3A_1336 : i32
      %dma_start3A_1338 = arith.constant 9 : i32
      %dma_start3A_1339 = arith.constant 9 : i32
      %dma_start3A_1340 = arith.constant 0 : i32
      %dma_start3A_1341 = arith.constant 0 : i32
      %dma_start3A_1342 = tpu.memref_slice %arg6[%dma_start3A_1338, %dma_start3A_1340, %dma_start3A_1341] : memref<10x128x64xf32, #tpu.memory_space<vmem>> -> memref<1x128x64xf32, #tpu.memory_space<vmem>>
      %dma_start3A_1343 = tpu.memref_squeeze %dma_start3A_1342 : memref<1x128x64xf32, #tpu.memory_space<vmem>> -> memref<128x64xf32, #tpu.memory_space<vmem>>
      %dma_start3A_1344 = arith.constant 0 : i32
      %dma_start3A_1345 = tpu.memref_slice %arg4[%mul3A_1337, %dma_start3A_1344] : memref<204800x64xf32, #tpu.memory_space<hbm>> -> memref<128x64xf32, #tpu.memory_space<hbm>>
      %dma_start3A_1346 = tpu.memref_slice %arg8[%dma_start3A_1339] : memref<10x!tpu.dma_semaphore, #tpu.memory_space<semaphore_mem>> -> memref<1x!tpu.dma_semaphore, #tpu.memory_space<semaphore_mem>>
      %dma_start3A_1347 = tpu.memref_squeeze %dma_start3A_1346 : memref<1x!tpu.dma_semaphore, #tpu.memory_space<semaphore_mem>> -> memref<!tpu.dma_semaphore, #tpu.memory_space<semaphore_mem>>
      %dma_start3A_1348 = arith.constant 0 : i32
      %dma_start3A_1349 = tpu.memref_slice %arg4[%mul3A_1337, %dma_start3A_1348] : memref<204800x64xf32, #tpu.memory_space<hbm>> -> memref<128x64xf32, #tpu.memory_space<hbm>>
      %dma_start3A_1350 = arith.constant 0 : i32
      %dma_start3A_1351 = arith.constant 0 : i32
      %dma_start3A_1352 = tpu.memref_slice %arg6[%dma_start3A_1338, %dma_start3A_1350, %dma_start3A_1351] : memref<10x128x64xf32, #tpu.memory_space<vmem>> -> memref<1x128x64xf32, #tpu.memory_space<vmem>>
      %dma_start3A_1353 = tpu.memref_squeeze %dma_start3A_1352 : memref<1x128x64xf32, #tpu.memory_space<vmem>> -> memref<128x64xf32, #tpu.memory_space<vmem>>
      tpu.enqueue_dma source(%dma_start3A_1353 : memref<128x64xf32, #tpu.memory_space<vmem>>) target(%dma_start3A_1349 : memref<128x64xf32, #tpu.memory_space<hbm>>) target_semaphore(%dma_start3A_1347 : memref<!tpu.dma_semaphore, #tpu.memory_space<semaphore_mem>>)
      %add3A_1354 = arith.addi %mul3A_2, %add3A_1320 : i32
      %mul3A_1355 = arith.constant 128 : i32
      %mul3A_1356 = arith.muli %add3A_1354, %mul3A_1355 : i32
      %dma_wait3A_1357 = arith.constant 9 : i32
      %dma_wait3A_1358 = arith.constant 9 : i32
      %dma_wait3A_1359 = arith.constant 0 : i32
      %dma_wait3A_1360 = arith.constant 0 : i32
      %dma_wait3A_1361 = tpu.memref_slice %arg6[%dma_wait3A_1357, %dma_wait3A_1359, %dma_wait3A_1360] : memref<10x128x64xf32, #tpu.memory_space<vmem>> -> memref<1x128x64xf32, #tpu.memory_space<vmem>>
      %dma_wait3A_1362 = tpu.memref_squeeze %dma_wait3A_1361 : memref<1x128x64xf32, #tpu.memory_space<vmem>> -> memref<128x64xf32, #tpu.memory_space<vmem>>
      %dma_wait3A_1363 = arith.constant 0 : i32
      %dma_wait3A_1364 = tpu.memref_slice %arg4[%mul3A_1356, %dma_wait3A_1363] : memref<204800x64xf32, #tpu.memory_space<hbm>> -> memref<128x64xf32, #tpu.memory_space<hbm>>
      %dma_wait3A_1365 = tpu.memref_slice %arg8[%dma_wait3A_1358] : memref<10x!tpu.dma_semaphore, #tpu.memory_space<semaphore_mem>> -> memref<1x!tpu.dma_semaphore, #tpu.memory_space<semaphore_mem>>
      %dma_wait3A_1366 = tpu.memref_squeeze %dma_wait3A_1365 : memref<1x!tpu.dma_semaphore, #tpu.memory_space<semaphore_mem>> -> memref<!tpu.dma_semaphore, #tpu.memory_space<semaphore_mem>>
      %dma_wait3A_1367 = arith.constant 0 : i32
      %dma_wait3A_1368 = tpu.memref_slice %arg4[%mul3A_1356, %dma_wait3A_1367] : memref<204800x64xf32, #tpu.memory_space<hbm>> -> memref<128x64xf32, #tpu.memory_space<hbm>>
      %dma_wait3A_1369 = arith.constant 0 : i32
      %dma_wait3A_1370 = arith.constant 0 : i32
      %dma_wait3A_1371 = tpu.memref_slice %arg6[%dma_wait3A_1357, %dma_wait3A_1369, %dma_wait3A_1370] : memref<10x128x64xf32, #tpu.memory_space<vmem>> -> memref<1x128x64xf32, #tpu.memory_space<vmem>>
      %dma_wait3A_1372 = tpu.memref_squeeze %dma_wait3A_1371 : memref<1x128x64xf32, #tpu.memory_space<vmem>> -> memref<128x64xf32, #tpu.memory_space<vmem>>
      tpu.wait_dma2 semaphore(%dma_wait3A_1366 : memref<!tpu.dma_semaphore, #tpu.memory_space<semaphore_mem>>) src(%dma_wait3A_1372 : memref<128x64xf32, #tpu.memory_space<vmem>>) dst(%dma_wait3A_1368 : memref<128x64xf32, #tpu.memory_space<hbm>>)
      %add3A_1373 = arith.constant 10 : i32
      %add3A_1374 = arith.addi %add3A_1320, %add3A_1373 : i32
      %mul3A_1375 = arith.constant 128 : i32
      %mul3A_1376 = arith.muli %add3A_1374, %mul3A_1375 : i32
      %dma_start3A_1377 = arith.constant 9 : i32
      %dma_start3A_1378 = arith.constant 9 : i32
      %dma_start3A_1379 = arith.constant 0 : i32
      %dma_start3A_1380 = arith.constant 0 : i32
      %dma_start3A_1381 = tpu.memref_slice %arg6[%dma_start3A_1377, %dma_start3A_1379, %dma_start3A_1380] : memref<10x128x64xf32, #tpu.memory_space<vmem>> -> memref<1x128x64xf32, #tpu.memory_space<vmem>>
      %dma_start3A_1382 = tpu.memref_squeeze %dma_start3A_1381 : memref<1x128x64xf32, #tpu.memory_space<vmem>> -> memref<128x64xf32, #tpu.memory_space<vmem>>
      %dma_start3A_1383 = tpu.memref_slice %arg5[%mul3A_1376] : memref<6400xi32, #tpu.memory_space<vmem>> -> memref<128xi32, #tpu.memory_space<vmem>>
      %dma_start3A_1384 = arith.constant 0 : i32
      %dma_start3A_1385 = arith.constant 0 : i32
      %dma_start3A_1386 = tpu.memref_slice %arg3[%dma_start3A_1384, %dma_start3A_1385] : memref<1000000x64xf32, #tpu.memory_space<hbm>> -> memref<1000000x64xf32, #tpu.memory_space<hbm>>
      %dma_start3A_1387 = tpu.memref_slice %arg7[%dma_start3A_1378] : memref<10x!tpu.dma_semaphore, #tpu.memory_space<semaphore_mem>> -> memref<1x!tpu.dma_semaphore, #tpu.memory_space<semaphore_mem>>
      %dma_start3A_1388 = tpu.memref_squeeze %dma_start3A_1387 : memref<1x!tpu.dma_semaphore, #tpu.memory_space<semaphore_mem>> -> memref<!tpu.dma_semaphore, #tpu.memory_space<semaphore_mem>>
      tpu.enqueue_indirect_dma source(%dma_start3A_1386 : memref<1000000x64xf32, #tpu.memory_space<hbm>>) target(%dma_start3A_1382 : memref<128x64xf32, #tpu.memory_space<vmem>>) offsets(%dma_start3A_1383 : memref<128xi32, #tpu.memory_space<vmem>>) semaphore(%dma_start3A_1388 : memref<!tpu.dma_semaphore, #tpu.memory_space<semaphore_mem>>)
    }
    %scan3A_138 = arith.constant 4 : i32
    %dma_wait3A = arith.constant 0 : i32
    %dma_wait3A_139 = arith.constant 0 : i32
    %dma_wait3A_140 = arith.constant 0 : i32
    %dma_wait3A_141 = arith.constant 0 : i32
    %dma_wait3A_142 = tpu.memref_slice %arg6[%dma_wait3A, %dma_wait3A_140, %dma_wait3A_141] : memref<10x128x64xf32, #tpu.memory_space<vmem>> -> memref<1x128x64xf32, #tpu.memory_space<vmem>>
    %dma_wait3A_143 = tpu.memref_squeeze %dma_wait3A_142 : memref<1x128x64xf32, #tpu.memory_space<vmem>> -> memref<128x64xf32, #tpu.memory_space<vmem>>
    %dma_wait3A_144 = arith.constant 5120 : i32
    %dma_wait3A_145 = tpu.memref_slice %arg5[%dma_wait3A_144] : memref<6400xi32, #tpu.memory_space<vmem>> -> memref<128xi32, #tpu.memory_space<vmem>>
    %dma_wait3A_146 = arith.constant 0 : i32
    %dma_wait3A_147 = arith.constant 0 : i32
    %dma_wait3A_148 = tpu.memref_slice %arg3[%dma_wait3A_146, %dma_wait3A_147] : memref<1000000x64xf32, #tpu.memory_space<hbm>> -> memref<1000000x64xf32, #tpu.memory_space<hbm>>
    %dma_wait3A_149 = tpu.memref_slice %arg7[%dma_wait3A_139] : memref<10x!tpu.dma_semaphore, #tpu.memory_space<semaphore_mem>> -> memref<1x!tpu.dma_semaphore, #tpu.memory_space<semaphore_mem>>
    %dma_wait3A_150 = tpu.memref_squeeze %dma_wait3A_149 : memref<1x!tpu.dma_semaphore, #tpu.memory_space<semaphore_mem>> -> memref<!tpu.dma_semaphore, #tpu.memory_space<semaphore_mem>>
    tpu.wait_indirect_dma semaphore(%dma_wait3A_150 : memref<!tpu.dma_semaphore, #tpu.memory_space<semaphore_mem>>) src(%dma_wait3A_148 : memref<1000000x64xf32, #tpu.memory_space<hbm>>) dst(%dma_wait3A_143 : memref<128x64xf32, #tpu.memory_space<vmem>>)
    %add3A_151 = arith.constant 40 : i32
    %add3A_152 = arith.addi %mul3A_2, %add3A_151 : i32
    %mul3A_153 = arith.constant 128 : i32
    %mul3A_154 = arith.muli %add3A_152, %mul3A_153 : i32
    %dma_start3A_155 = arith.constant 0 : i32
    %dma_start3A_156 = arith.constant 0 : i32
    %dma_start3A_157 = arith.constant 0 : i32
    %dma_start3A_158 = arith.constant 0 : i32
    %dma_start3A_159 = tpu.memref_slice %arg6[%dma_start3A_155, %dma_start3A_157, %dma_start3A_158] : memref<10x128x64xf32, #tpu.memory_space<vmem>> -> memref<1x128x64xf32, #tpu.memory_space<vmem>>
    %dma_start3A_160 = tpu.memref_squeeze %dma_start3A_159 : memref<1x128x64xf32, #tpu.memory_space<vmem>> -> memref<128x64xf32, #tpu.memory_space<vmem>>
    %dma_start3A_161 = arith.constant 0 : i32
    %dma_start3A_162 = tpu.memref_slice %arg4[%mul3A_154, %dma_start3A_161] : memref<204800x64xf32, #tpu.memory_space<hbm>> -> memref<128x64xf32, #tpu.memory_space<hbm>>
    %dma_start3A_163 = tpu.memref_slice %arg8[%dma_start3A_156] : memref<10x!tpu.dma_semaphore, #tpu.memory_space<semaphore_mem>> -> memref<1x!tpu.dma_semaphore, #tpu.memory_space<semaphore_mem>>
    %dma_start3A_164 = tpu.memref_squeeze %dma_start3A_163 : memref<1x!tpu.dma_semaphore, #tpu.memory_space<semaphore_mem>> -> memref<!tpu.dma_semaphore, #tpu.memory_space<semaphore_mem>>
    %dma_start3A_165 = arith.constant 0 : i32
    %dma_start3A_166 = tpu.memref_slice %arg4[%mul3A_154, %dma_start3A_165] : memref<204800x64xf32, #tpu.memory_space<hbm>> -> memref<128x64xf32, #tpu.memory_space<hbm>>
    %dma_start3A_167 = arith.constant 0 : i32
    %dma_start3A_168 = arith.constant 0 : i32
    %dma_start3A_169 = tpu.memref_slice %arg6[%dma_start3A_155, %dma_start3A_167, %dma_start3A_168] : memref<10x128x64xf32, #tpu.memory_space<vmem>> -> memref<1x128x64xf32, #tpu.memory_space<vmem>>
    %dma_start3A_170 = tpu.memref_squeeze %dma_start3A_169 : memref<1x128x64xf32, #tpu.memory_space<vmem>> -> memref<128x64xf32, #tpu.memory_space<vmem>>
    tpu.enqueue_dma source(%dma_start3A_170 : memref<128x64xf32, #tpu.memory_space<vmem>>) target(%dma_start3A_166 : memref<128x64xf32, #tpu.memory_space<hbm>>) target_semaphore(%dma_start3A_164 : memref<!tpu.dma_semaphore, #tpu.memory_space<semaphore_mem>>)
    %dma_wait3A_171 = arith.constant 1 : i32
    %dma_wait3A_172 = arith.constant 1 : i32
    %dma_wait3A_173 = arith.constant 0 : i32
    %dma_wait3A_174 = arith.constant 0 : i32
    %dma_wait3A_175 = tpu.memref_slice %arg6[%dma_wait3A_171, %dma_wait3A_173, %dma_wait3A_174] : memref<10x128x64xf32, #tpu.memory_space<vmem>> -> memref<1x128x64xf32, #tpu.memory_space<vmem>>
    %dma_wait3A_176 = tpu.memref_squeeze %dma_wait3A_175 : memref<1x128x64xf32, #tpu.memory_space<vmem>> -> memref<128x64xf32, #tpu.memory_space<vmem>>
    %dma_wait3A_177 = arith.constant 5248 : i32
    %dma_wait3A_178 = tpu.memref_slice %arg5[%dma_wait3A_177] : memref<6400xi32, #tpu.memory_space<vmem>> -> memref<128xi32, #tpu.memory_space<vmem>>
    %dma_wait3A_179 = arith.constant 0 : i32
    %dma_wait3A_180 = arith.constant 0 : i32
    %dma_wait3A_181 = tpu.memref_slice %arg3[%dma_wait3A_179, %dma_wait3A_180] : memref<1000000x64xf32, #tpu.memory_space<hbm>> -> memref<1000000x64xf32, #tpu.memory_space<hbm>>
    %dma_wait3A_182 = tpu.memref_slice %arg7[%dma_wait3A_172] : memref<10x!tpu.dma_semaphore, #tpu.memory_space<semaphore_mem>> -> memref<1x!tpu.dma_semaphore, #tpu.memory_space<semaphore_mem>>
    %dma_wait3A_183 = tpu.memref_squeeze %dma_wait3A_182 : memref<1x!tpu.dma_semaphore, #tpu.memory_space<semaphore_mem>> -> memref<!tpu.dma_semaphore, #tpu.memory_space<semaphore_mem>>
    tpu.wait_indirect_dma semaphore(%dma_wait3A_183 : memref<!tpu.dma_semaphore, #tpu.memory_space<semaphore_mem>>) src(%dma_wait3A_181 : memref<1000000x64xf32, #tpu.memory_space<hbm>>) dst(%dma_wait3A_176 : memref<128x64xf32, #tpu.memory_space<vmem>>)
    %add3A_184 = arith.constant 41 : i32
    %add3A_185 = arith.addi %mul3A_2, %add3A_184 : i32
    %mul3A_186 = arith.constant 128 : i32
    %mul3A_187 = arith.muli %add3A_185, %mul3A_186 : i32
    %dma_start3A_188 = arith.constant 1 : i32
    %dma_start3A_189 = arith.constant 1 : i32
    %dma_start3A_190 = arith.constant 0 : i32
    %dma_start3A_191 = arith.constant 0 : i32
    %dma_start3A_192 = tpu.memref_slice %arg6[%dma_start3A_188, %dma_start3A_190, %dma_start3A_191] : memref<10x128x64xf32, #tpu.memory_space<vmem>> -> memref<1x128x64xf32, #tpu.memory_space<vmem>>
    %dma_start3A_193 = tpu.memref_squeeze %dma_start3A_192 : memref<1x128x64xf32, #tpu.memory_space<vmem>> -> memref<128x64xf32, #tpu.memory_space<vmem>>
    %dma_start3A_194 = arith.constant 0 : i32
    %dma_start3A_195 = tpu.memref_slice %arg4[%mul3A_187, %dma_start3A_194] : memref<204800x64xf32, #tpu.memory_space<hbm>> -> memref<128x64xf32, #tpu.memory_space<hbm>>
    %dma_start3A_196 = tpu.memref_slice %arg8[%dma_start3A_189] : memref<10x!tpu.dma_semaphore, #tpu.memory_space<semaphore_mem>> -> memref<1x!tpu.dma_semaphore, #tpu.memory_space<semaphore_mem>>
    %dma_start3A_197 = tpu.memref_squeeze %dma_start3A_196 : memref<1x!tpu.dma_semaphore, #tpu.memory_space<semaphore_mem>> -> memref<!tpu.dma_semaphore, #tpu.memory_space<semaphore_mem>>
    %dma_start3A_198 = arith.constant 0 : i32
    %dma_start3A_199 = tpu.memref_slice %arg4[%mul3A_187, %dma_start3A_198] : memref<204800x64xf32, #tpu.memory_space<hbm>> -> memref<128x64xf32, #tpu.memory_space<hbm>>
    %dma_start3A_200 = arith.constant 0 : i32
    %dma_start3A_201 = arith.constant 0 : i32
    %dma_start3A_202 = tpu.memref_slice %arg6[%dma_start3A_188, %dma_start3A_200, %dma_start3A_201] : memref<10x128x64xf32, #tpu.memory_space<vmem>> -> memref<1x128x64xf32, #tpu.memory_space<vmem>>
    %dma_start3A_203 = tpu.memref_squeeze %dma_start3A_202 : memref<1x128x64xf32, #tpu.memory_space<vmem>> -> memref<128x64xf32, #tpu.memory_space<vmem>>
    tpu.enqueue_dma source(%dma_start3A_203 : memref<128x64xf32, #tpu.memory_space<vmem>>) target(%dma_start3A_199 : memref<128x64xf32, #tpu.memory_space<hbm>>) target_semaphore(%dma_start3A_197 : memref<!tpu.dma_semaphore, #tpu.memory_space<semaphore_mem>>)
    %dma_wait3A_204 = arith.constant 2 : i32
    %dma_wait3A_205 = arith.constant 2 : i32
    %dma_wait3A_206 = arith.constant 0 : i32
    %dma_wait3A_207 = arith.constant 0 : i32
    %dma_wait3A_208 = tpu.memref_slice %arg6[%dma_wait3A_204, %dma_wait3A_206, %dma_wait3A_207] : memref<10x128x64xf32, #tpu.memory_space<vmem>> -> memref<1x128x64xf32, #tpu.memory_space<vmem>>
    %dma_wait3A_209 = tpu.memref_squeeze %dma_wait3A_208 : memref<1x128x64xf32, #tpu.memory_space<vmem>> -> memref<128x64xf32, #tpu.memory_space<vmem>>
    %dma_wait3A_210 = arith.constant 5376 : i32
    %dma_wait3A_211 = tpu.memref_slice %arg5[%dma_wait3A_210] : memref<6400xi32, #tpu.memory_space<vmem>> -> memref<128xi32, #tpu.memory_space<vmem>>
    %dma_wait3A_212 = arith.constant 0 : i32
    %dma_wait3A_213 = arith.constant 0 : i32
    %dma_wait3A_214 = tpu.memref_slice %arg3[%dma_wait3A_212, %dma_wait3A_213] : memref<1000000x64xf32, #tpu.memory_space<hbm>> -> memref<1000000x64xf32, #tpu.memory_space<hbm>>
    %dma_wait3A_215 = tpu.memref_slice %arg7[%dma_wait3A_205] : memref<10x!tpu.dma_semaphore, #tpu.memory_space<semaphore_mem>> -> memref<1x!tpu.dma_semaphore, #tpu.memory_space<semaphore_mem>>
    %dma_wait3A_216 = tpu.memref_squeeze %dma_wait3A_215 : memref<1x!tpu.dma_semaphore, #tpu.memory_space<semaphore_mem>> -> memref<!tpu.dma_semaphore, #tpu.memory_space<semaphore_mem>>
    tpu.wait_indirect_dma semaphore(%dma_wait3A_216 : memref<!tpu.dma_semaphore, #tpu.memory_space<semaphore_mem>>) src(%dma_wait3A_214 : memref<1000000x64xf32, #tpu.memory_space<hbm>>) dst(%dma_wait3A_209 : memref<128x64xf32, #tpu.memory_space<vmem>>)
    %add3A_217 = arith.constant 42 : i32
    %add3A_218 = arith.addi %mul3A_2, %add3A_217 : i32
    %mul3A_219 = arith.constant 128 : i32
    %mul3A_220 = arith.muli %add3A_218, %mul3A_219 : i32
    %dma_start3A_221 = arith.constant 2 : i32
    %dma_start3A_222 = arith.constant 2 : i32
    %dma_start3A_223 = arith.constant 0 : i32
    %dma_start3A_224 = arith.constant 0 : i32
    %dma_start3A_225 = tpu.memref_slice %arg6[%dma_start3A_221, %dma_start3A_223, %dma_start3A_224] : memref<10x128x64xf32, #tpu.memory_space<vmem>> -> memref<1x128x64xf32, #tpu.memory_space<vmem>>
    %dma_start3A_226 = tpu.memref_squeeze %dma_start3A_225 : memref<1x128x64xf32, #tpu.memory_space<vmem>> -> memref<128x64xf32, #tpu.memory_space<vmem>>
    %dma_start3A_227 = arith.constant 0 : i32
    %dma_start3A_228 = tpu.memref_slice %arg4[%mul3A_220, %dma_start3A_227] : memref<204800x64xf32, #tpu.memory_space<hbm>> -> memref<128x64xf32, #tpu.memory_space<hbm>>
    %dma_start3A_229 = tpu.memref_slice %arg8[%dma_start3A_222] : memref<10x!tpu.dma_semaphore, #tpu.memory_space<semaphore_mem>> -> memref<1x!tpu.dma_semaphore, #tpu.memory_space<semaphore_mem>>
    %dma_start3A_230 = tpu.memref_squeeze %dma_start3A_229 : memref<1x!tpu.dma_semaphore, #tpu.memory_space<semaphore_mem>> -> memref<!tpu.dma_semaphore, #tpu.memory_space<semaphore_mem>>
    %dma_start3A_231 = arith.constant 0 : i32
    %dma_start3A_232 = tpu.memref_slice %arg4[%mul3A_220, %dma_start3A_231] : memref<204800x64xf32, #tpu.memory_space<hbm>> -> memref<128x64xf32, #tpu.memory_space<hbm>>
    %dma_start3A_233 = arith.constant 0 : i32
    %dma_start3A_234 = arith.constant 0 : i32
    %dma_start3A_235 = tpu.memref_slice %arg6[%dma_start3A_221, %dma_start3A_233, %dma_start3A_234] : memref<10x128x64xf32, #tpu.memory_space<vmem>> -> memref<1x128x64xf32, #tpu.memory_space<vmem>>
    %dma_start3A_236 = tpu.memref_squeeze %dma_start3A_235 : memref<1x128x64xf32, #tpu.memory_space<vmem>> -> memref<128x64xf32, #tpu.memory_space<vmem>>
    tpu.enqueue_dma source(%dma_start3A_236 : memref<128x64xf32, #tpu.memory_space<vmem>>) target(%dma_start3A_232 : memref<128x64xf32, #tpu.memory_space<hbm>>) target_semaphore(%dma_start3A_230 : memref<!tpu.dma_semaphore, #tpu.memory_space<semaphore_mem>>)
    %dma_wait3A_237 = arith.constant 3 : i32
    %dma_wait3A_238 = arith.constant 3 : i32
    %dma_wait3A_239 = arith.constant 0 : i32
    %dma_wait3A_240 = arith.constant 0 : i32
    %dma_wait3A_241 = tpu.memref_slice %arg6[%dma_wait3A_237, %dma_wait3A_239, %dma_wait3A_240] : memref<10x128x64xf32, #tpu.memory_space<vmem>> -> memref<1x128x64xf32, #tpu.memory_space<vmem>>
    %dma_wait3A_242 = tpu.memref_squeeze %dma_wait3A_241 : memref<1x128x64xf32, #tpu.memory_space<vmem>> -> memref<128x64xf32, #tpu.memory_space<vmem>>
    %dma_wait3A_243 = arith.constant 5504 : i32
    %dma_wait3A_244 = tpu.memref_slice %arg5[%dma_wait3A_243] : memref<6400xi32, #tpu.memory_space<vmem>> -> memref<128xi32, #tpu.memory_space<vmem>>
    %dma_wait3A_245 = arith.constant 0 : i32
    %dma_wait3A_246 = arith.constant 0 : i32
    %dma_wait3A_247 = tpu.memref_slice %arg3[%dma_wait3A_245, %dma_wait3A_246] : memref<1000000x64xf32, #tpu.memory_space<hbm>> -> memref<1000000x64xf32, #tpu.memory_space<hbm>>
    %dma_wait3A_248 = tpu.memref_slice %arg7[%dma_wait3A_238] : memref<10x!tpu.dma_semaphore, #tpu.memory_space<semaphore_mem>> -> memref<1x!tpu.dma_semaphore, #tpu.memory_space<semaphore_mem>>
    %dma_wait3A_249 = tpu.memref_squeeze %dma_wait3A_248 : memref<1x!tpu.dma_semaphore, #tpu.memory_space<semaphore_mem>> -> memref<!tpu.dma_semaphore, #tpu.memory_space<semaphore_mem>>
    tpu.wait_indirect_dma semaphore(%dma_wait3A_249 : memref<!tpu.dma_semaphore, #tpu.memory_space<semaphore_mem>>) src(%dma_wait3A_247 : memref<1000000x64xf32, #tpu.memory_space<hbm>>) dst(%dma_wait3A_242 : memref<128x64xf32, #tpu.memory_space<vmem>>)
    %add3A_250 = arith.constant 43 : i32
    %add3A_251 = arith.addi %mul3A_2, %add3A_250 : i32
    %mul3A_252 = arith.constant 128 : i32
    %mul3A_253 = arith.muli %add3A_251, %mul3A_252 : i32
    %dma_start3A_254 = arith.constant 3 : i32
    %dma_start3A_255 = arith.constant 3 : i32
    %dma_start3A_256 = arith.constant 0 : i32
    %dma_start3A_257 = arith.constant 0 : i32
    %dma_start3A_258 = tpu.memref_slice %arg6[%dma_start3A_254, %dma_start3A_256, %dma_start3A_257] : memref<10x128x64xf32, #tpu.memory_space<vmem>> -> memref<1x128x64xf32, #tpu.memory_space<vmem>>
    %dma_start3A_259 = tpu.memref_squeeze %dma_start3A_258 : memref<1x128x64xf32, #tpu.memory_space<vmem>> -> memref<128x64xf32, #tpu.memory_space<vmem>>
    %dma_start3A_260 = arith.constant 0 : i32
    %dma_start3A_261 = tpu.memref_slice %arg4[%mul3A_253, %dma_start3A_260] : memref<204800x64xf32, #tpu.memory_space<hbm>> -> memref<128x64xf32, #tpu.memory_space<hbm>>
    %dma_start3A_262 = tpu.memref_slice %arg8[%dma_start3A_255] : memref<10x!tpu.dma_semaphore, #tpu.memory_space<semaphore_mem>> -> memref<1x!tpu.dma_semaphore, #tpu.memory_space<semaphore_mem>>
    %dma_start3A_263 = tpu.memref_squeeze %dma_start3A_262 : memref<1x!tpu.dma_semaphore, #tpu.memory_space<semaphore_mem>> -> memref<!tpu.dma_semaphore, #tpu.memory_space<semaphore_mem>>
    %dma_start3A_264 = arith.constant 0 : i32
    %dma_start3A_265 = tpu.memref_slice %arg4[%mul3A_253, %dma_start3A_264] : memref<204800x64xf32, #tpu.memory_space<hbm>> -> memref<128x64xf32, #tpu.memory_space<hbm>>
    %dma_start3A_266 = arith.constant 0 : i32
    %dma_start3A_267 = arith.constant 0 : i32
    %dma_start3A_268 = tpu.memref_slice %arg6[%dma_start3A_254, %dma_start3A_266, %dma_start3A_267] : memref<10x128x64xf32, #tpu.memory_space<vmem>> -> memref<1x128x64xf32, #tpu.memory_space<vmem>>
    %dma_start3A_269 = tpu.memref_squeeze %dma_start3A_268 : memref<1x128x64xf32, #tpu.memory_space<vmem>> -> memref<128x64xf32, #tpu.memory_space<vmem>>
    tpu.enqueue_dma source(%dma_start3A_269 : memref<128x64xf32, #tpu.memory_space<vmem>>) target(%dma_start3A_265 : memref<128x64xf32, #tpu.memory_space<hbm>>) target_semaphore(%dma_start3A_263 : memref<!tpu.dma_semaphore, #tpu.memory_space<semaphore_mem>>)
    %dma_wait3A_270 = arith.constant 4 : i32
    %dma_wait3A_271 = arith.constant 4 : i32
    %dma_wait3A_272 = arith.constant 0 : i32
    %dma_wait3A_273 = arith.constant 0 : i32
    %dma_wait3A_274 = tpu.memref_slice %arg6[%dma_wait3A_270, %dma_wait3A_272, %dma_wait3A_273] : memref<10x128x64xf32, #tpu.memory_space<vmem>> -> memref<1x128x64xf32, #tpu.memory_space<vmem>>
    %dma_wait3A_275 = tpu.memref_squeeze %dma_wait3A_274 : memref<1x128x64xf32, #tpu.memory_space<vmem>> -> memref<128x64xf32, #tpu.memory_space<vmem>>
    %dma_wait3A_276 = arith.constant 5632 : i32
    %dma_wait3A_277 = tpu.memref_slice %arg5[%dma_wait3A_276] : memref<6400xi32, #tpu.memory_space<vmem>> -> memref<128xi32, #tpu.memory_space<vmem>>
    %dma_wait3A_278 = arith.constant 0 : i32
    %dma_wait3A_279 = arith.constant 0 : i32
    %dma_wait3A_280 = tpu.memref_slice %arg3[%dma_wait3A_278, %dma_wait3A_279] : memref<1000000x64xf32, #tpu.memory_space<hbm>> -> memref<1000000x64xf32, #tpu.memory_space<hbm>>
    %dma_wait3A_281 = tpu.memref_slice %arg7[%dma_wait3A_271] : memref<10x!tpu.dma_semaphore, #tpu.memory_space<semaphore_mem>> -> memref<1x!tpu.dma_semaphore, #tpu.memory_space<semaphore_mem>>
    %dma_wait3A_282 = tpu.memref_squeeze %dma_wait3A_281 : memref<1x!tpu.dma_semaphore, #tpu.memory_space<semaphore_mem>> -> memref<!tpu.dma_semaphore, #tpu.memory_space<semaphore_mem>>
    tpu.wait_indirect_dma semaphore(%dma_wait3A_282 : memref<!tpu.dma_semaphore, #tpu.memory_space<semaphore_mem>>) src(%dma_wait3A_280 : memref<1000000x64xf32, #tpu.memory_space<hbm>>) dst(%dma_wait3A_275 : memref<128x64xf32, #tpu.memory_space<vmem>>)
    %add3A_283 = arith.constant 44 : i32
    %add3A_284 = arith.addi %mul3A_2, %add3A_283 : i32
    %mul3A_285 = arith.constant 128 : i32
    %mul3A_286 = arith.muli %add3A_284, %mul3A_285 : i32
    %dma_start3A_287 = arith.constant 4 : i32
    %dma_start3A_288 = arith.constant 4 : i32
    %dma_start3A_289 = arith.constant 0 : i32
    %dma_start3A_290 = arith.constant 0 : i32
    %dma_start3A_291 = tpu.memref_slice %arg6[%dma_start3A_287, %dma_start3A_289, %dma_start3A_290] : memref<10x128x64xf32, #tpu.memory_space<vmem>> -> memref<1x128x64xf32, #tpu.memory_space<vmem>>
    %dma_start3A_292 = tpu.memref_squeeze %dma_start3A_291 : memref<1x128x64xf32, #tpu.memory_space<vmem>> -> memref<128x64xf32, #tpu.memory_space<vmem>>
    %dma_start3A_293 = arith.constant 0 : i32
    %dma_start3A_294 = tpu.memref_slice %arg4[%mul3A_286, %dma_start3A_293] : memref<204800x64xf32, #tpu.memory_space<hbm>> -> memref<128x64xf32, #tpu.memory_space<hbm>>
    %dma_start3A_295 = tpu.memref_slice %arg8[%dma_start3A_288] : memref<10x!tpu.dma_semaphore, #tpu.memory_space<semaphore_mem>> -> memref<1x!tpu.dma_semaphore, #tpu.memory_space<semaphore_mem>>
    %dma_start3A_296 = tpu.memref_squeeze %dma_start3A_295 : memref<1x!tpu.dma_semaphore, #tpu.memory_space<semaphore_mem>> -> memref<!tpu.dma_semaphore, #tpu.memory_space<semaphore_mem>>
    %dma_start3A_297 = arith.constant 0 : i32
    %dma_start3A_298 = tpu.memref_slice %arg4[%mul3A_286, %dma_start3A_297] : memref<204800x64xf32, #tpu.memory_space<hbm>> -> memref<128x64xf32, #tpu.memory_space<hbm>>
    %dma_start3A_299 = arith.constant 0 : i32
    %dma_start3A_300 = arith.constant 0 : i32
    %dma_start3A_301 = tpu.memref_slice %arg6[%dma_start3A_287, %dma_start3A_299, %dma_start3A_300] : memref<10x128x64xf32, #tpu.memory_space<vmem>> -> memref<1x128x64xf32, #tpu.memory_space<vmem>>
    %dma_start3A_302 = tpu.memref_squeeze %dma_start3A_301 : memref<1x128x64xf32, #tpu.memory_space<vmem>> -> memref<128x64xf32, #tpu.memory_space<vmem>>
    tpu.enqueue_dma source(%dma_start3A_302 : memref<128x64xf32, #tpu.memory_space<vmem>>) target(%dma_start3A_298 : memref<128x64xf32, #tpu.memory_space<hbm>>) target_semaphore(%dma_start3A_296 : memref<!tpu.dma_semaphore, #tpu.memory_space<semaphore_mem>>)
    %dma_wait3A_303 = arith.constant 5 : i32
    %dma_wait3A_304 = arith.constant 5 : i32
    %dma_wait3A_305 = arith.constant 0 : i32
    %dma_wait3A_306 = arith.constant 0 : i32
    %dma_wait3A_307 = tpu.memref_slice %arg6[%dma_wait3A_303, %dma_wait3A_305, %dma_wait3A_306] : memref<10x128x64xf32, #tpu.memory_space<vmem>> -> memref<1x128x64xf32, #tpu.memory_space<vmem>>
    %dma_wait3A_308 = tpu.memref_squeeze %dma_wait3A_307 : memref<1x128x64xf32, #tpu.memory_space<vmem>> -> memref<128x64xf32, #tpu.memory_space<vmem>>
    %dma_wait3A_309 = arith.constant 5760 : i32
    %dma_wait3A_310 = tpu.memref_slice %arg5[%dma_wait3A_309] : memref<6400xi32, #tpu.memory_space<vmem>> -> memref<128xi32, #tpu.memory_space<vmem>>
    %dma_wait3A_311 = arith.constant 0 : i32
    %dma_wait3A_312 = arith.constant 0 : i32
    %dma_wait3A_313 = tpu.memref_slice %arg3[%dma_wait3A_311, %dma_wait3A_312] : memref<1000000x64xf32, #tpu.memory_space<hbm>> -> memref<1000000x64xf32, #tpu.memory_space<hbm>>
    %dma_wait3A_314 = tpu.memref_slice %arg7[%dma_wait3A_304] : memref<10x!tpu.dma_semaphore, #tpu.memory_space<semaphore_mem>> -> memref<1x!tpu.dma_semaphore, #tpu.memory_space<semaphore_mem>>
    %dma_wait3A_315 = tpu.memref_squeeze %dma_wait3A_314 : memref<1x!tpu.dma_semaphore, #tpu.memory_space<semaphore_mem>> -> memref<!tpu.dma_semaphore, #tpu.memory_space<semaphore_mem>>
    tpu.wait_indirect_dma semaphore(%dma_wait3A_315 : memref<!tpu.dma_semaphore, #tpu.memory_space<semaphore_mem>>) src(%dma_wait3A_313 : memref<1000000x64xf32, #tpu.memory_space<hbm>>) dst(%dma_wait3A_308 : memref<128x64xf32, #tpu.memory_space<vmem>>)
    %add3A_316 = arith.constant 45 : i32
    %add3A_317 = arith.addi %mul3A_2, %add3A_316 : i32
    %mul3A_318 = arith.constant 128 : i32
    %mul3A_319 = arith.muli %add3A_317, %mul3A_318 : i32
    %dma_start3A_320 = arith.constant 5 : i32
    %dma_start3A_321 = arith.constant 5 : i32
    %dma_start3A_322 = arith.constant 0 : i32
    %dma_start3A_323 = arith.constant 0 : i32
    %dma_start3A_324 = tpu.memref_slice %arg6[%dma_start3A_320, %dma_start3A_322, %dma_start3A_323] : memref<10x128x64xf32, #tpu.memory_space<vmem>> -> memref<1x128x64xf32, #tpu.memory_space<vmem>>
    %dma_start3A_325 = tpu.memref_squeeze %dma_start3A_324 : memref<1x128x64xf32, #tpu.memory_space<vmem>> -> memref<128x64xf32, #tpu.memory_space<vmem>>
    %dma_start3A_326 = arith.constant 0 : i32
    %dma_start3A_327 = tpu.memref_slice %arg4[%mul3A_319, %dma_start3A_326] : memref<204800x64xf32, #tpu.memory_space<hbm>> -> memref<128x64xf32, #tpu.memory_space<hbm>>
    %dma_start3A_328 = tpu.memref_slice %arg8[%dma_start3A_321] : memref<10x!tpu.dma_semaphore, #tpu.memory_space<semaphore_mem>> -> memref<1x!tpu.dma_semaphore, #tpu.memory_space<semaphore_mem>>
    %dma_start3A_329 = tpu.memref_squeeze %dma_start3A_328 : memref<1x!tpu.dma_semaphore, #tpu.memory_space<semaphore_mem>> -> memref<!tpu.dma_semaphore, #tpu.memory_space<semaphore_mem>>
    %dma_start3A_330 = arith.constant 0 : i32
    %dma_start3A_331 = tpu.memref_slice %arg4[%mul3A_319, %dma_start3A_330] : memref<204800x64xf32, #tpu.memory_space<hbm>> -> memref<128x64xf32, #tpu.memory_space<hbm>>
    %dma_start3A_332 = arith.constant 0 : i32
    %dma_start3A_333 = arith.constant 0 : i32
    %dma_start3A_334 = tpu.memref_slice %arg6[%dma_start3A_320, %dma_start3A_332, %dma_start3A_333] : memref<10x128x64xf32, #tpu.memory_space<vmem>> -> memref<1x128x64xf32, #tpu.memory_space<vmem>>
    %dma_start3A_335 = tpu.memref_squeeze %dma_start3A_334 : memref<1x128x64xf32, #tpu.memory_space<vmem>> -> memref<128x64xf32, #tpu.memory_space<vmem>>
    tpu.enqueue_dma source(%dma_start3A_335 : memref<128x64xf32, #tpu.memory_space<vmem>>) target(%dma_start3A_331 : memref<128x64xf32, #tpu.memory_space<hbm>>) target_semaphore(%dma_start3A_329 : memref<!tpu.dma_semaphore, #tpu.memory_space<semaphore_mem>>)
    %dma_wait3A_336 = arith.constant 6 : i32
    %dma_wait3A_337 = arith.constant 6 : i32
    %dma_wait3A_338 = arith.constant 0 : i32
    %dma_wait3A_339 = arith.constant 0 : i32
    %dma_wait3A_340 = tpu.memref_slice %arg6[%dma_wait3A_336, %dma_wait3A_338, %dma_wait3A_339] : memref<10x128x64xf32, #tpu.memory_space<vmem>> -> memref<1x128x64xf32, #tpu.memory_space<vmem>>
    %dma_wait3A_341 = tpu.memref_squeeze %dma_wait3A_340 : memref<1x128x64xf32, #tpu.memory_space<vmem>> -> memref<128x64xf32, #tpu.memory_space<vmem>>
    %dma_wait3A_342 = arith.constant 5888 : i32
    %dma_wait3A_343 = tpu.memref_slice %arg5[%dma_wait3A_342] : memref<6400xi32, #tpu.memory_space<vmem>> -> memref<128xi32, #tpu.memory_space<vmem>>
    %dma_wait3A_344 = arith.constant 0 : i32
    %dma_wait3A_345 = arith.constant 0 : i32
    %dma_wait3A_346 = tpu.memref_slice %arg3[%dma_wait3A_344, %dma_wait3A_345] : memref<1000000x64xf32, #tpu.memory_space<hbm>> -> memref<1000000x64xf32, #tpu.memory_space<hbm>>
    %dma_wait3A_347 = tpu.memref_slice %arg7[%dma_wait3A_337] : memref<10x!tpu.dma_semaphore, #tpu.memory_space<semaphore_mem>> -> memref<1x!tpu.dma_semaphore, #tpu.memory_space<semaphore_mem>>
    %dma_wait3A_348 = tpu.memref_squeeze %dma_wait3A_347 : memref<1x!tpu.dma_semaphore, #tpu.memory_space<semaphore_mem>> -> memref<!tpu.dma_semaphore, #tpu.memory_space<semaphore_mem>>
    tpu.wait_indirect_dma semaphore(%dma_wait3A_348 : memref<!tpu.dma_semaphore, #tpu.memory_space<semaphore_mem>>) src(%dma_wait3A_346 : memref<1000000x64xf32, #tpu.memory_space<hbm>>) dst(%dma_wait3A_341 : memref<128x64xf32, #tpu.memory_space<vmem>>)
    %add3A_349 = arith.constant 46 : i32
    %add3A_350 = arith.addi %mul3A_2, %add3A_349 : i32
    %mul3A_351 = arith.constant 128 : i32
    %mul3A_352 = arith.muli %add3A_350, %mul3A_351 : i32
    %dma_start3A_353 = arith.constant 6 : i32
    %dma_start3A_354 = arith.constant 6 : i32
    %dma_start3A_355 = arith.constant 0 : i32
    %dma_start3A_356 = arith.constant 0 : i32
    %dma_start3A_357 = tpu.memref_slice %arg6[%dma_start3A_353, %dma_start3A_355, %dma_start3A_356] : memref<10x128x64xf32, #tpu.memory_space<vmem>> -> memref<1x128x64xf32, #tpu.memory_space<vmem>>
    %dma_start3A_358 = tpu.memref_squeeze %dma_start3A_357 : memref<1x128x64xf32, #tpu.memory_space<vmem>> -> memref<128x64xf32, #tpu.memory_space<vmem>>
    %dma_start3A_359 = arith.constant 0 : i32
    %dma_start3A_360 = tpu.memref_slice %arg4[%mul3A_352, %dma_start3A_359] : memref<204800x64xf32, #tpu.memory_space<hbm>> -> memref<128x64xf32, #tpu.memory_space<hbm>>
    %dma_start3A_361 = tpu.memref_slice %arg8[%dma_start3A_354] : memref<10x!tpu.dma_semaphore, #tpu.memory_space<semaphore_mem>> -> memref<1x!tpu.dma_semaphore, #tpu.memory_space<semaphore_mem>>
    %dma_start3A_362 = tpu.memref_squeeze %dma_start3A_361 : memref<1x!tpu.dma_semaphore, #tpu.memory_space<semaphore_mem>> -> memref<!tpu.dma_semaphore, #tpu.memory_space<semaphore_mem>>
    %dma_start3A_363 = arith.constant 0 : i32
    %dma_start3A_364 = tpu.memref_slice %arg4[%mul3A_352, %dma_start3A_363] : memref<204800x64xf32, #tpu.memory_space<hbm>> -> memref<128x64xf32, #tpu.memory_space<hbm>>
    %dma_start3A_365 = arith.constant 0 : i32
    %dma_start3A_366 = arith.constant 0 : i32
    %dma_start3A_367 = tpu.memref_slice %arg6[%dma_start3A_353, %dma_start3A_365, %dma_start3A_366] : memref<10x128x64xf32, #tpu.memory_space<vmem>> -> memref<1x128x64xf32, #tpu.memory_space<vmem>>
    %dma_start3A_368 = tpu.memref_squeeze %dma_start3A_367 : memref<1x128x64xf32, #tpu.memory_space<vmem>> -> memref<128x64xf32, #tpu.memory_space<vmem>>
    tpu.enqueue_dma source(%dma_start3A_368 : memref<128x64xf32, #tpu.memory_space<vmem>>) target(%dma_start3A_364 : memref<128x64xf32, #tpu.memory_space<hbm>>) target_semaphore(%dma_start3A_362 : memref<!tpu.dma_semaphore, #tpu.memory_space<semaphore_mem>>)
    %dma_wait3A_369 = arith.constant 7 : i32
    %dma_wait3A_370 = arith.constant 7 : i32
    %dma_wait3A_371 = arith.constant 0 : i32
    %dma_wait3A_372 = arith.constant 0 : i32
    %dma_wait3A_373 = tpu.memref_slice %arg6[%dma_wait3A_369, %dma_wait3A_371, %dma_wait3A_372] : memref<10x128x64xf32, #tpu.memory_space<vmem>> -> memref<1x128x64xf32, #tpu.memory_space<vmem>>
    %dma_wait3A_374 = tpu.memref_squeeze %dma_wait3A_373 : memref<1x128x64xf32, #tpu.memory_space<vmem>> -> memref<128x64xf32, #tpu.memory_space<vmem>>
    %dma_wait3A_375 = arith.constant 6016 : i32
    %dma_wait3A_376 = tpu.memref_slice %arg5[%dma_wait3A_375] : memref<6400xi32, #tpu.memory_space<vmem>> -> memref<128xi32, #tpu.memory_space<vmem>>
    %dma_wait3A_377 = arith.constant 0 : i32
    %dma_wait3A_378 = arith.constant 0 : i32
    %dma_wait3A_379 = tpu.memref_slice %arg3[%dma_wait3A_377, %dma_wait3A_378] : memref<1000000x64xf32, #tpu.memory_space<hbm>> -> memref<1000000x64xf32, #tpu.memory_space<hbm>>
    %dma_wait3A_380 = tpu.memref_slice %arg7[%dma_wait3A_370] : memref<10x!tpu.dma_semaphore, #tpu.memory_space<semaphore_mem>> -> memref<1x!tpu.dma_semaphore, #tpu.memory_space<semaphore_mem>>
    %dma_wait3A_381 = tpu.memref_squeeze %dma_wait3A_380 : memref<1x!tpu.dma_semaphore, #tpu.memory_space<semaphore_mem>> -> memref<!tpu.dma_semaphore, #tpu.memory_space<semaphore_mem>>
    tpu.wait_indirect_dma semaphore(%dma_wait3A_381 : memref<!tpu.dma_semaphore, #tpu.memory_space<semaphore_mem>>) src(%dma_wait3A_379 : memref<1000000x64xf32, #tpu.memory_space<hbm>>) dst(%dma_wait3A_374 : memref<128x64xf32, #tpu.memory_space<vmem>>)
    %add3A_382 = arith.constant 47 : i32
    %add3A_383 = arith.addi %mul3A_2, %add3A_382 : i32
    %mul3A_384 = arith.constant 128 : i32
    %mul3A_385 = arith.muli %add3A_383, %mul3A_384 : i32
    %dma_start3A_386 = arith.constant 7 : i32
    %dma_start3A_387 = arith.constant 7 : i32
    %dma_start3A_388 = arith.constant 0 : i32
    %dma_start3A_389 = arith.constant 0 : i32
    %dma_start3A_390 = tpu.memref_slice %arg6[%dma_start3A_386, %dma_start3A_388, %dma_start3A_389] : memref<10x128x64xf32, #tpu.memory_space<vmem>> -> memref<1x128x64xf32, #tpu.memory_space<vmem>>
    %dma_start3A_391 = tpu.memref_squeeze %dma_start3A_390 : memref<1x128x64xf32, #tpu.memory_space<vmem>> -> memref<128x64xf32, #tpu.memory_space<vmem>>
    %dma_start3A_392 = arith.constant 0 : i32
    %dma_start3A_393 = tpu.memref_slice %arg4[%mul3A_385, %dma_start3A_392] : memref<204800x64xf32, #tpu.memory_space<hbm>> -> memref<128x64xf32, #tpu.memory_space<hbm>>
    %dma_start3A_394 = tpu.memref_slice %arg8[%dma_start3A_387] : memref<10x!tpu.dma_semaphore, #tpu.memory_space<semaphore_mem>> -> memref<1x!tpu.dma_semaphore, #tpu.memory_space<semaphore_mem>>
    %dma_start3A_395 = tpu.memref_squeeze %dma_start3A_394 : memref<1x!tpu.dma_semaphore, #tpu.memory_space<semaphore_mem>> -> memref<!tpu.dma_semaphore, #tpu.memory_space<semaphore_mem>>
    %dma_start3A_396 = arith.constant 0 : i32
    %dma_start3A_397 = tpu.memref_slice %arg4[%mul3A_385, %dma_start3A_396] : memref<204800x64xf32, #tpu.memory_space<hbm>> -> memref<128x64xf32, #tpu.memory_space<hbm>>
    %dma_start3A_398 = arith.constant 0 : i32
    %dma_start3A_399 = arith.constant 0 : i32
    %dma_start3A_400 = tpu.memref_slice %arg6[%dma_start3A_386, %dma_start3A_398, %dma_start3A_399] : memref<10x128x64xf32, #tpu.memory_space<vmem>> -> memref<1x128x64xf32, #tpu.memory_space<vmem>>
    %dma_start3A_401 = tpu.memref_squeeze %dma_start3A_400 : memref<1x128x64xf32, #tpu.memory_space<vmem>> -> memref<128x64xf32, #tpu.memory_space<vmem>>
    tpu.enqueue_dma source(%dma_start3A_401 : memref<128x64xf32, #tpu.memory_space<vmem>>) target(%dma_start3A_397 : memref<128x64xf32, #tpu.memory_space<hbm>>) target_semaphore(%dma_start3A_395 : memref<!tpu.dma_semaphore, #tpu.memory_space<semaphore_mem>>)
    %dma_wait3A_402 = arith.constant 8 : i32
    %dma_wait3A_403 = arith.constant 8 : i32
    %dma_wait3A_404 = arith.constant 0 : i32
    %dma_wait3A_405 = arith.constant 0 : i32
    %dma_wait3A_406 = tpu.memref_slice %arg6[%dma_wait3A_402, %dma_wait3A_404, %dma_wait3A_405] : memref<10x128x64xf32, #tpu.memory_space<vmem>> -> memref<1x128x64xf32, #tpu.memory_space<vmem>>
    %dma_wait3A_407 = tpu.memref_squeeze %dma_wait3A_406 : memref<1x128x64xf32, #tpu.memory_space<vmem>> -> memref<128x64xf32, #tpu.memory_space<vmem>>
    %dma_wait3A_408 = arith.constant 6144 : i32
    %dma_wait3A_409 = tpu.memref_slice %arg5[%dma_wait3A_408] : memref<6400xi32, #tpu.memory_space<vmem>> -> memref<128xi32, #tpu.memory_space<vmem>>
    %dma_wait3A_410 = arith.constant 0 : i32
    %dma_wait3A_411 = arith.constant 0 : i32
    %dma_wait3A_412 = tpu.memref_slice %arg3[%dma_wait3A_410, %dma_wait3A_411] : memref<1000000x64xf32, #tpu.memory_space<hbm>> -> memref<1000000x64xf32, #tpu.memory_space<hbm>>
    %dma_wait3A_413 = tpu.memref_slice %arg7[%dma_wait3A_403] : memref<10x!tpu.dma_semaphore, #tpu.memory_space<semaphore_mem>> -> memref<1x!tpu.dma_semaphore, #tpu.memory_space<semaphore_mem>>
    %dma_wait3A_414 = tpu.memref_squeeze %dma_wait3A_413 : memref<1x!tpu.dma_semaphore, #tpu.memory_space<semaphore_mem>> -> memref<!tpu.dma_semaphore, #tpu.memory_space<semaphore_mem>>
    tpu.wait_indirect_dma semaphore(%dma_wait3A_414 : memref<!tpu.dma_semaphore, #tpu.memory_space<semaphore_mem>>) src(%dma_wait3A_412 : memref<1000000x64xf32, #tpu.memory_space<hbm>>) dst(%dma_wait3A_407 : memref<128x64xf32, #tpu.memory_space<vmem>>)
    %add3A_415 = arith.constant 48 : i32
    %add3A_416 = arith.addi %mul3A_2, %add3A_415 : i32
    %mul3A_417 = arith.constant 128 : i32
    %mul3A_418 = arith.muli %add3A_416, %mul3A_417 : i32
    %dma_start3A_419 = arith.constant 8 : i32
    %dma_start3A_420 = arith.constant 8 : i32
    %dma_start3A_421 = arith.constant 0 : i32
    %dma_start3A_422 = arith.constant 0 : i32
    %dma_start3A_423 = tpu.memref_slice %arg6[%dma_start3A_419, %dma_start3A_421, %dma_start3A_422] : memref<10x128x64xf32, #tpu.memory_space<vmem>> -> memref<1x128x64xf32, #tpu.memory_space<vmem>>
    %dma_start3A_424 = tpu.memref_squeeze %dma_start3A_423 : memref<1x128x64xf32, #tpu.memory_space<vmem>> -> memref<128x64xf32, #tpu.memory_space<vmem>>
    %dma_start3A_425 = arith.constant 0 : i32
    %dma_start3A_426 = tpu.memref_slice %arg4[%mul3A_418, %dma_start3A_425] : memref<204800x64xf32, #tpu.memory_space<hbm>> -> memref<128x64xf32, #tpu.memory_space<hbm>>
    %dma_start3A_427 = tpu.memref_slice %arg8[%dma_start3A_420] : memref<10x!tpu.dma_semaphore, #tpu.memory_space<semaphore_mem>> -> memref<1x!tpu.dma_semaphore, #tpu.memory_space<semaphore_mem>>
    %dma_start3A_428 = tpu.memref_squeeze %dma_start3A_427 : memref<1x!tpu.dma_semaphore, #tpu.memory_space<semaphore_mem>> -> memref<!tpu.dma_semaphore, #tpu.memory_space<semaphore_mem>>
    %dma_start3A_429 = arith.constant 0 : i32
    %dma_start3A_430 = tpu.memref_slice %arg4[%mul3A_418, %dma_start3A_429] : memref<204800x64xf32, #tpu.memory_space<hbm>> -> memref<128x64xf32, #tpu.memory_space<hbm>>
    %dma_start3A_431 = arith.constant 0 : i32
    %dma_start3A_432 = arith.constant 0 : i32
    %dma_start3A_433 = tpu.memref_slice %arg6[%dma_start3A_419, %dma_start3A_431, %dma_start3A_432] : memref<10x128x64xf32, #tpu.memory_space<vmem>> -> memref<1x128x64xf32, #tpu.memory_space<vmem>>
    %dma_start3A_434 = tpu.memref_squeeze %dma_start3A_433 : memref<1x128x64xf32, #tpu.memory_space<vmem>> -> memref<128x64xf32, #tpu.memory_space<vmem>>
    tpu.enqueue_dma source(%dma_start3A_434 : memref<128x64xf32, #tpu.memory_space<vmem>>) target(%dma_start3A_430 : memref<128x64xf32, #tpu.memory_space<hbm>>) target_semaphore(%dma_start3A_428 : memref<!tpu.dma_semaphore, #tpu.memory_space<semaphore_mem>>)
    %dma_wait3A_435 = arith.constant 9 : i32
    %dma_wait3A_436 = arith.constant 9 : i32
    %dma_wait3A_437 = arith.constant 0 : i32
    %dma_wait3A_438 = arith.constant 0 : i32
    %dma_wait3A_439 = tpu.memref_slice %arg6[%dma_wait3A_435, %dma_wait3A_437, %dma_wait3A_438] : memref<10x128x64xf32, #tpu.memory_space<vmem>> -> memref<1x128x64xf32, #tpu.memory_space<vmem>>
    %dma_wait3A_440 = tpu.memref_squeeze %dma_wait3A_439 : memref<1x128x64xf32, #tpu.memory_space<vmem>> -> memref<128x64xf32, #tpu.memory_space<vmem>>
    %dma_wait3A_441 = arith.constant 6272 : i32
    %dma_wait3A_442 = tpu.memref_slice %arg5[%dma_wait3A_441] : memref<6400xi32, #tpu.memory_space<vmem>> -> memref<128xi32, #tpu.memory_space<vmem>>
    %dma_wait3A_443 = arith.constant 0 : i32
    %dma_wait3A_444 = arith.constant 0 : i32
    %dma_wait3A_445 = tpu.memref_slice %arg3[%dma_wait3A_443, %dma_wait3A_444] : memref<1000000x64xf32, #tpu.memory_space<hbm>> -> memref<1000000x64xf32, #tpu.memory_space<hbm>>
    %dma_wait3A_446 = tpu.memref_slice %arg7[%dma_wait3A_436] : memref<10x!tpu.dma_semaphore, #tpu.memory_space<semaphore_mem>> -> memref<1x!tpu.dma_semaphore, #tpu.memory_space<semaphore_mem>>
    %dma_wait3A_447 = tpu.memref_squeeze %dma_wait3A_446 : memref<1x!tpu.dma_semaphore, #tpu.memory_space<semaphore_mem>> -> memref<!tpu.dma_semaphore, #tpu.memory_space<semaphore_mem>>
    tpu.wait_indirect_dma semaphore(%dma_wait3A_447 : memref<!tpu.dma_semaphore, #tpu.memory_space<semaphore_mem>>) src(%dma_wait3A_445 : memref<1000000x64xf32, #tpu.memory_space<hbm>>) dst(%dma_wait3A_440 : memref<128x64xf32, #tpu.memory_space<vmem>>)
    %add3A_448 = arith.constant 49 : i32
    %add3A_449 = arith.addi %mul3A_2, %add3A_448 : i32
    %mul3A_450 = arith.constant 128 : i32
    %mul3A_451 = arith.muli %add3A_449, %mul3A_450 : i32
    %dma_start3A_452 = arith.constant 9 : i32
    %dma_start3A_453 = arith.constant 9 : i32
    %dma_start3A_454 = arith.constant 0 : i32
    %dma_start3A_455 = arith.constant 0 : i32
    %dma_start3A_456 = tpu.memref_slice %arg6[%dma_start3A_452, %dma_start3A_454, %dma_start3A_455] : memref<10x128x64xf32, #tpu.memory_space<vmem>> -> memref<1x128x64xf32, #tpu.memory_space<vmem>>
    %dma_start3A_457 = tpu.memref_squeeze %dma_start3A_456 : memref<1x128x64xf32, #tpu.memory_space<vmem>> -> memref<128x64xf32, #tpu.memory_space<vmem>>
    %dma_start3A_458 = arith.constant 0 : i32
    %dma_start3A_459 = tpu.memref_slice %arg4[%mul3A_451, %dma_start3A_458] : memref<204800x64xf32, #tpu.memory_space<hbm>> -> memref<128x64xf32, #tpu.memory_space<hbm>>
    %dma_start3A_460 = tpu.memref_slice %arg8[%dma_start3A_453] : memref<10x!tpu.dma_semaphore, #tpu.memory_space<semaphore_mem>> -> memref<1x!tpu.dma_semaphore, #tpu.memory_space<semaphore_mem>>
    %dma_start3A_461 = tpu.memref_squeeze %dma_start3A_460 : memref<1x!tpu.dma_semaphore, #tpu.memory_space<semaphore_mem>> -> memref<!tpu.dma_semaphore, #tpu.memory_space<semaphore_mem>>
    %dma_start3A_462 = arith.constant 0 : i32
    %dma_start3A_463 = tpu.memref_slice %arg4[%mul3A_451, %dma_start3A_462] : memref<204800x64xf32, #tpu.memory_space<hbm>> -> memref<128x64xf32, #tpu.memory_space<hbm>>
    %dma_start3A_464 = arith.constant 0 : i32
    %dma_start3A_465 = arith.constant 0 : i32
    %dma_start3A_466 = tpu.memref_slice %arg6[%dma_start3A_452, %dma_start3A_464, %dma_start3A_465] : memref<10x128x64xf32, #tpu.memory_space<vmem>> -> memref<1x128x64xf32, #tpu.memory_space<vmem>>
    %dma_start3A_467 = tpu.memref_squeeze %dma_start3A_466 : memref<1x128x64xf32, #tpu.memory_space<vmem>> -> memref<128x64xf32, #tpu.memory_space<vmem>>
    tpu.enqueue_dma source(%dma_start3A_467 : memref<128x64xf32, #tpu.memory_space<vmem>>) target(%dma_start3A_463 : memref<128x64xf32, #tpu.memory_space<hbm>>) target_semaphore(%dma_start3A_461 : memref<!tpu.dma_semaphore, #tpu.memory_space<semaphore_mem>>)
    %add3A_468 = arith.constant 40 : i32
    %add3A_469 = arith.addi %mul3A_2, %add3A_468 : i32
    %mul3A_470 = arith.constant 128 : i32
    %mul3A_471 = arith.muli %add3A_469, %mul3A_470 : i32
    %dma_wait3A_472 = arith.constant 0 : i32
    %dma_wait3A_473 = arith.constant 0 : i32
    %dma_wait3A_474 = arith.constant 0 : i32
    %dma_wait3A_475 = arith.constant 0 : i32
    %dma_wait3A_476 = tpu.memref_slice %arg6[%dma_wait3A_472, %dma_wait3A_474, %dma_wait3A_475] : memref<10x128x64xf32, #tpu.memory_space<vmem>> -> memref<1x128x64xf32, #tpu.memory_space<vmem>>
    %dma_wait3A_477 = tpu.memref_squeeze %dma_wait3A_476 : memref<1x128x64xf32, #tpu.memory_space<vmem>> -> memref<128x64xf32, #tpu.memory_space<vmem>>
    %dma_wait3A_478 = arith.constant 0 : i32
    %dma_wait3A_479 = tpu.memref_slice %arg4[%mul3A_471, %dma_wait3A_478] : memref<204800x64xf32, #tpu.memory_space<hbm>> -> memref<128x64xf32, #tpu.memory_space<hbm>>
    %dma_wait3A_480 = tpu.memref_slice %arg8[%dma_wait3A_473] : memref<10x!tpu.dma_semaphore, #tpu.memory_space<semaphore_mem>> -> memref<1x!tpu.dma_semaphore, #tpu.memory_space<semaphore_mem>>
    %dma_wait3A_481 = tpu.memref_squeeze %dma_wait3A_480 : memref<1x!tpu.dma_semaphore, #tpu.memory_space<semaphore_mem>> -> memref<!tpu.dma_semaphore, #tpu.memory_space<semaphore_mem>>
    %dma_wait3A_482 = arith.constant 0 : i32
    %dma_wait3A_483 = tpu.memref_slice %arg4[%mul3A_471, %dma_wait3A_482] : memref<204800x64xf32, #tpu.memory_space<hbm>> -> memref<128x64xf32, #tpu.memory_space<hbm>>
    %dma_wait3A_484 = arith.constant 0 : i32
    %dma_wait3A_485 = arith.constant 0 : i32
    %dma_wait3A_486 = tpu.memref_slice %arg6[%dma_wait3A_472, %dma_wait3A_484, %dma_wait3A_485] : memref<10x128x64xf32, #tpu.memory_space<vmem>> -> memref<1x128x64xf32, #tpu.memory_space<vmem>>
    %dma_wait3A_487 = tpu.memref_squeeze %dma_wait3A_486 : memref<1x128x64xf32, #tpu.memory_space<vmem>> -> memref<128x64xf32, #tpu.memory_space<vmem>>
    tpu.wait_dma2 semaphore(%dma_wait3A_481 : memref<!tpu.dma_semaphore, #tpu.memory_space<semaphore_mem>>) src(%dma_wait3A_487 : memref<128x64xf32, #tpu.memory_space<vmem>>) dst(%dma_wait3A_483 : memref<128x64xf32, #tpu.memory_space<hbm>>)
    %add3A_488 = arith.constant 41 : i32
    %add3A_489 = arith.addi %mul3A_2, %add3A_488 : i32
    %mul3A_490 = arith.constant 128 : i32
    %mul3A_491 = arith.muli %add3A_489, %mul3A_490 : i32
    %dma_wait3A_492 = arith.constant 1 : i32
    %dma_wait3A_493 = arith.constant 1 : i32
    %dma_wait3A_494 = arith.constant 0 : i32
    %dma_wait3A_495 = arith.constant 0 : i32
    %dma_wait3A_496 = tpu.memref_slice %arg6[%dma_wait3A_492, %dma_wait3A_494, %dma_wait3A_495] : memref<10x128x64xf32, #tpu.memory_space<vmem>> -> memref<1x128x64xf32, #tpu.memory_space<vmem>>
    %dma_wait3A_497 = tpu.memref_squeeze %dma_wait3A_496 : memref<1x128x64xf32, #tpu.memory_space<vmem>> -> memref<128x64xf32, #tpu.memory_space<vmem>>
    %dma_wait3A_498 = arith.constant 0 : i32
    %dma_wait3A_499 = tpu.memref_slice %arg4[%mul3A_491, %dma_wait3A_498] : memref<204800x64xf32, #tpu.memory_space<hbm>> -> memref<128x64xf32, #tpu.memory_space<hbm>>
    %dma_wait3A_500 = tpu.memref_slice %arg8[%dma_wait3A_493] : memref<10x!tpu.dma_semaphore, #tpu.memory_space<semaphore_mem>> -> memref<1x!tpu.dma_semaphore, #tpu.memory_space<semaphore_mem>>
    %dma_wait3A_501 = tpu.memref_squeeze %dma_wait3A_500 : memref<1x!tpu.dma_semaphore, #tpu.memory_space<semaphore_mem>> -> memref<!tpu.dma_semaphore, #tpu.memory_space<semaphore_mem>>
    %dma_wait3A_502 = arith.constant 0 : i32
    %dma_wait3A_503 = tpu.memref_slice %arg4[%mul3A_491, %dma_wait3A_502] : memref<204800x64xf32, #tpu.memory_space<hbm>> -> memref<128x64xf32, #tpu.memory_space<hbm>>
    %dma_wait3A_504 = arith.constant 0 : i32
    %dma_wait3A_505 = arith.constant 0 : i32
    %dma_wait3A_506 = tpu.memref_slice %arg6[%dma_wait3A_492, %dma_wait3A_504, %dma_wait3A_505] : memref<10x128x64xf32, #tpu.memory_space<vmem>> -> memref<1x128x64xf32, #tpu.memory_space<vmem>>
    %dma_wait3A_507 = tpu.memref_squeeze %dma_wait3A_506 : memref<1x128x64xf32, #tpu.memory_space<vmem>> -> memref<128x64xf32, #tpu.memory_space<vmem>>
    tpu.wait_dma2 semaphore(%dma_wait3A_501 : memref<!tpu.dma_semaphore, #tpu.memory_space<semaphore_mem>>) src(%dma_wait3A_507 : memref<128x64xf32, #tpu.memory_space<vmem>>) dst(%dma_wait3A_503 : memref<128x64xf32, #tpu.memory_space<hbm>>)
    %add3A_508 = arith.constant 42 : i32
    %add3A_509 = arith.addi %mul3A_2, %add3A_508 : i32
    %mul3A_510 = arith.constant 128 : i32
    %mul3A_511 = arith.muli %add3A_509, %mul3A_510 : i32
    %dma_wait3A_512 = arith.constant 2 : i32
    %dma_wait3A_513 = arith.constant 2 : i32
    %dma_wait3A_514 = arith.constant 0 : i32
    %dma_wait3A_515 = arith.constant 0 : i32
    %dma_wait3A_516 = tpu.memref_slice %arg6[%dma_wait3A_512, %dma_wait3A_514, %dma_wait3A_515] : memref<10x128x64xf32, #tpu.memory_space<vmem>> -> memref<1x128x64xf32, #tpu.memory_space<vmem>>
    %dma_wait3A_517 = tpu.memref_squeeze %dma_wait3A_516 : memref<1x128x64xf32, #tpu.memory_space<vmem>> -> memref<128x64xf32, #tpu.memory_space<vmem>>
    %dma_wait3A_518 = arith.constant 0 : i32
    %dma_wait3A_519 = tpu.memref_slice %arg4[%mul3A_511, %dma_wait3A_518] : memref<204800x64xf32, #tpu.memory_space<hbm>> -> memref<128x64xf32, #tpu.memory_space<hbm>>
    %dma_wait3A_520 = tpu.memref_slice %arg8[%dma_wait3A_513] : memref<10x!tpu.dma_semaphore, #tpu.memory_space<semaphore_mem>> -> memref<1x!tpu.dma_semaphore, #tpu.memory_space<semaphore_mem>>
    %dma_wait3A_521 = tpu.memref_squeeze %dma_wait3A_520 : memref<1x!tpu.dma_semaphore, #tpu.memory_space<semaphore_mem>> -> memref<!tpu.dma_semaphore, #tpu.memory_space<semaphore_mem>>
    %dma_wait3A_522 = arith.constant 0 : i32
    %dma_wait3A_523 = tpu.memref_slice %arg4[%mul3A_511, %dma_wait3A_522] : memref<204800x64xf32, #tpu.memory_space<hbm>> -> memref<128x64xf32, #tpu.memory_space<hbm>>
    %dma_wait3A_524 = arith.constant 0 : i32
    %dma_wait3A_525 = arith.constant 0 : i32
    %dma_wait3A_526 = tpu.memref_slice %arg6[%dma_wait3A_512, %dma_wait3A_524, %dma_wait3A_525] : memref<10x128x64xf32, #tpu.memory_space<vmem>> -> memref<1x128x64xf32, #tpu.memory_space<vmem>>
    %dma_wait3A_527 = tpu.memref_squeeze %dma_wait3A_526 : memref<1x128x64xf32, #tpu.memory_space<vmem>> -> memref<128x64xf32, #tpu.memory_space<vmem>>
    tpu.wait_dma2 semaphore(%dma_wait3A_521 : memref<!tpu.dma_semaphore, #tpu.memory_space<semaphore_mem>>) src(%dma_wait3A_527 : memref<128x64xf32, #tpu.memory_space<vmem>>) dst(%dma_wait3A_523 : memref<128x64xf32, #tpu.memory_space<hbm>>)
    %add3A_528 = arith.constant 43 : i32
    %add3A_529 = arith.addi %mul3A_2, %add3A_528 : i32
    %mul3A_530 = arith.constant 128 : i32
    %mul3A_531 = arith.muli %add3A_529, %mul3A_530 : i32
    %dma_wait3A_532 = arith.constant 3 : i32
    %dma_wait3A_533 = arith.constant 3 : i32
    %dma_wait3A_534 = arith.constant 0 : i32
    %dma_wait3A_535 = arith.constant 0 : i32
    %dma_wait3A_536 = tpu.memref_slice %arg6[%dma_wait3A_532, %dma_wait3A_534, %dma_wait3A_535] : memref<10x128x64xf32, #tpu.memory_space<vmem>> -> memref<1x128x64xf32, #tpu.memory_space<vmem>>
    %dma_wait3A_537 = tpu.memref_squeeze %dma_wait3A_536 : memref<1x128x64xf32, #tpu.memory_space<vmem>> -> memref<128x64xf32, #tpu.memory_space<vmem>>
    %dma_wait3A_538 = arith.constant 0 : i32
    %dma_wait3A_539 = tpu.memref_slice %arg4[%mul3A_531, %dma_wait3A_538] : memref<204800x64xf32, #tpu.memory_space<hbm>> -> memref<128x64xf32, #tpu.memory_space<hbm>>
    %dma_wait3A_540 = tpu.memref_slice %arg8[%dma_wait3A_533] : memref<10x!tpu.dma_semaphore, #tpu.memory_space<semaphore_mem>> -> memref<1x!tpu.dma_semaphore, #tpu.memory_space<semaphore_mem>>
    %dma_wait3A_541 = tpu.memref_squeeze %dma_wait3A_540 : memref<1x!tpu.dma_semaphore, #tpu.memory_space<semaphore_mem>> -> memref<!tpu.dma_semaphore, #tpu.memory_space<semaphore_mem>>
    %dma_wait3A_542 = arith.constant 0 : i32
    %dma_wait3A_543 = tpu.memref_slice %arg4[%mul3A_531, %dma_wait3A_542] : memref<204800x64xf32, #tpu.memory_space<hbm>> -> memref<128x64xf32, #tpu.memory_space<hbm>>
    %dma_wait3A_544 = arith.constant 0 : i32
    %dma_wait3A_545 = arith.constant 0 : i32
    %dma_wait3A_546 = tpu.memref_slice %arg6[%dma_wait3A_532, %dma_wait3A_544, %dma_wait3A_545] : memref<10x128x64xf32, #tpu.memory_space<vmem>> -> memref<1x128x64xf32, #tpu.memory_space<vmem>>
    %dma_wait3A_547 = tpu.memref_squeeze %dma_wait3A_546 : memref<1x128x64xf32, #tpu.memory_space<vmem>> -> memref<128x64xf32, #tpu.memory_space<vmem>>
    tpu.wait_dma2 semaphore(%dma_wait3A_541 : memref<!tpu.dma_semaphore, #tpu.memory_space<semaphore_mem>>) src(%dma_wait3A_547 : memref<128x64xf32, #tpu.memory_space<vmem>>) dst(%dma_wait3A_543 : memref<128x64xf32, #tpu.memory_space<hbm>>)
    %add3A_548 = arith.constant 44 : i32
    %add3A_549 = arith.addi %mul3A_2, %add3A_548 : i32
    %mul3A_550 = arith.constant 128 : i32
    %mul3A_551 = arith.muli %add3A_549, %mul3A_550 : i32
    %dma_wait3A_552 = arith.constant 4 : i32
    %dma_wait3A_553 = arith.constant 4 : i32
    %dma_wait3A_554 = arith.constant 0 : i32
    %dma_wait3A_555 = arith.constant 0 : i32
    %dma_wait3A_556 = tpu.memref_slice %arg6[%dma_wait3A_552, %dma_wait3A_554, %dma_wait3A_555] : memref<10x128x64xf32, #tpu.memory_space<vmem>> -> memref<1x128x64xf32, #tpu.memory_space<vmem>>
    %dma_wait3A_557 = tpu.memref_squeeze %dma_wait3A_556 : memref<1x128x64xf32, #tpu.memory_space<vmem>> -> memref<128x64xf32, #tpu.memory_space<vmem>>
    %dma_wait3A_558 = arith.constant 0 : i32
    %dma_wait3A_559 = tpu.memref_slice %arg4[%mul3A_551, %dma_wait3A_558] : memref<204800x64xf32, #tpu.memory_space<hbm>> -> memref<128x64xf32, #tpu.memory_space<hbm>>
    %dma_wait3A_560 = tpu.memref_slice %arg8[%dma_wait3A_553] : memref<10x!tpu.dma_semaphore, #tpu.memory_space<semaphore_mem>> -> memref<1x!tpu.dma_semaphore, #tpu.memory_space<semaphore_mem>>
    %dma_wait3A_561 = tpu.memref_squeeze %dma_wait3A_560 : memref<1x!tpu.dma_semaphore, #tpu.memory_space<semaphore_mem>> -> memref<!tpu.dma_semaphore, #tpu.memory_space<semaphore_mem>>
    %dma_wait3A_562 = arith.constant 0 : i32
    %dma_wait3A_563 = tpu.memref_slice %arg4[%mul3A_551, %dma_wait3A_562] : memref<204800x64xf32, #tpu.memory_space<hbm>> -> memref<128x64xf32, #tpu.memory_space<hbm>>
    %dma_wait3A_564 = arith.constant 0 : i32
    %dma_wait3A_565 = arith.constant 0 : i32
    %dma_wait3A_566 = tpu.memref_slice %arg6[%dma_wait3A_552, %dma_wait3A_564, %dma_wait3A_565] : memref<10x128x64xf32, #tpu.memory_space<vmem>> -> memref<1x128x64xf32, #tpu.memory_space<vmem>>
    %dma_wait3A_567 = tpu.memref_squeeze %dma_wait3A_566 : memref<1x128x64xf32, #tpu.memory_space<vmem>> -> memref<128x64xf32, #tpu.memory_space<vmem>>
    tpu.wait_dma2 semaphore(%dma_wait3A_561 : memref<!tpu.dma_semaphore, #tpu.memory_space<semaphore_mem>>) src(%dma_wait3A_567 : memref<128x64xf32, #tpu.memory_space<vmem>>) dst(%dma_wait3A_563 : memref<128x64xf32, #tpu.memory_space<hbm>>)
    %add3A_568 = arith.constant 45 : i32
    %add3A_569 = arith.addi %mul3A_2, %add3A_568 : i32
    %mul3A_570 = arith.constant 128 : i32
    %mul3A_571 = arith.muli %add3A_569, %mul3A_570 : i32
    %dma_wait3A_572 = arith.constant 5 : i32
    %dma_wait3A_573 = arith.constant 5 : i32
    %dma_wait3A_574 = arith.constant 0 : i32
    %dma_wait3A_575 = arith.constant 0 : i32
    %dma_wait3A_576 = tpu.memref_slice %arg6[%dma_wait3A_572, %dma_wait3A_574, %dma_wait3A_575] : memref<10x128x64xf32, #tpu.memory_space<vmem>> -> memref<1x128x64xf32, #tpu.memory_space<vmem>>
    %dma_wait3A_577 = tpu.memref_squeeze %dma_wait3A_576 : memref<1x128x64xf32, #tpu.memory_space<vmem>> -> memref<128x64xf32, #tpu.memory_space<vmem>>
    %dma_wait3A_578 = arith.constant 0 : i32
    %dma_wait3A_579 = tpu.memref_slice %arg4[%mul3A_571, %dma_wait3A_578] : memref<204800x64xf32, #tpu.memory_space<hbm>> -> memref<128x64xf32, #tpu.memory_space<hbm>>
    %dma_wait3A_580 = tpu.memref_slice %arg8[%dma_wait3A_573] : memref<10x!tpu.dma_semaphore, #tpu.memory_space<semaphore_mem>> -> memref<1x!tpu.dma_semaphore, #tpu.memory_space<semaphore_mem>>
    %dma_wait3A_581 = tpu.memref_squeeze %dma_wait3A_580 : memref<1x!tpu.dma_semaphore, #tpu.memory_space<semaphore_mem>> -> memref<!tpu.dma_semaphore, #tpu.memory_space<semaphore_mem>>
    %dma_wait3A_582 = arith.constant 0 : i32
    %dma_wait3A_583 = tpu.memref_slice %arg4[%mul3A_571, %dma_wait3A_582] : memref<204800x64xf32, #tpu.memory_space<hbm>> -> memref<128x64xf32, #tpu.memory_space<hbm>>
    %dma_wait3A_584 = arith.constant 0 : i32
    %dma_wait3A_585 = arith.constant 0 : i32
    %dma_wait3A_586 = tpu.memref_slice %arg6[%dma_wait3A_572, %dma_wait3A_584, %dma_wait3A_585] : memref<10x128x64xf32, #tpu.memory_space<vmem>> -> memref<1x128x64xf32, #tpu.memory_space<vmem>>
    %dma_wait3A_587 = tpu.memref_squeeze %dma_wait3A_586 : memref<1x128x64xf32, #tpu.memory_space<vmem>> -> memref<128x64xf32, #tpu.memory_space<vmem>>
    tpu.wait_dma2 semaphore(%dma_wait3A_581 : memref<!tpu.dma_semaphore, #tpu.memory_space<semaphore_mem>>) src(%dma_wait3A_587 : memref<128x64xf32, #tpu.memory_space<vmem>>) dst(%dma_wait3A_583 : memref<128x64xf32, #tpu.memory_space<hbm>>)
    %add3A_588 = arith.constant 46 : i32
    %add3A_589 = arith.addi %mul3A_2, %add3A_588 : i32
    %mul3A_590 = arith.constant 128 : i32
    %mul3A_591 = arith.muli %add3A_589, %mul3A_590 : i32
    %dma_wait3A_592 = arith.constant 6 : i32
    %dma_wait3A_593 = arith.constant 6 : i32
    %dma_wait3A_594 = arith.constant 0 : i32
    %dma_wait3A_595 = arith.constant 0 : i32
    %dma_wait3A_596 = tpu.memref_slice %arg6[%dma_wait3A_592, %dma_wait3A_594, %dma_wait3A_595] : memref<10x128x64xf32, #tpu.memory_space<vmem>> -> memref<1x128x64xf32, #tpu.memory_space<vmem>>
    %dma_wait3A_597 = tpu.memref_squeeze %dma_wait3A_596 : memref<1x128x64xf32, #tpu.memory_space<vmem>> -> memref<128x64xf32, #tpu.memory_space<vmem>>
    %dma_wait3A_598 = arith.constant 0 : i32
    %dma_wait3A_599 = tpu.memref_slice %arg4[%mul3A_591, %dma_wait3A_598] : memref<204800x64xf32, #tpu.memory_space<hbm>> -> memref<128x64xf32, #tpu.memory_space<hbm>>
    %dma_wait3A_600 = tpu.memref_slice %arg8[%dma_wait3A_593] : memref<10x!tpu.dma_semaphore, #tpu.memory_space<semaphore_mem>> -> memref<1x!tpu.dma_semaphore, #tpu.memory_space<semaphore_mem>>
    %dma_wait3A_601 = tpu.memref_squeeze %dma_wait3A_600 : memref<1x!tpu.dma_semaphore, #tpu.memory_space<semaphore_mem>> -> memref<!tpu.dma_semaphore, #tpu.memory_space<semaphore_mem>>
    %dma_wait3A_602 = arith.constant 0 : i32
    %dma_wait3A_603 = tpu.memref_slice %arg4[%mul3A_591, %dma_wait3A_602] : memref<204800x64xf32, #tpu.memory_space<hbm>> -> memref<128x64xf32, #tpu.memory_space<hbm>>
    %dma_wait3A_604 = arith.constant 0 : i32
    %dma_wait3A_605 = arith.constant 0 : i32
    %dma_wait3A_606 = tpu.memref_slice %arg6[%dma_wait3A_592, %dma_wait3A_604, %dma_wait3A_605] : memref<10x128x64xf32, #tpu.memory_space<vmem>> -> memref<1x128x64xf32, #tpu.memory_space<vmem>>
    %dma_wait3A_607 = tpu.memref_squeeze %dma_wait3A_606 : memref<1x128x64xf32, #tpu.memory_space<vmem>> -> memref<128x64xf32, #tpu.memory_space<vmem>>
    tpu.wait_dma2 semaphore(%dma_wait3A_601 : memref<!tpu.dma_semaphore, #tpu.memory_space<semaphore_mem>>) src(%dma_wait3A_607 : memref<128x64xf32, #tpu.memory_space<vmem>>) dst(%dma_wait3A_603 : memref<128x64xf32, #tpu.memory_space<hbm>>)
    %add3A_608 = arith.constant 47 : i32
    %add3A_609 = arith.addi %mul3A_2, %add3A_608 : i32
    %mul3A_610 = arith.constant 128 : i32
    %mul3A_611 = arith.muli %add3A_609, %mul3A_610 : i32
    %dma_wait3A_612 = arith.constant 7 : i32
    %dma_wait3A_613 = arith.constant 7 : i32
    %dma_wait3A_614 = arith.constant 0 : i32
    %dma_wait3A_615 = arith.constant 0 : i32
    %dma_wait3A_616 = tpu.memref_slice %arg6[%dma_wait3A_612, %dma_wait3A_614, %dma_wait3A_615] : memref<10x128x64xf32, #tpu.memory_space<vmem>> -> memref<1x128x64xf32, #tpu.memory_space<vmem>>
    %dma_wait3A_617 = tpu.memref_squeeze %dma_wait3A_616 : memref<1x128x64xf32, #tpu.memory_space<vmem>> -> memref<128x64xf32, #tpu.memory_space<vmem>>
    %dma_wait3A_618 = arith.constant 0 : i32
    %dma_wait3A_619 = tpu.memref_slice %arg4[%mul3A_611, %dma_wait3A_618] : memref<204800x64xf32, #tpu.memory_space<hbm>> -> memref<128x64xf32, #tpu.memory_space<hbm>>
    %dma_wait3A_620 = tpu.memref_slice %arg8[%dma_wait3A_613] : memref<10x!tpu.dma_semaphore, #tpu.memory_space<semaphore_mem>> -> memref<1x!tpu.dma_semaphore, #tpu.memory_space<semaphore_mem>>
    %dma_wait3A_621 = tpu.memref_squeeze %dma_wait3A_620 : memref<1x!tpu.dma_semaphore, #tpu.memory_space<semaphore_mem>> -> memref<!tpu.dma_semaphore, #tpu.memory_space<semaphore_mem>>
    %dma_wait3A_622 = arith.constant 0 : i32
    %dma_wait3A_623 = tpu.memref_slice %arg4[%mul3A_611, %dma_wait3A_622] : memref<204800x64xf32, #tpu.memory_space<hbm>> -> memref<128x64xf32, #tpu.memory_space<hbm>>
    %dma_wait3A_624 = arith.constant 0 : i32
    %dma_wait3A_625 = arith.constant 0 : i32
    %dma_wait3A_626 = tpu.memref_slice %arg6[%dma_wait3A_612, %dma_wait3A_624, %dma_wait3A_625] : memref<10x128x64xf32, #tpu.memory_space<vmem>> -> memref<1x128x64xf32, #tpu.memory_space<vmem>>
    %dma_wait3A_627 = tpu.memref_squeeze %dma_wait3A_626 : memref<1x128x64xf32, #tpu.memory_space<vmem>> -> memref<128x64xf32, #tpu.memory_space<vmem>>
    tpu.wait_dma2 semaphore(%dma_wait3A_621 : memref<!tpu.dma_semaphore, #tpu.memory_space<semaphore_mem>>) src(%dma_wait3A_627 : memref<128x64xf32, #tpu.memory_space<vmem>>) dst(%dma_wait3A_623 : memref<128x64xf32, #tpu.memory_space<hbm>>)
    %add3A_628 = arith.constant 48 : i32
    %add3A_629 = arith.addi %mul3A_2, %add3A_628 : i32
    %mul3A_630 = arith.constant 128 : i32
    %mul3A_631 = arith.muli %add3A_629, %mul3A_630 : i32
    %dma_wait3A_632 = arith.constant 8 : i32
    %dma_wait3A_633 = arith.constant 8 : i32
    %dma_wait3A_634 = arith.constant 0 : i32
    %dma_wait3A_635 = arith.constant 0 : i32
    %dma_wait3A_636 = tpu.memref_slice %arg6[%dma_wait3A_632, %dma_wait3A_634, %dma_wait3A_635] : memref<10x128x64xf32, #tpu.memory_space<vmem>> -> memref<1x128x64xf32, #tpu.memory_space<vmem>>
    %dma_wait3A_637 = tpu.memref_squeeze %dma_wait3A_636 : memref<1x128x64xf32, #tpu.memory_space<vmem>> -> memref<128x64xf32, #tpu.memory_space<vmem>>
    %dma_wait3A_638 = arith.constant 0 : i32
    %dma_wait3A_639 = tpu.memref_slice %arg4[%mul3A_631, %dma_wait3A_638] : memref<204800x64xf32, #tpu.memory_space<hbm>> -> memref<128x64xf32, #tpu.memory_space<hbm>>
    %dma_wait3A_640 = tpu.memref_slice %arg8[%dma_wait3A_633] : memref<10x!tpu.dma_semaphore, #tpu.memory_space<semaphore_mem>> -> memref<1x!tpu.dma_semaphore, #tpu.memory_space<semaphore_mem>>
    %dma_wait3A_641 = tpu.memref_squeeze %dma_wait3A_640 : memref<1x!tpu.dma_semaphore, #tpu.memory_space<semaphore_mem>> -> memref<!tpu.dma_semaphore, #tpu.memory_space<semaphore_mem>>
    %dma_wait3A_642 = arith.constant 0 : i32
    %dma_wait3A_643 = tpu.memref_slice %arg4[%mul3A_631, %dma_wait3A_642] : memref<204800x64xf32, #tpu.memory_space<hbm>> -> memref<128x64xf32, #tpu.memory_space<hbm>>
    %dma_wait3A_644 = arith.constant 0 : i32
    %dma_wait3A_645 = arith.constant 0 : i32
    %dma_wait3A_646 = tpu.memref_slice %arg6[%dma_wait3A_632, %dma_wait3A_644, %dma_wait3A_645] : memref<10x128x64xf32, #tpu.memory_space<vmem>> -> memref<1x128x64xf32, #tpu.memory_space<vmem>>
    %dma_wait3A_647 = tpu.memref_squeeze %dma_wait3A_646 : memref<1x128x64xf32, #tpu.memory_space<vmem>> -> memref<128x64xf32, #tpu.memory_space<vmem>>
    tpu.wait_dma2 semaphore(%dma_wait3A_641 : memref<!tpu.dma_semaphore, #tpu.memory_space<semaphore_mem>>) src(%dma_wait3A_647 : memref<128x64xf32, #tpu.memory_space<vmem>>) dst(%dma_wait3A_643 : memref<128x64xf32, #tpu.memory_space<hbm>>)
    %add3A_648 = arith.constant 49 : i32
    %add3A_649 = arith.addi %mul3A_2, %add3A_648 : i32
    %mul3A_650 = arith.constant 128 : i32
    %mul3A_651 = arith.muli %add3A_649, %mul3A_650 : i32
    %dma_wait3A_652 = arith.constant 9 : i32
    %dma_wait3A_653 = arith.constant 9 : i32
    %dma_wait3A_654 = arith.constant 0 : i32
    %dma_wait3A_655 = arith.constant 0 : i32
    %dma_wait3A_656 = tpu.memref_slice %arg6[%dma_wait3A_652, %dma_wait3A_654, %dma_wait3A_655] : memref<10x128x64xf32, #tpu.memory_space<vmem>> -> memref<1x128x64xf32, #tpu.memory_space<vmem>>
    %dma_wait3A_657 = tpu.memref_squeeze %dma_wait3A_656 : memref<1x128x64xf32, #tpu.memory_space<vmem>> -> memref<128x64xf32, #tpu.memory_space<vmem>>
    %dma_wait3A_658 = arith.constant 0 : i32
    %dma_wait3A_659 = tpu.memref_slice %arg4[%mul3A_651, %dma_wait3A_658] : memref<204800x64xf32, #tpu.memory_space<hbm>> -> memref<128x64xf32, #tpu.memory_space<hbm>>
    %dma_wait3A_660 = tpu.memref_slice %arg8[%dma_wait3A_653] : memref<10x!tpu.dma_semaphore, #tpu.memory_space<semaphore_mem>> -> memref<1x!tpu.dma_semaphore, #tpu.memory_space<semaphore_mem>>
    %dma_wait3A_661 = tpu.memref_squeeze %dma_wait3A_660 : memref<1x!tpu.dma_semaphore, #tpu.memory_space<semaphore_mem>> -> memref<!tpu.dma_semaphore, #tpu.memory_space<semaphore_mem>>
    %dma_wait3A_662 = arith.constant 0 : i32
    %dma_wait3A_663 = tpu.memref_slice %arg4[%mul3A_651, %dma_wait3A_662] : memref<204800x64xf32, #tpu.memory_space<hbm>> -> memref<128x64xf32, #tpu.memory_space<hbm>>
    %dma_wait3A_664 = arith.constant 0 : i32
    %dma_wait3A_665 = arith.constant 0 : i32
    %dma_wait3A_666 = tpu.memref_slice %arg6[%dma_wait3A_652, %dma_wait3A_664, %dma_wait3A_665] : memref<10x128x64xf32, #tpu.memory_space<vmem>> -> memref<1x128x64xf32, #tpu.memory_space<vmem>>
    %dma_wait3A_667 = tpu.memref_squeeze %dma_wait3A_666 : memref<1x128x64xf32, #tpu.memory_space<vmem>> -> memref<128x64xf32, #tpu.memory_space<vmem>>
    tpu.wait_dma2 semaphore(%dma_wait3A_661 : memref<!tpu.dma_semaphore, #tpu.memory_space<semaphore_mem>>) src(%dma_wait3A_667 : memref<128x64xf32, #tpu.memory_space<vmem>>) dst(%dma_wait3A_663 : memref<128x64xf32, #tpu.memory_space<hbm>>)
    return
  }
}

</mosaic_0001>

<sc_bundles>
// kernel: kernel.3.cloned.1.call-start
scs
__scs_entry_jumppad:
0x0: {  	(pc) =	sbr.rel $0x88, $3  }
0x1: {  	(tag) =	ssettag $0x0;
	lr =	simm.s32 $0x1  }
0x2: {  	[smem:$0x3F9F] =	sst lr;
	_ =	strace $0xD0000000  }
0x3: {  	_ = 	snop  }
0x4: {  	_ = 	snop  }
0x5: {  	_ = 	snop  }
0x6: {  	_ = 	snop  }
0x7: {  	_ = 	snop  }
__scs_overlays_trampoline_lowered:
0x8: {  	[smem:$0x3FAE] =	sst s0  }
0x9: {  	[smem:$0x3FAF] =	sst s1  }
0xa: {  	[smem:$0x3FB0] =	sst s2  }
0xb: {  	[smem:$0x3FB1] =	sst s3  }
0xc: {  	[smem:$0x3FB2] =	sst s4  }
0xd: {  	[smem:$0x3FB3] =	sst s5  }
0xe: {  	[smem:$0x3FB4] =	sst s6  }
0xf: {  	[smem:$0x3FB5] =	sst s7  }
0x10: {  	[smem:$0x3FB6] =	sst s8  }
0x11: {  	[smem:$0x3FB7] =	sst s9;
	s0 =	simm.s32 @!p0 $0x0  }
0x12: {  	s1 =	sld [smem:$0x3F9D];
	s0 =	simm.s32 @p0 $0x1  }
0x13: {  	[smem:$0x3FB8] =	sst s0;
	s0 =	simm.s32 @!p1 $0x0  }
0x14: {  	s2 =	sld [smem:$0x3F9C];
	s0 =	simm.s32 @p1 $0x1  }
0x15: {  	[smem:$0x3FB9] =	sst s0;
	s0 =	simm.s32 @!p2 $0x0  }
0x16: {  	s3 =	sld [smem:$0x3FDB];
	s0 =	simm.s32 @p2 $0x1  }
0x17: {  	s4 =	simm.s32 $0x1BF5;
	[smem:$0x3FBB] =	sst s0  }
0x18: {  	s0 =	sld [smem:$0x3F9E];
	_ =	swait.ge [sflag:s4], $0x0  }
0x19: {  	s7 =	sld [smem:$0x3F9F]  }
0x1a: {  	s8 =	sadd.s32 $0xFFFFE003, lr  }
0x1b: {  	s9 =	sadd.s32 $0xFFFFFEF7, lr;
	s5 =	simm.s32 $0xFFFFFFFF;
	p2 =	slt.u32 s8, $0xFFFFF086  }
0x1c: {  	p1 =	slt.u32 s9, $0xF7A;
	s5 =	simm.s32 @!p2 $0x0  }
0x1d: {  	s5 =	simm.s32 @p1 $0x1;
	p0 =	seq.s32 s7, s2  }
0x1e: {  	s7 =	smul.u32 @!p0 $0xF7A, s2;
	p2 =	seq.s32 @!p0 s5, $0x0  }
0x1f: {  	s9 =	smul.u32 $0xF7A, s1;
	s8 =	simm.s32 @!p0 $0x1BF5;
	p2 =	por !p2, p0  }
0x20: {  	[sflag:s8] =	ssyncset.s32 @!p0 $0xFFFFF086;
	s6 =	sadd.s32 @!p0 s3, s7;
	s7 =	simm.s32 @!p0 $0x108  }
0x21: {  	s3 =	sadd.s32 s3, s9;
	s6 =	sadd.s32 @!p0 $0x88, s6;
	s7 =	simm.s32 @p2 $0x1082  }
0x22: {  	[simem:s7], [sflag:s8] =	dma.local @!p0 [hbm:s6], $0xF7A  }
0x23: {  	s9 =	sor.u32 $0xD0000000, s2;
	s6 =	simm.s32 $0x108;
	_ =	swait.ge @!p0 [sflag:s8], $0x0  }
0x24: {  	s3 =	sadd.s32 $0x88, s3;
	s6 =	simm.s32 @!p1 $0x1082;
	[sflag:s4] =	ssyncset.s32 $0xFFFFF086  }
0x25: {  	[simem:s6], [sflag:s4] =	dma.local [hbm:s3], $0xF7A  }
0x26: {  	[smem:$0x3F9F] =	sst s1;
	(tag) =	ssettag s2;
	_ =	strace s9  }
0x27: {  	s1 =	sld [smem:$0x3FAF]  }
0x28: {  	s2 =	sld [smem:$0x3FB0]  }
0x29: {  	s4 =	sld [smem:$0x3FB2]  }
0x2a: {  	p0 =	seq.s32 s5, $0x0;
	s5 =	sld [smem:$0x3FB3]  }
0x2b: {  	s6 =	sld [smem:$0x3FB4]  }
0x2c: {  	s7 =	sld [smem:$0x3FB5]  }
0x2d: {  	s3 =	simm.s32 $0x108;
	s8 =	sld [smem:$0x3FB6]  }
0x2e: {  	s3 =	simm.s32 @!p0 $0x1082;
	s9 =	sld [smem:$0x3FB7]  }
0x2f: {  	lr =	sadd.s32 s0, s3;
	s0 =	sld [smem:$0x3FAE]  }
0x30: {  	s3 =	sld [smem:$0x3FB1]  }
0x31: {  	[smem:$0x3FBA] =	sst s10  }
0x32: {  	s10 =	sld [smem:$0x3FB8];
	_ =	sdelay $0x3  }
0x33: {  	p0 =	seq.s32 s10, $0x1;
	s10 =	sld [smem:$0x3FBA];
	_ =	sdelay $0x3  }
0x34: {  	[smem:$0x3FBA] =	sst s10  }
0x35: {  	s10 =	sld [smem:$0x3FB9];
	_ =	sdelay $0x3  }
0x36: {  	p1 =	seq.s32 s10, $0x1;
	s10 =	sld [smem:$0x3FBA];
	_ =	sdelay $0x3  }
0x37: {  	[smem:$0x3FBA] =	sst s10  }
0x38: {  	s10 =	sld [smem:$0x3FBB]  }
0x39: {  	_ = 	snop;
	(pc) =	sbr.ind lr, $3  }
0x3a: {  	_ = 	snop  }
0x3b: {  	_ = 	snop  }
0x3c: {  	p2 =	seq.s32 s10, $0x1;
	s10 =	sld [smem:$0x3FBA]  }
0x3d: {  	_ =	shalt  }
0x3e: {  	_ =	shalt  }
0x3f: {  	_ =	shalt  }
0x40: {  	_ =	shalt  }
0x41: {  	_ =	shalt  }
0x42: {  	_ =	shalt  }
0x43: {  	_ =	shalt  }
0x44: {  	_ =	shalt  }
0x45: {  	_ =	shalt  }
0x46: {  	_ =	shalt  }
0x47: {  	_ =	shalt  }
0x48: {  	_ =	shalt  }
0x49: {  	_ =	shalt  }
0x4a: {  	_ =	shalt  }
0x4b: {  	_ =	shalt  }
0x4c: {  	_ =	shalt  }
0x4d: {  	_ =	shalt  }
0x4e: {  	_ =	shalt  }
0x4f: {  	_ =	shalt  }
0x50: {  	_ =	shalt  }
0x51: {  	_ =	shalt  }
0x52: {  	_ =	shalt  }
0x53: {  	_ =	shalt  }
0x54: {  	_ =	shalt  }
0x55: {  	_ =	shalt  }
0x56: {  	_ =	shalt  }
0x57: {  	_ =	shalt  }
0x58: {  	_ =	shalt  }
0x59: {  	_ =	shalt  }
0x5a: {  	_ =	shalt  }
0x5b: {  	_ =	shalt  }
0x5c: {  	_ =	shalt  }
0x5d: {  	_ =	shalt  }
0x5e: {  	_ =	shalt  }
0x5f: {  	_ =	shalt  }
0x60: {  	_ =	shalt  }
0x61: {  	_ =	shalt  }
0x62: {  	_ =	shalt  }
0x63: {  	_ =	shalt  }
0x64: {  	_ =	shalt  }
0x65: {  	_ =	shalt  }
0x66: {  	_ =	shalt  }
0x67: {  	_ =	shalt  }
0x68: {  	_ =	shalt  }
0x69: {  	_ =	shalt  }
0x6a: {  	_ =	shalt  }
0x6b: {  	_ =	shalt  }
0x6c: {  	_ =	shalt  }
0x6d: {  	_ =	shalt  }
0x6e: {  	_ =	shalt  }
0x6f: {  	_ =	shalt  }
0x70: {  	_ =	shalt  }
0x71: {  	_ =	shalt  }
0x72: {  	_ =	shalt  }
0x73: {  	_ =	shalt  }
0x74: {  	_ =	shalt  }
0x75: {  	_ =	shalt  }
0x76: {  	_ =	shalt  }
0x77: {  	_ =	shalt  }
0x78: {  	_ =	shalt  }
0x79: {  	_ =	shalt  }
0x7a: {  	_ =	shalt  }
0x7b: {  	_ =	shalt  }
0x7c: {  	_ =	shalt  }
0x7d: {  	_ =	shalt  }
0x7e: {  	_ =	shalt  }
0x7f: {  	_ =	shalt  }
0x80: {  	_ =	shalt  }
0x81: {  	_ =	shalt  }
0x82: {  	_ =	shalt  }
0x83: {  	_ =	shalt  }
0x84: {  	_ =	shalt  }
0x85: {  	_ =	shalt  }
0x86: {  	_ =	shalt  }
0x87: {  	_ =	shalt  }
.Lfunc_end0:
.L_simem_size_0:
called_computation.1_lowered:
.L_overlay_start_0:
0x88: {  	s2 =	sld [smem:$0x3FD9]  }
0x89: {  	s3 =	sld [smem:$0x3FFE];
	_ =	sdelay $0x1  }
0x8a: {  	s1 =	srdreg.scid  }
0x8b: {  	s0 =	sand.u32 $0x1, s1  }
0x8c: {  	s17 =	sshll.u32 s0, $0xA;
	s2 =	sadd.s32 s3, s2  }
0x8d: {  	s2 =	sadd.s32 s2, s17  }
0x8e: {  	[smem:$0x3FC6] =	sst s2  }
0x8f: {  	_ = 	snop  }
0x90: {  	s2 =	sld [smem:$0x3FD0];
	(tm) =	ssettm $0x1  }
0x91: {  	s18 =	sld [smem:$0x3FFB];
	_ =	sdelay $0x3  }
0x92: {  	_ =	strace s18  }
0x93: {  	s3 =	sld [smem:$0x3FFC];
	_ =	sdelay $0x3  }
0x94: {  	_ =	strace s3  }
0x95: {  	s3 =	sld [smem:$0x3FFD];
	_ =	sdelay $0x3  }
0x96: {  	_ =	strace s3  }
0x97: {  	_ =	strace $0x8FFFFFFF  }
0x98: {  	s19 =	sld [smem:$0x3FDB];
	_ =	sdelay $0x1  }
0x99: {  	s4 =	simm.s32 $_scs_section_size  }
0x9a: {  	s5 =	simm.s32 $_size__tile_overlayer_lowered;
	s6 =	simm.s32 $_tile_overlayer_lowered  }
0x9b: {  	s22 =	simm.s32 $0x1BFF;
	s21 =	sshll.u32 s6, $0x1;
	s3 =	sadd.s32 s4, s19  }
0x9c: {  	s7 =	simm.s32 $0x0;
	s20 =	sshll.u32 s5, $0x1;
	s5 =	sadd.s32 s21, s3  }
0x9d: {  	[timem:s7], [sflag:s22] =	dma.local [hbm:s5], s20  }
0x9e: {  	_ =	swait.ge [sflag:s22], s20  }
0x9f: {  	s4 =	ssub.s32 $0x0, s20;
	[sflag:s22] =	ssyncset.done $0x0  }
0xa0: {  	[sflag:s22] =	ssyncadd.s32 s4;
	_ =	sdelay $0x1  }
0xa1: {  	s23 =	simm.s32 $0x1B8B  }
0xa2: {  	_ =	swait.ge [sflag:s23], $0x1  }
0xa3: {  	[sflag:s23] =	ssyncset.done $0x0  }
0xa4: {  	s25 =	simm.s32 $0x1B8E;
	s24 =	sld [smem:$0x3FFE];
	[sflag:s23] =	ssyncadd.s32 $0xFFFFFFFF  }
0xa5: {  	s26 =	simm.s32 $execute0_lowered;
	[smem:$0x3FD2] =	sst s25  }
0xa6: {  	s5 =	sshll.u32 s26, $0x1;
	_ =	strace $0x80000046;
	[dreg:$0x1] =	wrdreg $0xFFFFFFFF  }
0xa7: {  	s28 =	simm.s32 $_size_execute0_lowered;
	s3 =	sadd.s32 s3, s5;
	[dreg:$0x0] =	wrdreg $0x0  }
0xa8: {  	s5 =	sshll.u32 s28, $0x1;
	[dreg:$0x2] =	wrdreg s3  }
0xa9: {  	[dreg:$0x3] =	wrdreg s5  }
0xaa: {  	[dreg:$0x4] =	wrdreg $0xC0  }
0xab: {  	_ =	task [dreg:s7], $0x5FFFF  }
0xac: {  	[dreg:$0x1] =	wrdreg $0xFFFFFFFF  }
0xad: {  	[dreg:$0x0] =	wrdreg $0x60  }
0xae: {  	[dreg:$0x2] =	wrdreg s24  }
0xaf: {  	[dreg:$0x3] =	wrdreg s2  }
0xb0: {  	[dreg:$0x4] =	wrdreg $0x9  }
0xb1: {  	_ =	task.clear_ibuf [dreg:s7], $0x5FFFF;
	_ =	strace $0x90000046  }
0xb2: {  	s29 =	simm.s32 $0x9;
	_ =	strace $0x80000048  }
0xb3: {  	_ =	swait.ge [sflag:s29], $0x1  }
0xb4: {  	[sflag:s29] =	ssyncadd.s32 $0xFFFFFFFF  }
0xb5: {  	_ =	strace $0x90000048  }
0xb6: {  	_ =	sfence  }
0xb7: {  	s30 =	sld [smem:$0x0];
	_ =	sdelay $0x2  }
0xb8: {  	s31 =	sshll.u32 s1, $0xD;
	s1 =	sshrl.u32 s1, $0x2  }
0xb9: {  	s3 =	sand.u32 $0x4000, s31;
	s1 =	sadd.s32 s1, s30  }
0xba: {  	s0 =	sor.u32 s3, s0;
	s1 =	sshll.u32 s1, $0x11  }
0xbb: {  	s0 =	sor.u32 s1, s0  }
0xbc: {  	s0 =	sadd.s32 $0x8F2B, s0  }
0xbd: {  	[sflag:s0] =	ssyncadd.remote.s32 $0x1  }
0xbe: {  	_ =	sfence.sel $0xFFFF  }
0xbf: {  	[dreg:$0x0] =	wrdreg $0xFFFFFFFF;
	(pc) =	sbr.abs _section_cstart, $3  }
0xc0: {  	[dreg:$0x1] =	wrdreg $0xFFFFFFFF  }
0xc1: {  	_ =	task.clear_ibuf [dreg:s7], $0x2FFFF;
	_ =	strace $0x9FFFFFFF  }
0xc2: {  	(tm) =	ssettm $0x7FFFFFFF  }
0xc3: {  	_ =	shalt  }
tec
execute0_lowered:
.L_overlay_start_1:
0x0: {  	(tag) =	ssettag $0x1  }
0x1: {  	s0 =	srdreg.scid;
	s10 =	stileid.u32  }
0x2: {  	s1 =	rddreg [dreg:$0x0];
	s6 =	smul.u32 $0x64, s10  }
0x3: {  	s3 =	simm.s32 $0x0;
	s0 =	sand.u32 $0x1, s0;
	s28 =	smul.u32 $0x19000, s10  }
0x4: {  	s2 =	sshll.u32 s10, $0x1;
	[smem:$0x7FF] =	sst s3;
	s9 =	smul.u32 $0x32, s0  }
0x5: {  	s2 =	sor.u32 s0, s2;
	s5 =	ssub.s32 $0x2, s0;
	s0 =	smul.u32 $0xC800, s0  }
0x6: {  	s11 =	rddreg [dreg:$0x1];
	_ =	strace $0x80000047;
	s4 =	smul.u32 $0x320, s2  }
0x7: {  	s8 =	sshrl.u32 s5, $0x1;
	s9 =	sadd.s32 s9, s6;
	s0 =	sadd.s32 s0, s28  }
0x8: {  	s7 =	sadd.s32 s4, s1;
	s4 =	sadd.s32 $0xF42E00, s1;
	s1 =	ssub.s32 s5, s8  }
0x9: {  	s5 =	sshll.u32 s9, $0xA;
	[dreg:$0xc] =	wrdreg s0;
	s8 =	sadd.s32 $0xA00, s7  }
0xa: {  	s15 =	sadd.s32 $0x2400, s5;
	[dreg:$0xd] =	wrdreg s8  }
0xb: {  	s17 =	sadd.s32 $0x2000, s5;
	[dreg:$0x3] =	wrdreg s15  }
0xc: {  	s19 =	sadd.s32 $0x1C00, s5;
	[dreg:$0x4] =	wrdreg s17  }
0xd: {  	s21 =	sadd.s32 $0x1800, s5;
	[dreg:$0x5] =	wrdreg s19  }
0xe: {  	s23 =	sadd.s32 $0x1400, s5;
	[dreg:$0x6] =	wrdreg s21  }
0xf: {  	s25 =	sadd.s32 $0x1000, s5;
	[dreg:$0x7] =	wrdreg s23  }
0x10: {  	s2 =	smul.u32 $0x64000, s2;
	s26 =	sadd.s32 $0xC00, s5;
	[dreg:$0x8] =	wrdreg s25  }
0x11: {  	s29 =	sadd.s32 $0x800, s5;
	[dreg:$0x9] =	wrdreg s26  }
0x12: {  	s2 =	sshrl.u32 s2, $0x3;
	s1 =	smax.u32 s1, $0x1;
	[dreg:$0xa] =	wrdreg s29  }
0x13: {  	s2 =	sadd.s32 s11, s2;
	s30 =	sor.u32 $0x400, s5;
	[dreg:$0x18] =	wrdreg s1  }
0x14: {  	s11 =	sadd.s32 $0xA000, s2;
	[dreg:$0xb] =	wrdreg s30  }
0x15: {  	s12 =	sadd.s32 $0xA400, s2;
	[dreg:$0xe] =	wrdreg s11  }
0x16: {  	s31 =	simm.s32 $0x1900;
	s13 =	sadd.s32 $0xA800, s2;
	[dreg:$0xf] =	wrdreg s12  }
0x17: {  	s10 =	simm.s32 $0xF;
	s14 =	sadd.s32 $0xAC00, s2;
	[dreg:$0x10] =	wrdreg s13  }
0x18: {  	s9 =	simm.s32 $0x5;
	s16 =	sadd.s32 $0xB000, s2;
	[dreg:$0x11] =	wrdreg s14  }
0x19: {  	s0 =	simm.s32 $0x0;
	s18 =	sadd.s32 $0xB400, s2;
	[dreg:$0x12] =	wrdreg s16  }
0x1a: {  	s20 =	sadd.s32 $0xB800, s2;
	s22 =	sadd.s32 $0xBC00, s2;
	[dreg:$0x13] =	wrdreg s18  }
0x1b: {  	s24 =	sadd.s32 $0xC000, s2;
	s2 =	sadd.s32 $0xC400, s2;
	[dreg:$0x14] =	wrdreg s20  }
0x1c: {  	s8 =	simm.s32 $0xE;
	s15 =	simm.s32 $0x8;
	[dreg:$0x15] =	wrdreg s22  }
0x1d: {  	s17 =	simm.s32 $0x9;
	s19 =	simm.s32 $0xA;
	[dreg:$0x16] =	wrdreg s24  }
0x1e: {  	[dreg:$0x17] =	wrdreg s2;
	s18 =	simm.s32 $0x80;
	s11 =	simm.s32 $0x6  }
0x1f: {  	s12 =	simm.s32 $0x10;
	s13 =	simm.s32 $0x7;
	s14 =	simm.s32 $0x11  }
0x20: {  	s16 =	simm.s32 $0x12;
	s2 =	simm.s32 $0x13;
	s20 =	simm.s32 $0x14  }
.LBB2_1:
0x21: {  	[dreg:$0x19] =	wrdreg s0  }
0x22: {  	s22 =	rddreg [dreg:$0xd];
	s28 =	simm.s32 $0x15  }
0x23: {  	[tilespmem:s3], [sflag:$0x15] =	stream.linear.gather [hbm4b:s22+s3], $0x1900, $0x38;
	[tilespmem:$0x15900] =	vst v63  }
0x24: {  	_ =	swait.ge [sflag:s28], $0x1900  }
0x25: {  	[sflag:s28] =	ssyncset.done $0x0  }
0x26: {  	s26 =	simm.s32 $0x1900;
	[sflag:s28] =	ssyncadd.s32 $0xFFFFE700  }
0x27: {  	[tilespmem:s26], [sflag:$0x1] =	stream.indirect.gather [hbm4b:s4+s18], $0x40, s3, s18, $0xb8;
	[tilespmem:$0x15900] =	vst v63  }
0x28: {  	s0 =	simm.s32 $0x3900  }
0x29: {  	[tilespmem:s0], [sflag:$0x2] =	stream.indirect.gather [hbm4b:s4+s18], $0x40, s18, s18, $0xb8;
	[tilespmem:$0x15900] =	vst v63  }
0x2a: {  	s29 =	simm.s32 $0x100;
	s23 =	simm.s32 $0x5900  }
0x2b: {  	[tilespmem:s23], [sflag:$0x3] =	stream.indirect.gather [hbm4b:s4+s18], $0x40, s29, s18, $0xb8;
	[tilespmem:$0x15900] =	vst v63  }
0x2c: {  	s30 =	simm.s32 $0x180;
	s28 =	simm.s32 $0x7900  }
0x2d: {  	[tilespmem:s28], [sflag:$0x4] =	stream.indirect.gather [hbm4b:s4+s18], $0x40, s30, s18, $0xb8;
	[tilespmem:$0x15900] =	vst v63  }
0x2e: {  	s1 =	simm.s32 $0x200;
	s29 =	simm.s32 $0x9900  }
0x2f: {  	[tilespmem:s29], [sflag:$0x5] =	stream.indirect.gather [hbm4b:s4+s18], $0x40, s1, s18, $0xb8;
	[tilespmem:$0x15900] =	vst v63  }
0x30: {  	s30 =	simm.s32 $0xB900;
	s1 =	simm.s32 $0x280  }
0x31: {  	[tilespmem:s30], [sflag:$0x6] =	stream.indirect.gather [hbm4b:s4+s18], $0x40, s1, s18, $0xb8;
	[tilespmem:$0x15900] =	vst v63  }
0x32: {  	s5 =	simm.s32 $0x300;
	s21 =	simm.s32 $0xD900  }
0x33: {  	[tilespmem:s21], [sflag:$0x7] =	stream.indirect.gather [hbm4b:s4+s18], $0x40, s5, s18, $0xb8;
	[tilespmem:$0x15900] =	vst v63  }
0x34: {  	s6 =	simm.s32 $0x380;
	s25 =	simm.s32 $0xF900  }
0x35: {  	[tilespmem:s25], [sflag:$0x8] =	stream.indirect.gather [hbm4b:s4+s18], $0x40, s6, s18, $0xb8;
	[tilespmem:$0x15900] =	vst v63  }
0x36: {  	s7 =	simm.s32 $0x400;
	s5 =	simm.s32 $0x11900  }
0x37: {  	[tilespmem:s5], [sflag:$0x9] =	stream.indirect.gather [hbm4b:s4+s18], $0x40, s7, s18, $0xb8;
	[tilespmem:$0x15900] =	vst v63  }
0x38: {  	s24 =	simm.s32 $0x1;
	s22 =	simm.s32 $0x480;
	s6 =	simm.s32 $0x13900  }
0x39: {  	[tilespmem:s6], [sflag:$0xA] =	stream.indirect.gather [hbm4b:s4+s18], $0x40, s22, s18, $0xb8;
	[tilespmem:$0x15900] =	vst v63  }
0x3a: {  	_ =	swait.ge [sflag:s24], $0x2000  }
0x3b: {  	[sflag:s24] =	ssyncset.done $0x0  }
0x3c: {  	s7 =	rddreg [dreg:$0xc];
	[sflag:s24] =	ssyncadd.s32 $0xFFFFE000  }
0x3d: {  	s24 =	rddreg [dreg:$0x1]  }
0x3e: {  	s22 =	sadd.s32 s24, s7  }
0x3f: {  	[hbm4b:s22+s3] =	stream.linear.scatter [tilespmem:s26], [sflag:$0xB], $0x2000, $0x38;
	[tilespmem:$0x15900] =	vst v63  }
0x40: {  	s22 =	simm.s32 $0xB  }
0x41: {  	_ =	swait.ge [sflag:s22], $0x2000  }
0x42: {  	[sflag:s22] =	ssyncset.done $0x0  }
0x43: {  	s7 =	simm.s32 $0x500;
	[sflag:s22] =	ssyncadd.s32 $0xFFFFE000  }
0x44: {  	[tilespmem:s26], [sflag:$0x1] =	stream.indirect.gather [hbm4b:s4+s18], $0x40, s7, s18, $0xb8;
	[tilespmem:$0x15900] =	vst v63  }
0x45: {  	s26 =	simm.s32 $0x2  }
0x46: {  	_ =	swait.ge [sflag:s26], $0x2000  }
0x47: {  	s7 =	rddreg [dreg:$0xb];
	[sflag:s26] =	ssyncset.done $0x0  }
0x48: {  	[sflag:s26] =	ssyncadd.s32 $0xFFFFE000;
	s22 =	sadd.s32 s24, s7  }
0x49: {  	[hbm4b:s22+s3] =	stream.linear.scatter [tilespmem:s0], [sflag:$0xC], $0x2000, $0x38;
	[tilespmem:$0x15900] =	vst v63  }
0x4a: {  	s22 =	simm.s32 $0xC  }
0x4b: {  	_ =	swait.ge [sflag:s22], $0x2000  }
0x4c: {  	[sflag:s22] =	ssyncset.done $0x0  }
0x4d: {  	s1 =	simm.s32 $0x3;
	s26 =	simm.s32 $0x580;
	[sflag:s22] =	ssyncadd.s32 $0xFFFFE000  }
0x4e: {  	[tilespmem:s0], [sflag:$0x2] =	stream.indirect.gather [hbm4b:s4+s18], $0x40, s26, s18, $0xb8;
	[tilespmem:$0x15900] =	vst v63  }
0x4f: {  	_ =	swait.ge [sflag:s1], $0x2000  }
0x50: {  	s7 =	rddreg [dreg:$0xa];
	[sflag:s1] =	ssyncset.done $0x0  }
0x51: {  	s26 =	simm.s32 $0xD;
	[sflag:s1] =	ssyncadd.s32 $0xFFFFE000;
	s22 =	sadd.s32 s24, s7  }
0x52: {  	[hbm4b:s22+s3] =	stream.linear.scatter [tilespmem:s23], [sflag:$0xD], $0x2000, $0x38;
	[tilespmem:$0x15900] =	vst v63  }
0x53: {  	_ =	swait.ge [sflag:s26], $0x2000  }
0x54: {  	[sflag:s26] =	ssyncset.done $0x0  }
0x55: {  	s0 =	simm.s32 $0x600;
	s1 =	simm.s32 $0x4;
	[sflag:s26] =	ssyncadd.s32 $0xFFFFE000  }
0x56: {  	[tilespmem:s23], [sflag:$0x3] =	stream.indirect.gather [hbm4b:s4+s18], $0x40, s0, s18, $0xb8;
	[tilespmem:$0x15900] =	vst v63  }
0x57: {  	_ =	swait.ge [sflag:s1], $0x2000  }
0x58: {  	s7 =	rddreg [dreg:$0x9];
	[sflag:s1] =	ssyncset.done $0x0  }
0x59: {  	[sflag:s1] =	ssyncadd.s32 $0xFFFFE000;
	s22 =	sadd.s32 s24, s7  }
0x5a: {  	[hbm4b:s22+s3] =	stream.linear.scatter [tilespmem:s28], [sflag:$0xE], $0x2000, $0x38;
	[tilespmem:$0x15900] =	vst v63  }
0x5b: {  	_ =	swait.ge [sflag:s8], $0x2000  }
0x5c: {  	[sflag:s8] =	ssyncset.done $0x0  }
0x5d: {  	s23 =	simm.s32 $0x680;
	[sflag:s8] =	ssyncadd.s32 $0xFFFFE000  }
0x5e: {  	[tilespmem:s28], [sflag:$0x4] =	stream.indirect.gather [hbm4b:s4+s18], $0x40, s23, s18, $0xb8;
	[tilespmem:$0x15900] =	vst v63  }
0x5f: {  	_ =	swait.ge [sflag:s9], $0x2000  }
0x60: {  	s26 =	rddreg [dreg:$0x8];
	[sflag:s9] =	ssyncset.done $0x0  }
0x61: {  	[sflag:s9] =	ssyncadd.s32 $0xFFFFE000;
	s22 =	sadd.s32 s24, s26  }
0x62: {  	[hbm4b:s22+s3] =	stream.linear.scatter [tilespmem:s29], [sflag:$0xF], $0x2000, $0x38;
	[tilespmem:$0x15900] =	vst v63  }
0x63: {  	_ =	swait.ge [sflag:s10], $0x2000  }
0x64: {  	[sflag:s10] =	ssyncset.done $0x0  }
0x65: {  	s28 =	simm.s32 $0x700;
	[sflag:s10] =	ssyncadd.s32 $0xFFFFE000  }
0x66: {  	[tilespmem:s29], [sflag:$0x5] =	stream.indirect.gather [hbm4b:s4+s18], $0x40, s28, s18, $0xb8;
	[tilespmem:$0x15900] =	vst v63  }
0x67: {  	_ =	swait.ge [sflag:s11], $0x2000  }
0x68: {  	s29 =	rddreg [dreg:$0x7];
	[sflag:s11] =	ssyncset.done $0x0  }
0x69: {  	[sflag:s11] =	ssyncadd.s32 $0xFFFFE000;
	s22 =	sadd.s32 s24, s29  }
0x6a: {  	[hbm4b:s22+s3] =	stream.linear.scatter [tilespmem:s30], [sflag:$0x10], $0x2000, $0x38;
	[tilespmem:$0x15900] =	vst v63  }
0x6b: {  	_ =	swait.ge [sflag:s12], $0x2000  }
0x6c: {  	[sflag:s12] =	ssyncset.done $0x0  }
0x6d: {  	s0 =	simm.s32 $0x780;
	[sflag:s12] =	ssyncadd.s32 $0xFFFFE000  }
0x6e: {  	[tilespmem:s30], [sflag:$0x6] =	stream.indirect.gather [hbm4b:s4+s18], $0x40, s0, s18, $0xb8;
	[tilespmem:$0x15900] =	vst v63  }
0x6f: {  	_ =	swait.ge [sflag:s13], $0x2000  }
0x70: {  	s1 =	rddreg [dreg:$0x6];
	[sflag:s13] =	ssyncset.done $0x0  }
0x71: {  	[sflag:s13] =	ssyncadd.s32 $0xFFFFE000;
	s22 =	sadd.s32 s24, s1  }
0x72: {  	[hbm4b:s22+s3] =	stream.linear.scatter [tilespmem:s21], [sflag:$0x11], $0x2000, $0x38;
	[tilespmem:$0x15900] =	vst v63  }
0x73: {  	_ =	swait.ge [sflag:s14], $0x2000  }
0x74: {  	[sflag:s14] =	ssyncset.done $0x0  }
0x75: {  	s7 =	simm.s32 $0x800;
	[sflag:s14] =	ssyncadd.s32 $0xFFFFE000  }
0x76: {  	[tilespmem:s21], [sflag:$0x7] =	stream.indirect.gather [hbm4b:s4+s18], $0x40, s7, s18, $0xb8;
	[tilespmem:$0x15900] =	vst v63  }
0x77: {  	_ =	swait.ge [sflag:s15], $0x2000  }
0x78: {  	s23 =	rddreg [dreg:$0x5];
	[sflag:s15] =	ssyncset.done $0x0  }
0x79: {  	[sflag:s15] =	ssyncadd.s32 $0xFFFFE000;
	s22 =	sadd.s32 s24, s23  }
0x7a: {  	[hbm4b:s22+s3] =	stream.linear.scatter [tilespmem:s25], [sflag:$0x12], $0x2000, $0x38;
	[tilespmem:$0x15900] =	vst v63  }
0x7b: {  	_ =	swait.ge [sflag:s16], $0x2000  }
0x7c: {  	[sflag:s16] =	ssyncset.done $0x0  }
0x7d: {  	s26 =	simm.s32 $0x880;
	[sflag:s16] =	ssyncadd.s32 $0xFFFFE000  }
0x7e: {  	[tilespmem:s25], [sflag:$0x8] =	stream.indirect.gather [hbm4b:s4+s18], $0x40, s26, s18, $0xb8;
	[tilespmem:$0x15900] =	vst v63  }
0x7f: {  	_ =	swait.ge [sflag:s17], $0x2000  }
0x80: {  	s28 =	rddreg [dreg:$0x4];
	[sflag:s17] =	ssyncset.done $0x0  }
0x81: {  	[sflag:s17] =	ssyncadd.s32 $0xFFFFE000;
	s22 =	sadd.s32 s24, s28  }
0x82: {  	[hbm4b:s22+s3] =	stream.linear.scatter [tilespmem:s5], [sflag:$0x13], $0x2000, $0x38;
	[tilespmem:$0x15900] =	vst v63  }
0x83: {  	_ =	swait.ge [sflag:s2], $0x2000  }
0x84: {  	[sflag:s2] =	ssyncset.done $0x0  }
0x85: {  	s29 =	simm.s32 $0x900;
	[sflag:s2] =	ssyncadd.s32 $0xFFFFE000  }
0x86: {  	[tilespmem:s5], [sflag:$0x9] =	stream.indirect.gather [hbm4b:s4+s18], $0x40, s29, s18, $0xb8;
	[tilespmem:$0x15900] =	vst v63  }
0x87: {  	_ =	swait.ge [sflag:s19], $0x2000  }
0x88: {  	s30 =	rddreg [dreg:$0x3];
	[sflag:s19] =	ssyncset.done $0x0  }
0x89: {  	[sflag:s19] =	ssyncadd.s32 $0xFFFFE000;
	s22 =	sadd.s32 s24, s30  }
0x8a: {  	[hbm4b:s22+s3] =	stream.linear.scatter [tilespmem:s6], [sflag:$0x14], $0x2000, $0x38;
	[tilespmem:$0x15900] =	vst v63  }
0x8b: {  	_ =	swait.ge [sflag:s20], $0x2000  }
0x8c: {  	s26 =	simm.s32 $0x980;
	[sflag:s20] =	ssyncset.done $0x0  }
0x8d: {  	s24 =	sadd.s32 $0x2800, s24;
	s22 =	simm.s32 $0x1400;
	[sflag:s20] =	ssyncadd.s32 $0xFFFFE000  }
.LBB2_2:
0x8e: {  	s7 =	simm.s32 $0x13900;
	s0 =	simm.s32 $0x1  }
0x8f: {  	[tilespmem:s7], [sflag:$0xA] =	stream.indirect.gather [hbm4b:s4+s18], $0x40, s26, s18, $0xb8;
	[tilespmem:$0x15900] =	vst v63  }
0x90: {  	_ =	swait.ge [sflag:s0], $0x2000  }
0x91: {  	s23 =	simm.s32 $0x1900;
	s29 =	rddreg [dreg:$0xc];
	[sflag:s0] =	ssyncset.done $0x0  }
0x92: {  	s1 =	simm.s32 $0xB;
	[sflag:s0] =	ssyncadd.s32 $0xFFFFE000;
	s29 =	sadd.s32 s24, s29  }
0x93: {  	[hbm4b:s29+s3] =	stream.linear.scatter [tilespmem:s23], [sflag:$0xB], $0x2000, $0x38;
	[tilespmem:$0x15900] =	vst v63  }
0x94: {  	s21 =	smov.u32 s22;
	_ =	swait.ge [sflag:s1], $0x2000  }
0x95: {  	s26 =	sshra.s32 s21, $0x2;
	[sflag:s1] =	ssyncset.done $0x0  }
0x96: {  	s25 =	sadd.s32 $0x500, s26;
	[sflag:s1] =	ssyncadd.s32 $0xFFFFE000;
	s1 =	simm.s32 $0x2  }
0x97: {  	[tilespmem:s23], [sflag:$0x1] =	stream.indirect.gather [hbm4b:s4+s18], $0x40, s25, s18, $0xb8;
	[tilespmem:$0x15900] =	vst v63  }
0x98: {  	_ =	swait.ge [sflag:s1], $0x2000  }
0x99: {  	s6 =	simm.s32 $0xC;
	s5 =	rddreg [dreg:$0xb];
	[sflag:s1] =	ssyncset.done $0x0  }
0x9a: {  	s23 =	simm.s32 $0x3900;
	[sflag:s1] =	ssyncadd.s32 $0xFFFFE000;
	s29 =	sadd.s32 s24, s5  }
0x9b: {  	[hbm4b:s29+s3] =	stream.linear.scatter [tilespmem:s23], [sflag:$0xC], $0x2000, $0x38;
	[tilespmem:$0x15900] =	vst v63  }
0x9c: {  	_ =	swait.ge [sflag:s6], $0x2000  }
0x9d: {  	[sflag:s6] =	ssyncset.done $0x0  }
0x9e: {  	s21 =	sadd.s32 $0x580, s26;
	[sflag:s6] =	ssyncadd.s32 $0xFFFFE000  }
0x9f: {  	[tilespmem:s23], [sflag:$0x2] =	stream.indirect.gather [hbm4b:s4+s18], $0x40, s21, s18, $0xb8;
	[tilespmem:$0x15900] =	vst v63  }
0xa0: {  	s23 =	simm.s32 $0x3  }
0xa1: {  	_ =	swait.ge [sflag:s23], $0x2000  }
0xa2: {  	s25 =	rddreg [dreg:$0xa];
	[sflag:s23] =	ssyncset.done $0x0  }
0xa3: {  	s28 =	simm.s32 $0x5900;
	[sflag:s23] =	ssyncadd.s32 $0xFFFFE000;
	s29 =	sadd.s32 s24, s25  }
0xa4: {  	[hbm4b:s29+s3] =	stream.linear.scatter [tilespmem:s28], [sflag:$0xD], $0x2000, $0x38;
	[tilespmem:$0x15900] =	vst v63  }
0xa5: {  	s29 =	simm.s32 $0xD  }
0xa6: {  	_ =	swait.ge [sflag:s29], $0x2000  }
0xa7: {  	[sflag:s29] =	ssyncset.done $0x0  }
0xa8: {  	s5 =	sadd.s32 $0x600, s26;
	s6 =	simm.s32 $0x4;
	[sflag:s29] =	ssyncadd.s32 $0xFFFFE000  }
0xa9: {  	[tilespmem:s28], [sflag:$0x3] =	stream.indirect.gather [hbm4b:s4+s18], $0x40, s5, s18, $0xb8;
	[tilespmem:$0x15900] =	vst v63  }
0xaa: {  	_ =	swait.ge [sflag:s6], $0x2000  }
0xab: {  	s21 =	rddreg [dreg:$0x9];
	[sflag:s6] =	ssyncset.done $0x0  }
0xac: {  	s30 =	simm.s32 $0x7900;
	[sflag:s6] =	ssyncadd.s32 $0xFFFFE000;
	s29 =	sadd.s32 s24, s21  }
0xad: {  	[hbm4b:s29+s3] =	stream.linear.scatter [tilespmem:s30], [sflag:$0xE], $0x2000, $0x38;
	[tilespmem:$0x15900] =	vst v63  }
0xae: {  	_ =	swait.ge [sflag:s8], $0x2000  }
0xaf: {  	[sflag:s8] =	ssyncset.done $0x0  }
0xb0: {  	s25 =	sadd.s32 $0x680, s26;
	[sflag:s8] =	ssyncadd.s32 $0xFFFFE000  }
0xb1: {  	[tilespmem:s30], [sflag:$0x4] =	stream.indirect.gather [hbm4b:s4+s18], $0x40, s25, s18, $0xb8;
	[tilespmem:$0x15900] =	vst v63  }
0xb2: {  	_ =	swait.ge [sflag:s9], $0x2000  }
0xb3: {  	s1 =	rddreg [dreg:$0x8];
	[sflag:s9] =	ssyncset.done $0x0  }
0xb4: {  	s5 =	simm.s32 $0x9900;
	[sflag:s9] =	ssyncadd.s32 $0xFFFFE000;
	s29 =	sadd.s32 s24, s1  }
0xb5: {  	[hbm4b:s29+s3] =	stream.linear.scatter [tilespmem:s5], [sflag:$0xF], $0x2000, $0x38;
	[tilespmem:$0x15900] =	vst v63  }
0xb6: {  	_ =	swait.ge [sflag:s10], $0x2000  }
0xb7: {  	[sflag:s10] =	ssyncset.done $0x0  }
0xb8: {  	s6 =	sadd.s32 $0x700, s26;
	[sflag:s10] =	ssyncadd.s32 $0xFFFFE000  }
0xb9: {  	[tilespmem:s5], [sflag:$0x5] =	stream.indirect.gather [hbm4b:s4+s18], $0x40, s6, s18, $0xb8;
	[tilespmem:$0x15900] =	vst v63  }
0xba: {  	_ =	swait.ge [sflag:s11], $0x2000  }
0xbb: {  	s21 =	rddreg [dreg:$0x7];
	[sflag:s11] =	ssyncset.done $0x0  }
0xbc: {  	[sflag:s11] =	ssyncadd.s32 $0xFFFFE000;
	s29 =	sadd.s32 s24, s21;
	s21 =	simm.s32 $0xB900  }
0xbd: {  	[hbm4b:s29+s3] =	stream.linear.scatter [tilespmem:s21], [sflag:$0x10], $0x2000, $0x38;
	[tilespmem:$0x15900] =	vst v63  }
0xbe: {  	_ =	swait.ge [sflag:s12], $0x2000  }
0xbf: {  	[sflag:s12] =	ssyncset.done $0x0  }
0xc0: {  	s25 =	sadd.s32 $0x780, s26;
	[sflag:s12] =	ssyncadd.s32 $0xFFFFE000  }
0xc1: {  	[tilespmem:s21], [sflag:$0x6] =	stream.indirect.gather [hbm4b:s4+s18], $0x40, s25, s18, $0xb8;
	[tilespmem:$0x15900] =	vst v63  }
0xc2: {  	_ =	swait.ge [sflag:s13], $0x2000  }
0xc3: {  	s5 =	rddreg [dreg:$0x6];
	[sflag:s13] =	ssyncset.done $0x0  }
0xc4: {  	s25 =	simm.s32 $0xD900;
	[sflag:s13] =	ssyncadd.s32 $0xFFFFE000;
	s29 =	sadd.s32 s24, s5  }
0xc5: {  	[hbm4b:s29+s3] =	stream.linear.scatter [tilespmem:s25], [sflag:$0x11], $0x2000, $0x38;
	[tilespmem:$0x15900] =	vst v63  }
0xc6: {  	_ =	swait.ge [sflag:s14], $0x2000  }
0xc7: {  	[sflag:s14] =	ssyncset.done $0x0  }
0xc8: {  	s6 =	sadd.s32 $0x800, s26;
	[sflag:s14] =	ssyncadd.s32 $0xFFFFE000  }
0xc9: {  	[tilespmem:s25], [sflag:$0x7] =	stream.indirect.gather [hbm4b:s4+s18], $0x40, s6, s18, $0xb8;
	[tilespmem:$0x15900] =	vst v63  }
0xca: {  	_ =	swait.ge [sflag:s15], $0x2000  }
0xcb: {  	s5 =	rddreg [dreg:$0x5];
	[sflag:s15] =	ssyncset.done $0x0  }
0xcc: {  	[sflag:s15] =	ssyncadd.s32 $0xFFFFE000;
	s29 =	sadd.s32 s24, s5;
	s5 =	simm.s32 $0xF900  }
0xcd: {  	[hbm4b:s29+s3] =	stream.linear.scatter [tilespmem:s5], [sflag:$0x12], $0x2000, $0x38;
	[tilespmem:$0x15900] =	vst v63  }
0xce: {  	_ =	swait.ge [sflag:s16], $0x2000  }
0xcf: {  	[sflag:s16] =	ssyncset.done $0x0  }
0xd0: {  	s6 =	sadd.s32 $0x880, s26;
	[sflag:s16] =	ssyncadd.s32 $0xFFFFE000  }
0xd1: {  	[tilespmem:s5], [sflag:$0x8] =	stream.indirect.gather [hbm4b:s4+s18], $0x40, s6, s18, $0xb8;
	[tilespmem:$0x15900] =	vst v63  }
0xd2: {  	_ =	swait.ge [sflag:s17], $0x2000  }
0xd3: {  	s5 =	rddreg [dreg:$0x4];
	[sflag:s17] =	ssyncset.done $0x0  }
0xd4: {  	s6 =	simm.s32 $0x11900;
	[sflag:s17] =	ssyncadd.s32 $0xFFFFE000;
	s29 =	sadd.s32 s24, s5  }
0xd5: {  	[hbm4b:s29+s3] =	stream.linear.scatter [tilespmem:s6], [sflag:$0x13], $0x2000, $0x38;
	[tilespmem:$0x15900] =	vst v63  }
0xd6: {  	_ =	swait.ge [sflag:s2], $0x2000  }
0xd7: {  	p0 =	sne.s32 s22, $0x3C00;
	s22 =	sadd.s32 $0x1400, s22;
	[sflag:s2] =	ssyncset.done $0x0  }
0xd8: {  	s0 =	simm.s32 $0x3900;
	s29 =	sadd.s32 $0x900, s26;
	[sflag:s2] =	ssyncadd.s32 $0xFFFFE000  }
0xd9: {  	[tilespmem:s6], [sflag:$0x9] =	stream.indirect.gather [hbm4b:s4+s18], $0x40, s29, s18, $0xb8;
	[tilespmem:$0x15900] =	vst v63  }
0xda: {  	s23 =	simm.s32 $0x5900;
	s28 =	simm.s32 $0x7900;
	_ =	swait.ge [sflag:s19], $0x2000  }
0xdb: {  	s30 =	simm.s32 $0x9900;
	s6 =	rddreg [dreg:$0x3];
	[sflag:s19] =	ssyncset.done $0x0  }
.Ltmp0:
0xdc: {  	[sflag:s19] =	ssyncadd.s32 $0xFFFFE000;
	s29 =	sadd.s32 s24, s6;
	(pc) =	sbr.rel @p0 .LBB2_2-.Ltmp0, $4  }
0xdd: {  	[hbm4b:s29+s3] =	stream.linear.scatter [tilespmem:s7], [sflag:$0x14], $0x2000, $0x38;
	[tilespmem:$0x15900] =	vst v63  }
0xde: {  	s1 =	simm.s32 $0xB900;
	s21 =	simm.s32 $0xD900;
	_ =	swait.ge [sflag:s20], $0x2000  }
0xdf: {  	s25 =	simm.s32 $0xF900;
	s5 =	simm.s32 $0x11900;
	[sflag:s20] =	ssyncset.done $0x0  }
0xe0: {  	s26 =	sadd.s32 $0x980, s26;
	s24 =	sadd.s32 $0x2800, s24;
	[sflag:s20] =	ssyncadd.s32 $0xFFFFE000  }
0xe1: {  	s6 =	simm.s32 $0x13900;
	s7 =	simm.s32 $0x1  }
0xe2: {  	[tilespmem:s6], [sflag:$0xA] =	stream.indirect.gather [hbm4b:s4+s18], $0x40, s26, s18, $0xb8;
	[tilespmem:$0x15900] =	vst v63  }
0xe3: {  	_ =	swait.ge [sflag:s7], $0x2000  }
0xe4: {  	[sflag:s7] =	ssyncset.done $0x0  }
0xe5: {  	s24 =	simm.s32 $0x2;
	s22 =	rddreg [dreg:$0xe];
	[sflag:s7] =	ssyncadd.s32 $0xFFFFE000  }
0xe6: {  	[hbm4b:s22+s3] =	stream.linear.scatter [tilespmem:s31], [sflag:$0xB], $0x2000, $0x38;
	[tilespmem:$0x15900] =	vst v63  }
0xe7: {  	_ =	swait.ge [sflag:s24], $0x2000  }
0xe8: {  	[sflag:s24] =	ssyncset.done $0x0  }
0xe9: {  	s29 =	simm.s32 $0x3;
	s26 =	rddreg [dreg:$0xf];
	[sflag:s24] =	ssyncadd.s32 $0xFFFFE000  }
0xea: {  	[hbm4b:s26+s3] =	stream.linear.scatter [tilespmem:s0], [sflag:$0xC], $0x2000, $0x38;
	[tilespmem:$0x15900] =	vst v63  }
0xeb: {  	_ =	swait.ge [sflag:s29], $0x2000  }
0xec: {  	[sflag:s29] =	ssyncset.done $0x0  }
0xed: {  	s24 =	simm.s32 $0x4;
	s7 =	rddreg [dreg:$0x10];
	[sflag:s29] =	ssyncadd.s32 $0xFFFFE000  }
0xee: {  	[hbm4b:s7+s3] =	stream.linear.scatter [tilespmem:s23], [sflag:$0xD], $0x2000, $0x38;
	[tilespmem:$0x15900] =	vst v63  }
0xef: {  	_ =	swait.ge [sflag:s24], $0x2000  }
0xf0: {  	[sflag:s24] =	ssyncset.done $0x0  }
0xf1: {  	s26 =	rddreg [dreg:$0x11];
	[sflag:s24] =	ssyncadd.s32 $0xFFFFE000  }
0xf2: {  	[hbm4b:s26+s3] =	stream.linear.scatter [tilespmem:s28], [sflag:$0xE], $0x2000, $0x38;
	[tilespmem:$0x15900] =	vst v63  }
0xf3: {  	_ =	swait.ge [sflag:s9], $0x2000  }
0xf4: {  	[sflag:s9] =	ssyncset.done $0x0  }
0xf5: {  	s29 =	rddreg [dreg:$0x12];
	[sflag:s9] =	ssyncadd.s32 $0xFFFFE000  }
0xf6: {  	[hbm4b:s29+s3] =	stream.linear.scatter [tilespmem:s30], [sflag:$0xF], $0x2000, $0x38;
	[tilespmem:$0x15900] =	vst v63  }
0xf7: {  	_ =	swait.ge [sflag:s11], $0x2000  }
0xf8: {  	[sflag:s11] =	ssyncset.done $0x0  }
0xf9: {  	s0 =	rddreg [dreg:$0x13];
	[sflag:s11] =	ssyncadd.s32 $0xFFFFE000  }
0xfa: {  	[hbm4b:s0+s3] =	stream.linear.scatter [tilespmem:s1], [sflag:$0x10], $0x2000, $0x38;
	[tilespmem:$0x15900] =	vst v63  }
0xfb: {  	_ =	swait.ge [sflag:s13], $0x2000  }
0xfc: {  	[sflag:s13] =	ssyncset.done $0x0  }
0xfd: {  	s7 =	rddreg [dreg:$0x14];
	[sflag:s13] =	ssyncadd.s32 $0xFFFFE000  }
0xfe: {  	[hbm4b:s7+s3] =	stream.linear.scatter [tilespmem:s21], [sflag:$0x11], $0x2000, $0x38;
	[tilespmem:$0x15900] =	vst v63  }
0xff: {  	_ =	swait.ge [sflag:s15], $0x2000  }
0x100: {  	[sflag:s15] =	ssyncset.done $0x0  }
0x101: {  	s21 =	rddreg [dreg:$0x15];
	[sflag:s15] =	ssyncadd.s32 $0xFFFFE000  }
0x102: {  	[hbm4b:s21+s3] =	stream.linear.scatter [tilespmem:s25], [sflag:$0x12], $0x2000, $0x38;
	[tilespmem:$0x15900] =	vst v63  }
0x103: {  	_ =	swait.ge [sflag:s17], $0x2000  }
0x104: {  	[sflag:s17] =	ssyncset.done $0x0  }
0x105: {  	s23 =	rddreg [dreg:$0x16];
	[sflag:s17] =	ssyncadd.s32 $0xFFFFE000  }
0x106: {  	[hbm4b:s23+s3] =	stream.linear.scatter [tilespmem:s5], [sflag:$0x13], $0x2000, $0x38;
	[tilespmem:$0x15900] =	vst v63  }
0x107: {  	_ =	swait.ge [sflag:s19], $0x2000  }
0x108: {  	[sflag:s19] =	ssyncset.done $0x0  }
0x109: {  	s25 =	simm.s32 $0xB;
	s24 =	rddreg [dreg:$0x17];
	[sflag:s19] =	ssyncadd.s32 $0xFFFFE000  }
0x10a: {  	[hbm4b:s24+s3] =	stream.linear.scatter [tilespmem:s6], [sflag:$0x14], $0x2000, $0x38;
	[tilespmem:$0x15900] =	vst v63  }
0x10b: {  	_ =	swait.ge [sflag:s25], $0x2000  }
0x10c: {  	[sflag:s25] =	ssyncset.done $0x0  }
0x10d: {  	s26 =	simm.s32 $0xC;
	[sflag:s25] =	ssyncadd.s32 $0xFFFFE000  }
0x10e: {  	_ =	swait.ge [sflag:s26], $0x2000  }
0x10f: {  	[sflag:s26] =	ssyncset.done $0x0  }
0x110: {  	s28 =	simm.s32 $0xD;
	[sflag:s26] =	ssyncadd.s32 $0xFFFFE000  }
0x111: {  	_ =	swait.ge [sflag:s28], $0x2000  }
0x112: {  	[sflag:s28] =	ssyncset.done $0x0  }
0x113: {  	[sflag:s28] =	ssyncadd.s32 $0xFFFFE000  }
0x114: {  	_ =	swait.ge [sflag:s8], $0x2000  }
0x115: {  	[sflag:s8] =	ssyncset.done $0x0  }
0x116: {  	[sflag:s8] =	ssyncadd.s32 $0xFFFFE000  }
0x117: {  	_ =	swait.ge [sflag:s10], $0x2000  }
0x118: {  	[sflag:s10] =	ssyncset.done $0x0  }
0x119: {  	[sflag:s10] =	ssyncadd.s32 $0xFFFFE000  }
0x11a: {  	_ =	swait.ge [sflag:s12], $0x2000  }
0x11b: {  	[sflag:s12] =	ssyncset.done $0x0  }
0x11c: {  	[sflag:s12] =	ssyncadd.s32 $0xFFFFE000  }
0x11d: {  	_ =	swait.ge [sflag:s14], $0x2000  }
0x11e: {  	[sflag:s14] =	ssyncset.done $0x0  }
0x11f: {  	[sflag:s14] =	ssyncadd.s32 $0xFFFFE000  }
0x120: {  	_ =	swait.ge [sflag:s16], $0x2000  }
0x121: {  	[sflag:s16] =	ssyncset.done $0x0  }
0x122: {  	[sflag:s16] =	ssyncadd.s32 $0xFFFFE000  }
0x123: {  	_ =	swait.ge [sflag:s2], $0x2000  }
0x124: {  	[sflag:s2] =	ssyncset.done $0x0  }
0x125: {  	[sflag:s2] =	ssyncadd.s32 $0xFFFFE000  }
0x126: {  	_ =	swait.ge [sflag:s20], $0x2000  }
0x127: {  	s29 =	rddreg [dreg:$0x19]  }
0x128: {  	s30 =	rddreg [dreg:$0x18];
	s0 =	sadd.s32 $0x1, s29  }
0x129: {  	p0 =	sne.s32 s0, s30  }
.Ltmp1:
0x12a: {  	_ = 	snop;
	(pc) =	sbr.rel @p0 .LBB2_1-.Ltmp1, $3  }
0x12b: {  	_ =	sdelay $0x1  }
0x12c: {  	[sflag:s20] =	ssyncset.done $0x0  }
0x12d: {  	[sflag:s20] =	ssyncadd.s32 $0xFFFFE000  }
0x12e: {  	_ =	sfence.sel $0x180000  }
0x12f: {  	[bflag:$0x0] =	sbarrier.arrive $0xFFFF  }
0x130: {  	_ =	strace $0x90000047  }
0x131: {  	s0 =	stileid.u32;
	[bflag:$0x2] =	sbarrier.arrive $0xFFFF  }
0x132: {  	p0 =	sne.s32 s0, $0x0;
	s0 =	rddreg [dreg:$0x2]  }
0x133: {  	s0 =	sadd.s32 @!p0 $0x100000, s0  }
0x134: {  	[sflag:s0] =	ssyncadd.tile.s32 @!p0 $0x1;
	_ =	shalt  }
.Lfunc_end2:
_tile_overlayer_lowered:
.L_overlay_start_2:
0x135: {  	(tag) =	ssettag $0x2  }
0x136: {  	s0 =	rddreg [dreg:$0x0];
	s2 =	stileid.u32  }
0x137: {  	s1 =	rddreg [dreg:$0x1];
	p0 =	sne.s32 s2, $0x0  }
0x138: {  	s3 =	rddreg [dreg:$0x2];
	[bflag:$0x3] =	sbarrier.arrive $0xFFFF;
	s2 =	simm.s32 @!p0 $0x1C15  }
0x139: {  	[timem:s3], [sflag:s2] =	dma.local @!p0 [hbm:s0], s1  }
0x13a: {  	s0 =	simm.s32 @!p0 $0x15  }
0x13b: {  	_ =	swait.ge @!p0 [sflag:s0], s1  }
0x13c: {  	s1 =	ssub.s32 @!p0 $0x0, s1;
	[sflag:s0] =	ssyncset.done @!p0 $0x0  }
0x13d: {  	[sflag:s0] =	ssyncadd.s32 @!p0 s1  }
0x13e: {  	[bflag:$0x3] =	sbarrier.arrive $0xFFFF  }
0x13f: {  	_ =	shalt  }

// kernel: sparse-core-data-format-call.cloned.1.call-start
scs
called_computation_lowered:
.L_overlay_start_0:
0x0: {  	s2 =	sld [smem:$0x3FD9]  }
0x1: {  	s3 =	sld [smem:$0x3FFE];
	_ =	sdelay $0x1  }
0x2: {  	s1 =	srdreg.scid  }
0x3: {  	s0 =	sand.u32 $0x1, s1  }
0x4: {  	s18 =	sshll.u32 s0, $0xA;
	s2 =	sadd.s32 s3, s2  }
0x5: {  	s2 =	sadd.s32 s2, s18  }
0x6: {  	[smem:$0x3FC6] =	sst s2  }
0x7: {  	_ = 	snop  }
0x8: {  	s2 =	sld [smem:$0x3FD0];
	(tm) =	ssettm $0x1  }
0x9: {  	s19 =	sld [smem:$0x3FFB];
	_ =	sdelay $0x3  }
0xa: {  	_ =	strace s19  }
0xb: {  	s3 =	sld [smem:$0x3FFC];
	_ =	sdelay $0x3  }
0xc: {  	_ =	strace s3  }
0xd: {  	s3 =	sld [smem:$0x3FFD];
	_ =	sdelay $0x3  }
0xe: {  	_ =	strace s3  }
0xf: {  	_ =	strace $0x8FFFFFFF  }
0x10: {  	s20 =	sld [smem:$0x3FDB];
	_ =	sdelay $0x1  }
0x11: {  	s4 =	simm.s32 $_scs_section_size  }
0x12: {  	s5 =	simm.s32 $_size__tile_overlayer_lowered;
	s6 =	simm.s32 $_tile_overlayer_lowered  }
0x13: {  	s23 =	simm.s32 $0x1BFF;
	s22 =	sshll.u32 s6, $0x1;
	s3 =	sadd.s32 s4, s20  }
0x14: {  	s7 =	simm.s32 $0x0;
	s21 =	sshll.u32 s5, $0x1;
	s5 =	sadd.s32 s22, s3  }
0x15: {  	[timem:s7], [sflag:s23] =	dma.local [hbm:s5], s21  }
0x16: {  	_ =	swait.ge [sflag:s23], s21  }
0x17: {  	s4 =	ssub.s32 $0x0, s21;
	[sflag:s23] =	ssyncset.done $0x0  }
0x18: {  	[sflag:s23] =	ssyncadd.s32 s4;
	_ =	sdelay $0x1  }
0x19: {  	s24 =	simm.s32 $0x1B8B  }
0x1a: {  	_ =	swait.ge [sflag:s24], $0x1  }
0x1b: {  	[sflag:s24] =	ssyncset.done $0x0  }
0x1c: {  	s26 =	simm.s32 $0x1B8E;
	s25 =	sld [smem:$0x3FFE];
	[sflag:s24] =	ssyncadd.s32 $0xFFFFFFFF  }
0x1d: {  	s27 =	simm.s32 $execute0_lowered;
	[smem:$0x3FD2] =	sst s26  }
0x1e: {  	s5 =	sshll.u32 s27, $0x1;
	_ =	strace $0x80000049;
	[dreg:$0x1] =	wrdreg $0xFFFFFFFF  }
0x1f: {  	s28 =	simm.s32 $_size_execute0_lowered;
	s3 =	sadd.s32 s3, s5;
	[dreg:$0x0] =	wrdreg $0x0  }
0x20: {  	s5 =	sshll.u32 s28, $0x1;
	[dreg:$0x2] =	wrdreg s3  }
0x21: {  	[dreg:$0x3] =	wrdreg s5  }
0x22: {  	[dreg:$0x4] =	wrdreg $0xC0  }
0x23: {  	_ =	task [dreg:s7], $0x5FFFF  }
0x24: {  	[dreg:$0x1] =	wrdreg $0xFFFFFFFF  }
0x25: {  	[dreg:$0x0] =	wrdreg $0x60  }
0x26: {  	[dreg:$0x2] =	wrdreg s25  }
0x27: {  	[dreg:$0x3] =	wrdreg s2  }
0x28: {  	[dreg:$0x4] =	wrdreg $0x9  }
0x29: {  	_ =	task.clear_ibuf [dreg:s7], $0x5FFFF;
	_ =	strace $0x90000049  }
0x2a: {  	s29 =	simm.s32 $0x9;
	_ =	strace $0x8000004B  }
0x2b: {  	_ =	swait.ge [sflag:s29], $0x1  }
0x2c: {  	[sflag:s29] =	ssyncadd.s32 $0xFFFFFFFF  }
0x2d: {  	_ =	strace $0x9000004B  }
0x2e: {  	_ =	sfence  }
0x2f: {  	s30 =	sld [smem:$0x0];
	_ =	sdelay $0x2  }
0x30: {  	s31 =	sshll.u32 s1, $0xD;
	s1 =	sshrl.u32 s1, $0x2  }
0x31: {  	s3 =	sand.u32 $0x4000, s31;
	s1 =	sadd.s32 s1, s30  }
0x32: {  	s0 =	sor.u32 s3, s0;
	s1 =	sshll.u32 s1, $0x11  }
0x33: {  	s0 =	sor.u32 s1, s0  }
0x34: {  	s0 =	sadd.s32 $0x8F2B, s0  }
0x35: {  	[sflag:s0] =	ssyncadd.remote.s32 $0x1  }
0x36: {  	_ =	sfence.sel $0xFFFF  }
0x37: {  	[dreg:$0x0] =	wrdreg $0xFFFFFFFF;
	(pc) =	sbr.abs _section_cstart, $3  }
0x38: {  	[dreg:$0x1] =	wrdreg $0xFFFFFFFF  }
0x39: {  	_ =	task.clear_ibuf [dreg:s7], $0x2FFFF;
	_ =	strace $0x9FFFFFFF  }
0x3a: {  	(tm) =	ssettm $0x7FFFFFFF  }
0x3b: {  	_ =	shalt  }
tec
execute0_lowered:
.L_overlay_start_1:
0x0: {  	(tag) =	ssettag $0x1  }
0x1: {  	s0 =	srdreg.scid  }
0x2: {  	s1 =	sshll.u32 s0, $0x4  }
0x3: {  	s0 =	stileid.u32;
	s1 =	sand.u32 $0x10, s1  }
0x4: {  	s1 =	sor.u32 s0, s1  }
0x5: {  	s6 =	rddreg [dreg:$0x0];
	s4 =	simm.s32 $0x1;
	s2 =	sshll.u32 s1, $0x7  }
0x6: {  	s7 =	simm.s32 $0x2;
	s12 =	simm.s32 $0x0;
	s1 =	ssub.s32 $0x1000, s2  }
0x7: {  	s8 =	simm.s32 $0x8000;
	s13 =	simm.s32 $0x0;
	s3 =	sand.u32 $0xF80, s1  }
0x8: {  	s9 =	simm.s32 $0x0;
	s5 =	sshrl.u32 s1, $0xC;
	p0 =	sne.s32 s3, $0x0  }
.Ltmp0:
0x9: {  	s1 =	rddreg [dreg:$0x2];
	s4 =	simm.s32 @!p0 $0x0;
	(pc) =	sbr.rel .LBB1_1-.Ltmp0, $4  }
0xa: {  	s11 =	simm.s32 $0x0;
	s3 =	rddreg [dreg:$0x1];
	s5 =	sadd.s32 s4, s5  }
0xb: {  	_ =	strace $0x8000004A;
	s4 =	simm.s32 $0x1;
	s5 =	smul.u32 $0x32, s5  }
0xc: {  	s6 =	sadd.s32 $0xA00, s6;
	s10 =	smov.u32 s2;
	[sflag:s4] =	ssyncpa.u1 $0x0  }
0xd: {  	p0 =	por $0x0, $0x0;
	[sflag:s7] =	ssyncpa.u1 $0x0;
	s7 =	sor.u32 $0x1, s5  }
.LBB1_4:
0xe: {  	s16 =	sshll.u32 s13, $0x3;
	s17 =	sand.u32 $0x78, s13  }
0xf: {  	s30 =	sand.u32 $0x7E00, s13;
	s12 =	sshll.u32 s12, $0xF;
	s16 =	sand.u32 $0xC00, s16  }
0x10: {  	[tilespmem:s15+$0x810 ss:$0x81] =	vst.msk $0xffff, v2;
	s31 =	sand.u32 $0x7, s13;
	s16 =	sor.u32 s17, s16;
	s17 =	sadd.s32 s3, s30  }
0x11: {  	[tilespmem:s15+$0x1020 ss:$0x81] =	vst.msk $0xffff, v0;
	s13 =	sshll.u32 s31, $0x12;
	s12 =	sadd.s32 s12, s17;
	s16 =	sshrl.u32 s16, $0x3  }
0x12: {  	[tilespmem:s15+$0x0 ss:$0x81] =	vst.msk $0xffff, v1;
	s13 =	sor.u32 $0x400, s13;
	s12 =	sadd.s32 s16, s12  }
0x13: {  	[hbm4b:s12+s13] =	stream.strided.scatter [tilespmem:s14], [sflag:$0x2], $0x2000, s8, s13, $0x20;
	[tilespmem:$0x8080] =	vst v63  }
.LBB1_5:
0x14: {  	s14 =	sadd.s32 $0x1, s9  }
0x15: {  	s12 =	sadd.s32 $0x1000, s10;
	s16 =	smov.u32 s10;
	p2 =	sgt.s32 s14, $0x31  }
0x16: {  	s16 =	smov.u32 @p2 s12  }
0x17: {  	s14 =	simm.s32 @p2 $0x0;
	p2 =	sgt.s32 s16, $0xFFF  }
0x18: {  	s16 =	smov.u32 @p2 s2;
	p2 =	sne.s32 s11, s7  }
.Ltmp1:
0x19: {  	p1 =	slt.u32 s11, $0x2;
	(pc) =	sbr.rel @!p2 .LBB1_6-.Ltmp1, $4  }
0x1a: {  	s15 =	simm.s32 @!p1 $0x2  }
0x1b: {  	s13 =	smov.u32 s10;
	p0 =	por !p0, !p0;
	_ =	swait.ge @!p1 [sflag:s15], $0x2000  }
0x1c: {  	s12 =	smov.u32 s9;
	[sflag:s15] =	ssyncset.done @!p1 $0x0;
	s9 =	smov.u32 s14  }
0x1d: {  	s11 =	sadd.s32 $0x1, s11;
	[sflag:s15] =	ssyncadd.s32 @!p1 $0xFFFFE000;
	s10 =	smov.u32 s16  }
.LBB1_1:
0x1e: {  	p1 =	sge.u32 s11, s5  }
0x1f: {  	s14 =	sand.u32 @!p1 $0x1FFFFFF, s9  }
0x20: {  	s15 =	smulhi.u32 @!p1 $0x4924925, s14;
	_ =	sdelay $0x1  }
0x21: {  	s15 =	smul.u32 @!p1 $0x38, s15  }
0x22: {  	s16 =	sxor.u32 @!p1 $0xFFFFFFFF, s11;
	s17 =	smul.u32 @!p1 $0x380, s10  }
0x23: {  	s31 =	sadd.s32 $0xFFFFFFFF, s11;
	s16 =	sshll.u32 @!p1 s16, $0xD;
	s14 =	ssub.s32 @!p1 s14, s15  }
0x24: {  	s15 =	sand.u32 @!p1 $0x2000, s16;
	s16 =	sadd.s32 @!p1 s6, s17;
	s14 =	sshll.u32 @!p1 s14, $0x4  }
0x25: {  	s17 =	simm.s32 @!p1 $0x1C00;
	s14 =	sadd.s32 @!p1 s14, s16;
	s16 =	simm.s32 @!p1 $0x40  }
0x26: {  	[tilespmem:s15], [sflag:$0x1] =	stream.strided.gather @!p1 [hbm4b:s14+s16], $0x2000, s17, s16, $0x38;
	[tilespmem:$0x8080] =	vst v63  }
0x27: {  	p1 =	sge.u32 s31, s5  }
.Ltmp2:
0x28: {  	_ = 	snop;
	(pc) =	sbr.rel @p1 .LBB1_5-.Ltmp2, $1  }
0x29: {  	_ =	sdelay $0x3  }
0x2a: {  	s14 =	simm.s32 $0x1  }
0x2b: {  	_ =	swait.ge [sflag:s4], $0x2000;
	s14 =	simm.s32 @!p0 $0x0  }
0x2c: {  	[sflag:s4] =	ssyncset.done $0x0;
	s15 =	sshll.u32 s14, $0xD  }
0x2d: {  	[sflag:s4] =	ssyncadd.s32 $0xFFFFE000;
	s18 =	sor.u32 $0x20, s15  }
0x2e: {  	s14 =	smul.u32 $0x8100, s14;
	v3 =	vld [tilespmem:s18+$0x10]  }
0x2f: {  	s30 =	sand.u32 $0x1, s11;
	v2 =	vld [tilespmem:s18+$0xFFFFFFF0]  }
0x30: {  	s15 =	smul.u32 $0x8100, s30;
	s14 =	sshrl.u32 s14, $0x2;
	v0 =	vld [tilespmem:s18+$0x0]  }
0x31: {  	v1 =	vld [tilespmem:s18+$0xFFFFFFE0];
	s16 =	sor.u32 $0x4000, s14  }
0x32: {  	s31 =	sshrl.u32 s15, $0x2;
	s15 =	sadd.s32 $0x0, s16  }
0x33: {  	s17 =	simm.s32 $0x4;
	s18 =	sadd.s32 $0x40, s18;
	s14 =	sor.u32 $0x4000, s31;
	[tilespmem:s15+$0x1830 ss:$0x81] =	vst.msk $0xffff, v3  }
.LBB1_3:
0x34: {  	v3 =	vld [tilespmem:s18+$0x10];
	p1 =	sne.s32 s17, $0x1FC;
	[tilespmem:s15+$0x810 ss:$0x81] =	vst.msk $0xffff, v2;
	s19 =	smov.u32 s17;
	s17 =	sadd.s32 $0x4, s17  }
.Ltmp3:
0x35: {  	v2 =	vld [tilespmem:s18+$0xFFFFFFF0];
	[tilespmem:s15+$0x1020 ss:$0x81] =	vst.msk $0xffff, v0;
	(pc) =	sbr.rel @p1 .LBB1_3-.Ltmp3, $4  }
0x36: {  	v0 =	vld [tilespmem:s18+$0x0];
	[tilespmem:s15+$0x0 ss:$0x81] =	vst.msk $0xffff, v1  }
0x37: {  	s15 =	sshra.s32 s19, $0x2;
	v1 =	vld [tilespmem:s18+$0xFFFFFFE0]  }
0x38: {  	s15 =	sadd.s32 s15, s16  }
0x39: {  	s18 =	sadd.s32 $0x40, s18;
	[tilespmem:s15+$0x1830 ss:$0x81] =	vst.msk $0xffff, v3  }
.Ltmp4:
0x3a: {  	_ = 	snop;
	(pc) =	sbr.rel .LBB1_4-.Ltmp4, $1  }
0x3b: {  	_ =	sdelay $0x3  }
.LBB1_6:
0x3c: {  	_ =	sfence.sel $0x180000  }
0x3d: {  	s2 =	simm.s32 $0x1;
	[bflag:$0x0] =	sbarrier.arrive $0xFFFF  }
0x3e: {  	s31 =	simm.s32 $0x2;
	[sflag:s2] =	ssyncpa.u1 $0x1  }
0x3f: {  	[sflag:s31] =	ssyncpa.u1 $0x1  }
0x40: {  	p0 =	sne.s32 s0, $0x0;
	_ =	strace $0x9000004A  }
0x41: {  	s0 =	sadd.s32 @!p0 $0x100000, s1;
	[bflag:$0x2] =	sbarrier.arrive $0xFFFF  }
0x42: {  	[sflag:s0] =	ssyncadd.tile.s32 @!p0 $0x1;
	_ =	shalt  }
.Lfunc_end1:
_tile_overlayer_lowered:
.L_overlay_start_2:
0x43: {  	(tag) =	ssettag $0x2  }
0x44: {  	s0 =	rddreg [dreg:$0x0];
	s2 =	stileid.u32  }
0x45: {  	s1 =	rddreg [dreg:$0x1];
	p0 =	sne.s32 s2, $0x0  }
0x46: {  	s3 =	rddreg [dreg:$0x2];
	[bflag:$0x3] =	sbarrier.arrive $0xFFFF;
	s2 =	simm.s32 @!p0 $0x1C01  }
0x47: {  	[timem:s3], [sflag:s2] =	dma.local @!p0 [hbm:s0], s1  }
0x48: {  	s0 =	simm.s32 @!p0 $0x1  }
0x49: {  	_ =	swait.ge @!p0 [sflag:s0], s1  }
0x4a: {  	s1 =	ssub.s32 @!p0 $0x0, s1;
	[sflag:s0] =	ssyncset.done @!p0 $0x0  }
0x4b: {  	[sflag:s0] =	ssyncadd.s32 @!p0 s1  }
0x4c: {  	[bflag:$0x3] =	sbarrier.arrive $0xFFFF  }
0x4d: {  	_ =	shalt  }

</sc_bundles>
